<compile_context>
chip_gen: v7x
topology: tpu7x:2x2x1
jax: 0.10.2.dev20260603
libtpu: 0.0.44.dev20260713+nightly
codegen_flags: <defaults>
</compile_context>

<pallas_src>
import functools

import jax
import jax.numpy as jnp
from jax import lax
from jax.experimental import pallas as pl
from jax.experimental.pallas import tpu as pltpu
from jax.experimental.pallas import tpu_sc as plsc

NEG_POS_RATIO = 3
OVERLAP_THRESH = 0.5
V0, V1 = 0.1, 0.2
AR, AC = 512, 128
NOBJ = 16
B = 32

SC_CHUNK = 16384
SC_NCHUNK = (AR * AC) // SC_CHUNK


def _sc_conf_sums_body(conf_hbm, out_hbm, b0a, b0b, b1a, b1b, orow,
                       sem_a, sem_b):
    wid = lax.axis_index("s") * 2 + lax.axis_index("c")
    base = wid * (2 * AR * AC)

    bufs = [(b0a, b1a, sem_a), (b0b, b1b, sem_b)]

    def start(ch):
        b0, b1, sem = bufs[ch % 2]
        h0 = pltpu.async_copy(
            conf_hbm.at[pl.ds(base + ch * SC_CHUNK, SC_CHUNK)], b0, sem)
        h1 = pltpu.async_copy(
            conf_hbm.at[pl.ds(base + AR * AC + ch * SC_CHUNK, SC_CHUNK)],
            b1, sem)
        return h0, h1

    acc_lse = jnp.zeros((16,), jnp.float32)
    acc_x0 = jnp.zeros((16,), jnp.float32)
    pend = start(0)
    for ch in range(SC_NCHUNK):
        if ch + 1 < SC_NCHUNK:
            nxt = start(ch + 1)
        pend[0].wait()
        pend[1].wait()
        b0, b1, _ = bufs[ch % 2]

        def body(i, accs):
            al, ax = accs
            x0 = b0[pl.ds(i * 16, 16)]
            x1 = b1[pl.ds(i * 16, 16)]
            m01 = jnp.maximum(x0, x1)
            z = jnp.exp(jnp.minimum(x0, x1) - m01)
            t = z / (2.0 + z)
            t2 = t * t
            p = t2 * jnp.float32(1.0 / 11.0) + jnp.float32(1.0 / 9.0)
            p = p * t2 + jnp.float32(1.0 / 7.0)
            p = p * t2 + jnp.float32(1.0 / 5.0)
            p = p * t2 + jnp.float32(1.0 / 3.0)
            p = p * t2 + 1.0
            lse = m01 + 2.0 * t * p
            return (al + lse, ax + x0)

        acc_lse, acc_x0 = lax.fori_loop(0, SC_CHUNK // 16, body,
                                        (acc_lse, acc_x0))
        if ch + 1 < SC_NCHUNK:
            pend = nxt
    orow[pl.ds(0, 16)] = acc_lse
    orow[pl.ds(16, 16)] = acc_x0
    pltpu.sync_copy(orow, out_hbm.at[pl.ds(wid * 32, 32)])


@functools.lru_cache(maxsize=1)
def _sc_conf_sums():
    return pl.kernel(
        _sc_conf_sums_body,
        out_type=jax.ShapeDtypeStruct((B * 32,), jnp.float32),
        mesh=plsc.VectorSubcoreMesh(core_axis_name="c", subcore_axis_name="s"),
        scratch_types=[
            pltpu.VMEM((SC_CHUNK,), jnp.float32),
            pltpu.VMEM((SC_CHUNK,), jnp.float32),
            pltpu.VMEM((SC_CHUNK,), jnp.float32),
            pltpu.VMEM((SC_CHUNK,), jnp.float32),
            pltpu.VMEM((32,), jnp.float32),
            pltpu.SemaphoreType.DMA,
            pltpu.SemaphoreType.DMA,
        ],
    )


CR = 32
NCHUNK = AR // CR


def _loss_kernel(tgt_ref, anch_ref, lp_ref, cp_ref, out_ref,
                 bto_s, mlo_s, mhi_s):
    t_lo = [tgt_ref[0, j, 0] for j in range(NOBJ)]
    t_hi = [tgt_ref[0, j, 1] for j in range(NOBJ)]

    rows8 = jax.lax.broadcasted_iota(jnp.int32, (CR, AC), 0)
    cols8 = jax.lax.broadcasted_iota(jnp.int32, (CR, AC), 1)
    lin0 = rows8 * AC + cols8

    def phase_a(i, keys):
        r0 = i * CR
        a_cx = anch_ref[0, pl.ds(r0, CR), :]
        a_w = anch_ref[1, pl.ds(r0, CR), :]
        a_lo = a_cx - a_w / 2.0
        a_hi = a_cx + a_w / 2.0
        len_a = a_hi - a_lo
        inv_lin = (65535 - i * (CR * AC)) - lin0
        bto = jnp.zeros((CR, AC), jnp.float32)
        m_lo = jnp.full((CR, AC), t_lo[0], jnp.float32)
        m_hi = jnp.full((CR, AC), t_hi[0], jnp.float32)
        keys = list(keys)
        for j in range(NOBJ):
            inter = jnp.maximum(
                jnp.minimum(t_hi[j], a_hi) - jnp.maximum(t_lo[j], a_lo), 0.0)
            union = (t_hi[j] - t_lo[j]) + len_a - inter
            iou = inter / union
            key = (iou * 16384.0).astype(jnp.int32) * 65536 + inv_lin
            k2 = jnp.maximum(key[:16, :], key[16:, :])
            keys[j] = jnp.maximum(keys[j],
                                  jnp.maximum(k2[:8, :], k2[8:, :]))
            upd = iou > bto
            bto = jnp.where(upd, iou, bto)
            m_lo = jnp.where(upd, t_lo[j], m_lo)
            m_hi = jnp.where(upd, t_hi[j], m_hi)
        bto_s[pl.ds(r0, CR), :] = bto
        mlo_s[pl.ds(r0, CR), :] = m_lo
        mhi_s[pl.ds(r0, CR), :] = m_hi
        return tuple(keys)

    keys0 = tuple(jnp.full((8, AC), -2**31, jnp.int32) for _ in range(NOBJ))
    keys = jax.lax.fori_loop(0, NCHUNK, phase_a, keys0)
    bpi = [65535 - (jnp.max(keys[j]) & 0xFFFF) for j in range(NOBJ)]

    def phase_b(i, accs):
        acc_ll, acc_conf, acc_np = accs
        r0 = i * CR
        bto = bto_s[pl.ds(r0, CR), :]
        m_lo = mlo_s[pl.ds(r0, CR), :]
        m_hi = mhi_s[pl.ds(r0, CR), :]
        lin = i * (CR * AC) + lin0
        forced = jnp.zeros((CR, AC), jnp.bool_)
        for j in range(NOBJ):
            hit = lin == bpi[j]
            forced = forced | hit
            m_lo = jnp.where(hit, t_lo[j], m_lo)
            m_hi = jnp.where(hit, t_hi[j], m_hi)
        pos = forced | (bto >= OVERLAP_THRESH)
        posf = pos.astype(jnp.float32)

        a_cx = anch_ref[0, pl.ds(r0, CR), :]
        a_w = anch_ref[1, pl.ds(r0, CR), :]
        g_cx = ((m_lo + m_hi) / 2.0 - a_cx) / (V0 * a_w)
        g_w = jnp.log(jnp.maximum((m_hi - m_lo) / a_w, 1e-10)) / V1
        d0 = lp_ref[0, 0, pl.ds(r0, CR), :] - g_cx
        d1 = lp_ref[0, 1, pl.ds(r0, CR), :] - g_w
        ad0 = jnp.abs(d0)
        ad1 = jnp.abs(d1)
        sl1 = (jnp.where(ad0 < 1.0, 0.5 * d0 * d0, ad0 - 0.5) +
               jnp.where(ad1 < 1.0, 0.5 * d1 * d1, ad1 - 0.5))
        acc_ll = acc_ll + sl1 * posf

        x0 = cp_ref[0, 0, pl.ds(r0, CR), :]
        x1 = cp_ref[0, 1, pl.ds(r0, CR), :]
        acc_conf = acc_conf + jnp.where(pos, x0 - x1, 0.0)
        acc_np = acc_np + posf
        return (acc_ll, acc_conf, acc_np)

    z8 = jnp.zeros((CR, AC), jnp.float32)
    acc_ll, acc_conf, acc_np = jax.lax.fori_loop(0, NCHUNK, phase_b,
                                                 (z8, z8, z8))
    loss_l = jnp.sum(acc_ll)
    num_pos = jnp.sum(acc_np).astype(jnp.int32)
    num_neg = jnp.minimum(NEG_POS_RATIO * num_pos, AR * AC - num_pos)
    need_search = num_neg < AR * AC - num_pos

    def conf_common():
        return jnp.sum(acc_conf)

    def conf_search():
        bto = bto_s[...]
        rows = jax.lax.broadcasted_iota(jnp.int32, (AR, AC), 0)
        cols = jax.lax.broadcasted_iota(jnp.int32, (AR, AC), 1)
        lin = rows * AC + cols
        forced = jnp.zeros((AR, AC), jnp.bool_)
        for j in range(NOBJ):
            forced = forced | (lin == bpi[j])
        pos = forced | (bto >= OVERLAP_THRESH)
        x0 = cp_ref[0, 0]
        x1 = cp_ref[0, 1]
        m01 = jnp.maximum(x0, x1)
        lse = m01 + jnp.log(1.0 + jnp.exp(jnp.minimum(x0, x1) - m01))
        ce = lse - jnp.where(pos, x1, x0)
        ce_pos = jnp.sum(jnp.where(pos, ce, 0.0))
        proxy = jnp.where(pos, 0.0, ce)
        bits = jax.lax.bitcast_convert_type(proxy, jnp.int32)

        def bs_body(_, lo_hi):
            lo, hi = lo_hi
            mid = lo + (hi - lo) // 2
            cnt = jnp.sum((bits > mid).astype(jnp.int32))
            take = cnt >= num_neg
            return (jnp.where(take, mid, lo), jnp.where(take, hi, mid))

        _, kth = jax.lax.fori_loop(0, 31, bs_body,
                                   (jnp.int32(0), jnp.int32(2**31 - 1)))
        kth_val = jax.lax.bitcast_convert_type(kth, jnp.float32)
        gt = bits > kth
        sum_gt = jnp.sum(jnp.where(gt, proxy, 0.0))
        cnt_gt = jnp.sum(gt.astype(jnp.int32))
        return ce_pos + sum_gt + (num_neg - cnt_gt).astype(jnp.float32) * kth_val

    conf_tc = jax.lax.cond(need_search, conf_search, conf_common)

    lane = jax.lax.broadcasted_iota(jnp.int32, (1, 128), 1)
    row = (jnp.where(lane == 0, loss_l, 0.0) +
           jnp.where(lane == 1, conf_tc, 0.0) +
           jnp.where(lane == 2, need_search.astype(jnp.float32), 0.0) +
           jnp.where(lane == 3, num_pos.astype(jnp.float32), 0.0))
    out_ref[...] = row.reshape(1, 1, 128)


@jax.jit
def kernel(loc_pred, conf_pred, anchors, targets):
    lp = loc_pred.transpose(0, 2, 1).reshape(B, 2, AR, AC)
    cp = conf_pred.transpose(0, 2, 1).reshape(B, 2, AR, AC)
    anch = anchors.T.reshape(2, AR, AC)
    cp_flat = cp.reshape(B * 2 * AR * AC)

    sc_sums = _sc_conf_sums()(cp_flat).reshape(B, 32)
    s_lse = jnp.sum(sc_sums[:, :16], axis=1)
    s_x0 = jnp.sum(sc_sums[:, 16:], axis=1)

    parts = pl.pallas_call(
        _loss_kernel,
        grid=(B,),
        in_specs=[
            pl.BlockSpec((1, NOBJ, 3), lambda b: (b, 0, 0),
                         memory_space=pltpu.SMEM),
            pl.BlockSpec((2, AR, AC), lambda b: (0, 0, 0)),
            pl.BlockSpec((1, 2, AR, AC), lambda b: (b, 0, 0, 0)),
            pl.BlockSpec((1, 2, AR, AC), lambda b: (b, 0, 0, 0)),
        ],
        out_specs=pl.BlockSpec((1, 1, 128), lambda b: (b, 0, 0)),
        out_shape=jax.ShapeDtypeStruct((B, 1, 128), jnp.float32),
        scratch_shapes=[
            pltpu.VMEM((AR, AC), jnp.float32),
            pltpu.VMEM((AR, AC), jnp.float32),
            pltpu.VMEM((AR, AC), jnp.float32),
        ],
    )(targets, anch, lp, cp)

    loss_l = jnp.sum(parts[:, 0, 0])
    flag = parts[:, 0, 2] > 0.5
    conf_b = parts[:, 0, 1] + jnp.where(flag, 0.0, s_lse - s_x0)
    loss_c = jnp.sum(conf_b)
    total = jnp.sum(parts[:, 0, 3])
    return (loss_l / total, loss_c / total)

# --- scband reference (transcript-rebuilt; emitter-appended) ---
"""Pipeline reference for scband-cpdloss-14843406975338 (READ-ONLY COPY).

The authoritative reference and input builder live on the scoring server;
editing this copy changes nothing except your own understanding.
"""

import jax, jax.numpy as jnp
import numpy as np

OVERLAP_THRESH = 0.5
NEG_POS_RATIO = 3
VARIANCE = (0.1, 0.2)


def point_form(anchors):
    return jnp.stack([anchors[:, 0] - anchors[:, 1] / 2.0,
                      anchors[:, 0] + anchors[:, 1] / 2.0], axis=1)


def jaccard_1d(truths, anchors_pt):
    lo = jnp.maximum(truths[:, None, 0], anchors_pt[None, :, 0])
    hi = jnp.minimum(truths[:, None, 1], anchors_pt[None, :, 1])
    inter = jnp.clip(hi - lo, 0.0, None)
    len_t = (truths[:, 1] - truths[:, 0])[:, None]
    len_a = (anchors_pt[:, 1] - anchors_pt[:, 0])[None, :]
    union = len_t + len_a - inter
    return inter / jnp.maximum(union, 1e-10)


def encode(matched, anchors, variance):
    g_cx = ((matched[:, 0] + matched[:, 1]) / 2.0 - anchors[:, 0]) / (variance[0] * anchors[:, 1])
    g_w = jnp.log(jnp.maximum((matched[:, 1] - matched[:, 0]) / anchors[:, 1], 1e-10)) / variance[1]
    return jnp.stack([g_cx, g_w], axis=1)


def match_single(truths, labels, anchors):
    overlaps = jaccard_1d(truths, point_form(anchors))  # [Nobj, A]
    best_prior_idx = jnp.argmax(overlaps, axis=1)       # [Nobj]
    best_truth_overlap = jnp.max(overlaps, axis=0)      # [A]
    best_truth_idx = jnp.argmax(overlaps, axis=0)       # [A]
    best_truth_overlap = best_truth_overlap.at[best_prior_idx].set(2.0)
    best_truth_idx = best_truth_idx.at[best_prior_idx].set(jnp.arange(truths.shape[0]))
    matched = truths[best_truth_idx]                    # gather [A,2]
    conf = labels[best_truth_idx].astype(jnp.int32)
    conf = jnp.where(best_truth_overlap < OVERLAP_THRESH, 0, conf)
    loc = encode(matched, anchors, VARIANCE)
    return loc, conf


def log_sum_exp(x):
    x_max = jnp.max(x)
    return jnp.log(jnp.sum(jnp.exp(x - x_max), axis=1, keepdims=True)) + x_max


def smooth_l1(x):
    ax = jnp.abs(x)
    return jnp.where(ax < 1.0, 0.5 * x * x, ax - 0.5)


def setup_inputs(seed: int = 0) -> dict:
    key = jax.random.key(seed)
    k1, k2, k3, k4, k5, k6 = jax.random.split(key, 6)
    B, A, NOBJ = 32, 65536, 16
    loc_pred = jax.random.normal(k1, (B, A, 2), dtype=jnp.float32)
    conf_pred = jax.random.normal(k2, (B, A, 2), dtype=jnp.float32)
    cx = jax.random.uniform(k3, (A,), minval=0.0, maxval=1.0)
    w = jax.random.uniform(k4, (A,), minval=0.02, maxval=0.3)
    anchors = jnp.stack([cx, w], axis=1).astype(jnp.float32)
    xmin = jax.random.uniform(k5, (B, NOBJ), minval=0.0, maxval=0.8)
    width = jax.random.uniform(k6, (B, NOBJ), minval=0.02, maxval=0.2)
    xmax = jnp.clip(xmin + width, 0.0, 1.0)
    labels = jnp.ones((B, NOBJ), dtype=jnp.float32)
    targets = jnp.stack([xmin, xmax, labels], axis=2).astype(jnp.float32)
    return {"loc_pred": loc_pred, "conf_pred": conf_pred, "anchors": anchors, "targets": targets}


def reference(loc_pred, conf_pred, anchors, targets):
    num = loc_pred.shape[0]
    num_anchors = anchors.shape[0]
    loc_t_list, conf_t_list = [], []
    for idx in range(num):
        cur = targets[idx]
        truths = cur[:, :-1]
        labels = jnp.ones_like(cur[:, -1])  # all targets valid (labels set to 1 in setup)
        loc, conf = match_single(truths, labels, anchors)
        loc_t_list.append(loc)
        conf_t_list.append(conf)
    loc_t = jnp.stack(loc_t_list)            # [B, A, 2]
    conf_t = jnp.stack(conf_t_list)          # [B, A]
    pos = conf_t > 0                          # [B, A]
    neg_list = []
    for idx in range(num):
        scp = conf_pred[idx]                  # [A, 2]
        proxy = (log_sum_exp(scp) - jnp.take_along_axis(scp, conf_t[idx][:, None], axis=1)).reshape(-1)
        proxy = jnp.where(pos[idx], 0.0, proxy)
        loss_idx = jnp.argsort(-proxy)        # descending sort
        idx_rank = jnp.argsort(loss_idx)
        num_pos = jnp.sum(pos[idx])
        num_neg = jnp.minimum(NEG_POS_RATIO * num_pos, num_anchors - num_pos)
        neg_list.append(idx_rank < num_neg)
    neg = jnp.stack(neg_list)
    # localization loss: smooth L1 over positive anchors (mask-weighted sum == masked select + sum)
    loss_l = jnp.sum(smooth_l1(loc_pred - loc_t) * pos[..., None].astype(loc_pred.dtype))
    # classification loss: cross entropy summed over pos + hard-negative anchors
    keep = (pos | neg)
    lse = jax.scipy.special.logsumexp(conf_pred, axis=-1)  # [B, A]
    picked = jnp.take_along_axis(conf_pred, conf_t[..., None], axis=-1)[..., 0]
    ce = lse - picked
    loss_c = jnp.sum(ce * keep.astype(conf_pred.dtype))
    total_num = jnp.sum(pos).astype(jnp.float32)
    return (loss_l / total_num, loss_c / total_num)

if __name__ == "__main__":
    import jax
    _d = setup_inputs()
    print(jax.jit(kernel)(*tuple(_d.values())))

</pallas_src>

<mosaic_0001>
#map = affine_map<(d0, d1) -> (0)>
module attributes {stable_mosaic.version = 14 : i64} {
  func.func @_sc_conf_sums_body(%arg0: i32, %arg1: i32, %arg2: memref<4194304xf32, #tpu.memory_space<hbm>>, %arg3: memref<1024xf32, #tpu.memory_space<hbm>>, %arg4: memref<16384xf32, #tpu.memory_space<vmem>>, %arg5: memref<16384xf32, #tpu.memory_space<vmem>>, %arg6: memref<16384xf32, #tpu.memory_space<vmem>>, %arg7: memref<16384xf32, #tpu.memory_space<vmem>>, %arg8: memref<32xf32, #tpu.memory_space<vmem>>, %arg9: memref<!tpu.dma_semaphore, #tpu.memory_space<semaphore_mem>>, %arg10: memref<!tpu.dma_semaphore, #tpu.memory_space<semaphore_mem>>) attributes {dimension_semantics = [#tpu.dimension_semantics<core_parallel>, #tpu.dimension_semantics<subcore_parallel>], iteration_bounds = array<i64: 2, 16>, scalar_prefetch = 0 : i64, scratch_operands = 7 : i64, tpu.core_type = #tpu.core_type<sc_vector_subcore>, window_params = [{transform_indices = #map}, {transform_indices = #map}]} {
    %mul3A = arith.constant 2 : i32
    %mul3A_0 = arith.muli %arg1, %mul3A : i32
    %add3A = arith.addi %mul3A_0, %arg0 : i32
    %mul3A_1 = arith.constant 131072 : i32
    %mul3A_2 = arith.muli %add3A, %mul3A_1 : i32
    %broadcast_in_dim3A = arith.constant 0.000000e+00 : f32
    %broadcast_in_dim3A_3 = vector.broadcast %broadcast_in_dim3A : f32 to vector<16xf32>
    %broadcast_in_dim3A_4 = arith.constant 0.000000e+00 : f32
    %broadcast_in_dim3A_5 = vector.broadcast %broadcast_in_dim3A_4 : f32 to vector<16xf32>
    %add3A_6 = arith.constant 0 : i32
    %add3A_7 = arith.addi %mul3A_2, %add3A_6 : i32
    %dma_start3A = tpu.memref_slice %arg2[%add3A_7] : memref<4194304xf32, #tpu.memory_space<hbm>> -> memref<16384xf32, #tpu.memory_space<hbm>>
    %dma_start3A_8 = tpu.memref_slice %arg2[%add3A_7] : memref<4194304xf32, #tpu.memory_space<hbm>> -> memref<16384xf32, #tpu.memory_space<hbm>>
    tpu.enqueue_dma source(%dma_start3A_8 : memref<16384xf32, #tpu.memory_space<hbm>>) target(%arg4 : memref<16384xf32, #tpu.memory_space<vmem>>) target_semaphore(%arg9 : memref<!tpu.dma_semaphore, #tpu.memory_space<semaphore_mem>>)
    %add3A_9 = arith.constant 65536 : i32
    %add3A_10 = arith.addi %mul3A_2, %add3A_9 : i32
    %add3A_11 = arith.constant 0 : i32
    %add3A_12 = arith.addi %add3A_10, %add3A_11 : i32
    %dma_start3A_13 = tpu.memref_slice %arg2[%add3A_12] : memref<4194304xf32, #tpu.memory_space<hbm>> -> memref<16384xf32, #tpu.memory_space<hbm>>
    %dma_start3A_14 = tpu.memref_slice %arg2[%add3A_12] : memref<4194304xf32, #tpu.memory_space<hbm>> -> memref<16384xf32, #tpu.memory_space<hbm>>
    tpu.enqueue_dma source(%dma_start3A_14 : memref<16384xf32, #tpu.memory_space<hbm>>) target(%arg6 : memref<16384xf32, #tpu.memory_space<vmem>>) target_semaphore(%arg9 : memref<!tpu.dma_semaphore, #tpu.memory_space<semaphore_mem>>)
    %add3A_15 = arith.constant 16384 : i32
    %add3A_16 = arith.addi %mul3A_2, %add3A_15 : i32
    %dma_start3A_17 = tpu.memref_slice %arg2[%add3A_16] : memref<4194304xf32, #tpu.memory_space<hbm>> -> memref<16384xf32, #tpu.memory_space<hbm>>
    %dma_start3A_18 = tpu.memref_slice %arg2[%add3A_16] : memref<4194304xf32, #tpu.memory_space<hbm>> -> memref<16384xf32, #tpu.memory_space<hbm>>
    tpu.enqueue_dma source(%dma_start3A_18 : memref<16384xf32, #tpu.memory_space<hbm>>) target(%arg5 : memref<16384xf32, #tpu.memory_space<vmem>>) target_semaphore(%arg10 : memref<!tpu.dma_semaphore, #tpu.memory_space<semaphore_mem>>)
    %add3A_19 = arith.constant 65536 : i32
    %add3A_20 = arith.addi %mul3A_2, %add3A_19 : i32
    %add3A_21 = arith.constant 16384 : i32
    %add3A_22 = arith.addi %add3A_20, %add3A_21 : i32
    %dma_start3A_23 = tpu.memref_slice %arg2[%add3A_22] : memref<4194304xf32, #tpu.memory_space<hbm>> -> memref<16384xf32, #tpu.memory_space<hbm>>
    %dma_start3A_24 = tpu.memref_slice %arg2[%add3A_22] : memref<4194304xf32, #tpu.memory_space<hbm>> -> memref<16384xf32, #tpu.memory_space<hbm>>
    tpu.enqueue_dma source(%dma_start3A_24 : memref<16384xf32, #tpu.memory_space<hbm>>) target(%arg7 : memref<16384xf32, #tpu.memory_space<vmem>>) target_semaphore(%arg10 : memref<!tpu.dma_semaphore, #tpu.memory_space<semaphore_mem>>)
    %dma_wait3A = tpu.memref_slice %arg2[%add3A_7] : memref<4194304xf32, #tpu.memory_space<hbm>> -> memref<16384xf32, #tpu.memory_space<hbm>>
    %dma_wait3A_25 = tpu.memref_slice %arg2[%add3A_7] : memref<4194304xf32, #tpu.memory_space<hbm>> -> memref<16384xf32, #tpu.memory_space<hbm>>
    tpu.wait_dma2 semaphore(%arg9 : memref<!tpu.dma_semaphore, #tpu.memory_space<semaphore_mem>>) src(%dma_wait3A_25 : memref<16384xf32, #tpu.memory_space<hbm>>) dst(%arg4 : memref<16384xf32, #tpu.memory_space<vmem>>)
    %dma_wait3A_26 = tpu.memref_slice %arg2[%add3A_12] : memref<4194304xf32, #tpu.memory_space<hbm>> -> memref<16384xf32, #tpu.memory_space<hbm>>
    %dma_wait3A_27 = tpu.memref_slice %arg2[%add3A_12] : memref<4194304xf32, #tpu.memory_space<hbm>> -> memref<16384xf32, #tpu.memory_space<hbm>>
    tpu.wait_dma2 semaphore(%arg9 : memref<!tpu.dma_semaphore, #tpu.memory_space<semaphore_mem>>) src(%dma_wait3A_27 : memref<16384xf32, #tpu.memory_space<hbm>>) dst(%arg6 : memref<16384xf32, #tpu.memory_space<vmem>>)
    %scan3A = arith.constant 0 : i32
    %scan3A_28 = arith.constant 1024 : i32
    %scan3A_29 = arith.addi %scan3A, %scan3A_28 : i32
    %scan3A_30 = arith.constant 1 : i32
    %scan3A_31:2 = scf.for %scan3A_92 = %scan3A to %scan3A_29 step %scan3A_30 iter_args(%scan3A_93 = %broadcast_in_dim3A_3, %scan3A_94 = %broadcast_in_dim3A_5) -> (vector<16xf32>, vector<16xf32>)  : i32 {
      %mul3A_95 = arith.constant 16 : i32
      %mul3A_96 = arith.muli %scan3A_92, %mul3A_95 : i32
      %get3A = arith.index_cast %mul3A_96 : i32 to index
      %get3A_97 = tpu.vector_load %arg4[%get3A] {strides = array<i32>} : memref<16384xf32, #tpu.memory_space<vmem>>, vector<16xf32>,
      %get3A_98 = vector.shape_cast %get3A_97 : vector<16xf32> to vector<16xf32>
      %mul3A_99 = arith.constant 16 : i32
      %mul3A_100 = arith.muli %scan3A_92, %mul3A_99 : i32
      %get3A_101 = arith.index_cast %mul3A_100 : i32 to index
      %get3A_102 = tpu.vector_load %arg6[%get3A_101] {strides = array<i32>} : memref<16384xf32, #tpu.memory_space<vmem>>, vector<16xf32>,
      %get3A_103 = vector.shape_cast %get3A_102 : vector<16xf32> to vector<16xf32>
      %max3A = arith.maximumf %get3A_98, %get3A_103 : vector<16xf32>
      %min3A = arith.minimumf %get3A_98, %get3A_103 : vector<16xf32>
      %sub3A = arith.subf %min3A, %max3A : vector<16xf32>
      %exp3A = math.exp %sub3A : vector<16xf32>
      %add3A_104 = arith.constant 2.000000e+00 : f32
      %add3A_105 = vector.broadcast %add3A_104 : f32 to vector<16xf32>
      %add3A_106 = arith.addf %add3A_105, %exp3A : vector<16xf32>
      %div3A = arith.divf %exp3A, %add3A_106 : vector<16xf32>
      %mul3A_107 = arith.mulf %div3A, %div3A : vector<16xf32>
      %mul3A_108 = arith.constant 0.0909090936 : f32
      %mul3A_109 = vector.broadcast %mul3A_108 : f32 to vector<16xf32>
      %mul3A_110 = arith.mulf %mul3A_107, %mul3A_109 : vector<16xf32>
      %add3A_111 = arith.constant 0.111111112 : f32
      %add3A_112 = vector.broadcast %add3A_111 : f32 to vector<16xf32>
      %add3A_113 = arith.addf %mul3A_110, %add3A_112 : vector<16xf32>
      %mul3A_114 = arith.mulf %add3A_113, %mul3A_107 : vector<16xf32>
      %add3A_115 = arith.constant 0.142857149 : f32
      %add3A_116 = vector.broadcast %add3A_115 : f32 to vector<16xf32>
      %add3A_117 = arith.addf %mul3A_114, %add3A_116 : vector<16xf32>
      %mul3A_118 = arith.mulf %add3A_117, %mul3A_107 : vector<16xf32>
      %add3A_119 = arith.constant 2.000000e-01 : f32
      %add3A_120 = vector.broadcast %add3A_119 : f32 to vector<16xf32>
      %add3A_121 = arith.addf %mul3A_118, %add3A_120 : vector<16xf32>
      %mul3A_122 = arith.mulf %add3A_121, %mul3A_107 : vector<16xf32>
      %add3A_123 = arith.constant 0.333333343 : f32
      %add3A_124 = vector.broadcast %add3A_123 : f32 to vector<16xf32>
      %add3A_125 = arith.addf %mul3A_122, %add3A_124 : vector<16xf32>
      %mul3A_126 = arith.mulf %add3A_125, %mul3A_107 : vector<16xf32>
      %add3A_127 = arith.constant 1.000000e+00 : f32
      %add3A_128 = vector.broadcast %add3A_127 : f32 to vector<16xf32>
      %add3A_129 = arith.addf %mul3A_126, %add3A_128 : vector<16xf32>
      %mul3A_130 = arith.constant 2.000000e+00 : f32
      %mul3A_131 = vector.broadcast %mul3A_130 : f32 to vector<16xf32>
      %mul3A_132 = arith.mulf %mul3A_131, %div3A : vector<16xf32>
      %mul3A_133 = arith.mulf %mul3A_132, %add3A_129 : vector<16xf32>
      %add3A_134 = arith.addf %max3A, %mul3A_133 : vector<16xf32>
      %add3A_135 = arith.addf %scan3A_93, %add3A_134 : vector<16xf32>
      %add3A_136 = arith.addf %scan3A_94, %get3A_98 : vector<16xf32>
      scf.yield %add3A_135, %add3A_136 : vector<16xf32>, vector<16xf32>
    }
    %scan3A_32 = arith.constant 1024 : i32
    %add3A_33 = arith.constant 32768 : i32
    %add3A_34 = arith.addi %mul3A_2, %add3A_33 : i32
    %dma_start3A_35 = tpu.memref_slice %arg2[%add3A_34] : memref<4194304xf32, #tpu.memory_space<hbm>> -> memref<16384xf32, #tpu.memory_space<hbm>>
    %dma_start3A_36 = tpu.memref_slice %arg2[%add3A_34] : memref<4194304xf32, #tpu.memory_space<hbm>> -> memref<16384xf32, #tpu.memory_space<hbm>>
    tpu.enqueue_dma source(%dma_start3A_36 : memref<16384xf32, #tpu.memory_space<hbm>>) target(%arg4 : memref<16384xf32, #tpu.memory_space<vmem>>) target_semaphore(%arg9 : memref<!tpu.dma_semaphore, #tpu.memory_space<semaphore_mem>>)
    %add3A_37 = arith.constant 65536 : i32
    %add3A_38 = arith.addi %mul3A_2, %add3A_37 : i32
    %add3A_39 = arith.constant 32768 : i32
    %add3A_40 = arith.addi %add3A_38, %add3A_39 : i32
    %dma_start3A_41 = tpu.memref_slice %arg2[%add3A_40] : memref<4194304xf32, #tpu.memory_space<hbm>> -> memref<16384xf32, #tpu.memory_space<hbm>>
    %dma_start3A_42 = tpu.memref_slice %arg2[%add3A_40] : memref<4194304xf32, #tpu.memory_space<hbm>> -> memref<16384xf32, #tpu.memory_space<hbm>>
    tpu.enqueue_dma source(%dma_start3A_42 : memref<16384xf32, #tpu.memory_space<hbm>>) target(%arg6 : memref<16384xf32, #tpu.memory_space<vmem>>) target_semaphore(%arg9 : memref<!tpu.dma_semaphore, #tpu.memory_space<semaphore_mem>>)
    %dma_wait3A_43 = tpu.memref_slice %arg2[%add3A_16] : memref<4194304xf32, #tpu.memory_space<hbm>> -> memref<16384xf32, #tpu.memory_space<hbm>>
    %dma_wait3A_44 = tpu.memref_slice %arg2[%add3A_16] : memref<4194304xf32, #tpu.memory_space<hbm>> -> memref<16384xf32, #tpu.memory_space<hbm>>
    tpu.wait_dma2 semaphore(%arg10 : memref<!tpu.dma_semaphore, #tpu.memory_space<semaphore_mem>>) src(%dma_wait3A_44 : memref<16384xf32, #tpu.memory_space<hbm>>) dst(%arg5 : memref<16384xf32, #tpu.memory_space<vmem>>)
    %dma_wait3A_45 = tpu.memref_slice %arg2[%add3A_22] : memref<4194304xf32, #tpu.memory_space<hbm>> -> memref<16384xf32, #tpu.memory_space<hbm>>
    %dma_wait3A_46 = tpu.memref_slice %arg2[%add3A_22] : memref<4194304xf32, #tpu.memory_space<hbm>> -> memref<16384xf32, #tpu.memory_space<hbm>>
    tpu.wait_dma2 semaphore(%arg10 : memref<!tpu.dma_semaphore, #tpu.memory_space<semaphore_mem>>) src(%dma_wait3A_46 : memref<16384xf32, #tpu.memory_space<hbm>>) dst(%arg7 : memref<16384xf32, #tpu.memory_space<vmem>>)
    %scan3A_47 = arith.constant 0 : i32
    %scan3A_48 = arith.constant 1024 : i32
    %scan3A_49 = arith.addi %scan3A_47, %scan3A_48 : i32
    %scan3A_50 = arith.constant 1 : i32
    %scan3A_51:2 = scf.for %scan3A_92 = %scan3A_47 to %scan3A_49 step %scan3A_50 iter_args(%scan3A_93 = %scan3A_31#0, %scan3A_94 = %scan3A_31#1) -> (vector<16xf32>, vector<16xf32>)  : i32 {
      %mul3A_95 = arith.constant 16 : i32
      %mul3A_96 = arith.muli %scan3A_92, %mul3A_95 : i32
      %get3A = arith.index_cast %mul3A_96 : i32 to index
      %get3A_97 = tpu.vector_load %arg5[%get3A] {strides = array<i32>} : memref<16384xf32, #tpu.memory_space<vmem>>, vector<16xf32>,
      %get3A_98 = vector.shape_cast %get3A_97 : vector<16xf32> to vector<16xf32>
      %mul3A_99 = arith.constant 16 : i32
      %mul3A_100 = arith.muli %scan3A_92, %mul3A_99 : i32
      %get3A_101 = arith.index_cast %mul3A_100 : i32 to index
      %get3A_102 = tpu.vector_load %arg7[%get3A_101] {strides = array<i32>} : memref<16384xf32, #tpu.memory_space<vmem>>, vector<16xf32>,
      %get3A_103 = vector.shape_cast %get3A_102 : vector<16xf32> to vector<16xf32>
      %max3A = arith.maximumf %get3A_98, %get3A_103 : vector<16xf32>
      %min3A = arith.minimumf %get3A_98, %get3A_103 : vector<16xf32>
      %sub3A = arith.subf %min3A, %max3A : vector<16xf32>
      %exp3A = math.exp %sub3A : vector<16xf32>
      %add3A_104 = arith.constant 2.000000e+00 : f32
      %add3A_105 = vector.broadcast %add3A_104 : f32 to vector<16xf32>
      %add3A_106 = arith.addf %add3A_105, %exp3A : vector<16xf32>
      %div3A = arith.divf %exp3A, %add3A_106 : vector<16xf32>
      %mul3A_107 = arith.mulf %div3A, %div3A : vector<16xf32>
      %mul3A_108 = arith.constant 0.0909090936 : f32
      %mul3A_109 = vector.broadcast %mul3A_108 : f32 to vector<16xf32>
      %mul3A_110 = arith.mulf %mul3A_107, %mul3A_109 : vector<16xf32>
      %add3A_111 = arith.constant 0.111111112 : f32
      %add3A_112 = vector.broadcast %add3A_111 : f32 to vector<16xf32>
      %add3A_113 = arith.addf %mul3A_110, %add3A_112 : vector<16xf32>
      %mul3A_114 = arith.mulf %add3A_113, %mul3A_107 : vector<16xf32>
      %add3A_115 = arith.constant 0.142857149 : f32
      %add3A_116 = vector.broadcast %add3A_115 : f32 to vector<16xf32>
      %add3A_117 = arith.addf %mul3A_114, %add3A_116 : vector<16xf32>
      %mul3A_118 = arith.mulf %add3A_117, %mul3A_107 : vector<16xf32>
      %add3A_119 = arith.constant 2.000000e-01 : f32
      %add3A_120 = vector.broadcast %add3A_119 : f32 to vector<16xf32>
      %add3A_121 = arith.addf %mul3A_118, %add3A_120 : vector<16xf32>
      %mul3A_122 = arith.mulf %add3A_121, %mul3A_107 : vector<16xf32>
      %add3A_123 = arith.constant 0.333333343 : f32
      %add3A_124 = vector.broadcast %add3A_123 : f32 to vector<16xf32>
      %add3A_125 = arith.addf %mul3A_122, %add3A_124 : vector<16xf32>
      %mul3A_126 = arith.mulf %add3A_125, %mul3A_107 : vector<16xf32>
      %add3A_127 = arith.constant 1.000000e+00 : f32
      %add3A_128 = vector.broadcast %add3A_127 : f32 to vector<16xf32>
      %add3A_129 = arith.addf %mul3A_126, %add3A_128 : vector<16xf32>
      %mul3A_130 = arith.constant 2.000000e+00 : f32
      %mul3A_131 = vector.broadcast %mul3A_130 : f32 to vector<16xf32>
      %mul3A_132 = arith.mulf %mul3A_131, %div3A : vector<16xf32>
      %mul3A_133 = arith.mulf %mul3A_132, %add3A_129 : vector<16xf32>
      %add3A_134 = arith.addf %max3A, %mul3A_133 : vector<16xf32>
      %add3A_135 = arith.addf %scan3A_93, %add3A_134 : vector<16xf32>
      %add3A_136 = arith.addf %scan3A_94, %get3A_98 : vector<16xf32>
      scf.yield %add3A_135, %add3A_136 : vector<16xf32>, vector<16xf32>
    }
    %scan3A_52 = arith.constant 1024 : i32
    %add3A_53 = arith.constant 49152 : i32
    %add3A_54 = arith.addi %mul3A_2, %add3A_53 : i32
    %dma_start3A_55 = tpu.memref_slice %arg2[%add3A_54] : memref<4194304xf32, #tpu.memory_space<hbm>> -> memref<16384xf32, #tpu.memory_space<hbm>>
    %dma_start3A_56 = tpu.memref_slice %arg2[%add3A_54] : memref<4194304xf32, #tpu.memory_space<hbm>> -> memref<16384xf32, #tpu.memory_space<hbm>>
    tpu.enqueue_dma source(%dma_start3A_56 : memref<16384xf32, #tpu.memory_space<hbm>>) target(%arg5 : memref<16384xf32, #tpu.memory_space<vmem>>) target_semaphore(%arg10 : memref<!tpu.dma_semaphore, #tpu.memory_space<semaphore_mem>>)
    %add3A_57 = arith.constant 65536 : i32
    %add3A_58 = arith.addi %mul3A_2, %add3A_57 : i32
    %add3A_59 = arith.constant 49152 : i32
    %add3A_60 = arith.addi %add3A_58, %add3A_59 : i32
    %dma_start3A_61 = tpu.memref_slice %arg2[%add3A_60] : memref<4194304xf32, #tpu.memory_space<hbm>> -> memref<16384xf32, #tpu.memory_space<hbm>>
    %dma_start3A_62 = tpu.memref_slice %arg2[%add3A_60] : memref<4194304xf32, #tpu.memory_space<hbm>> -> memref<16384xf32, #tpu.memory_space<hbm>>
    tpu.enqueue_dma source(%dma_start3A_62 : memref<16384xf32, #tpu.memory_space<hbm>>) target(%arg7 : memref<16384xf32, #tpu.memory_space<vmem>>) target_semaphore(%arg10 : memref<!tpu.dma_semaphore, #tpu.memory_space<semaphore_mem>>)
    %dma_wait3A_63 = tpu.memref_slice %arg2[%add3A_34] : memref<4194304xf32, #tpu.memory_space<hbm>> -> memref<16384xf32, #tpu.memory_space<hbm>>
    %dma_wait3A_64 = tpu.memref_slice %arg2[%add3A_34] : memref<4194304xf32, #tpu.memory_space<hbm>> -> memref<16384xf32, #tpu.memory_space<hbm>>
    tpu.wait_dma2 semaphore(%arg9 : memref<!tpu.dma_semaphore, #tpu.memory_space<semaphore_mem>>) src(%dma_wait3A_64 : memref<16384xf32, #tpu.memory_space<hbm>>) dst(%arg4 : memref<16384xf32, #tpu.memory_space<vmem>>)
    %dma_wait3A_65 = tpu.memref_slice %arg2[%add3A_40] : memref<4194304xf32, #tpu.memory_space<hbm>> -> memref<16384xf32, #tpu.memory_space<hbm>>
    %dma_wait3A_66 = tpu.memref_slice %arg2[%add3A_40] : memref<4194304xf32, #tpu.memory_space<hbm>> -> memref<16384xf32, #tpu.memory_space<hbm>>
    tpu.wait_dma2 semaphore(%arg9 : memref<!tpu.dma_semaphore, #tpu.memory_space<semaphore_mem>>) src(%dma_wait3A_66 : memref<16384xf32, #tpu.memory_space<hbm>>) dst(%arg6 : memref<16384xf32, #tpu.memory_space<vmem>>)
    %scan3A_67 = arith.constant 0 : i32
    %scan3A_68 = arith.constant 1024 : i32
    %scan3A_69 = arith.addi %scan3A_67, %scan3A_68 : i32
    %scan3A_70 = arith.constant 1 : i32
    %scan3A_71:2 = scf.for %scan3A_92 = %scan3A_67 to %scan3A_69 step %scan3A_70 iter_args(%scan3A_93 = %scan3A_51#0, %scan3A_94 = %scan3A_51#1) -> (vector<16xf32>, vector<16xf32>)  : i32 {
      %mul3A_95 = arith.constant 16 : i32
      %mul3A_96 = arith.muli %scan3A_92, %mul3A_95 : i32
      %get3A = arith.index_cast %mul3A_96 : i32 to index
      %get3A_97 = tpu.vector_load %arg4[%get3A] {strides = array<i32>} : memref<16384xf32, #tpu.memory_space<vmem>>, vector<16xf32>,
      %get3A_98 = vector.shape_cast %get3A_97 : vector<16xf32> to vector<16xf32>
      %mul3A_99 = arith.constant 16 : i32
      %mul3A_100 = arith.muli %scan3A_92, %mul3A_99 : i32
      %get3A_101 = arith.index_cast %mul3A_100 : i32 to index
      %get3A_102 = tpu.vector_load %arg6[%get3A_101] {strides = array<i32>} : memref<16384xf32, #tpu.memory_space<vmem>>, vector<16xf32>,
      %get3A_103 = vector.shape_cast %get3A_102 : vector<16xf32> to vector<16xf32>
      %max3A = arith.maximumf %get3A_98, %get3A_103 : vector<16xf32>
      %min3A = arith.minimumf %get3A_98, %get3A_103 : vector<16xf32>
      %sub3A = arith.subf %min3A, %max3A : vector<16xf32>
      %exp3A = math.exp %sub3A : vector<16xf32>
      %add3A_104 = arith.constant 2.000000e+00 : f32
      %add3A_105 = vector.broadcast %add3A_104 : f32 to vector<16xf32>
      %add3A_106 = arith.addf %add3A_105, %exp3A : vector<16xf32>
      %div3A = arith.divf %exp3A, %add3A_106 : vector<16xf32>
      %mul3A_107 = arith.mulf %div3A, %div3A : vector<16xf32>
      %mul3A_108 = arith.constant 0.0909090936 : f32
      %mul3A_109 = vector.broadcast %mul3A_108 : f32 to vector<16xf32>
      %mul3A_110 = arith.mulf %mul3A_107, %mul3A_109 : vector<16xf32>
      %add3A_111 = arith.constant 0.111111112 : f32
      %add3A_112 = vector.broadcast %add3A_111 : f32 to vector<16xf32>
      %add3A_113 = arith.addf %mul3A_110, %add3A_112 : vector<16xf32>
      %mul3A_114 = arith.mulf %add3A_113, %mul3A_107 : vector<16xf32>
      %add3A_115 = arith.constant 0.142857149 : f32
      %add3A_116 = vector.broadcast %add3A_115 : f32 to vector<16xf32>
      %add3A_117 = arith.addf %mul3A_114, %add3A_116 : vector<16xf32>
      %mul3A_118 = arith.mulf %add3A_117, %mul3A_107 : vector<16xf32>
      %add3A_119 = arith.constant 2.000000e-01 : f32
      %add3A_120 = vector.broadcast %add3A_119 : f32 to vector<16xf32>
      %add3A_121 = arith.addf %mul3A_118, %add3A_120 : vector<16xf32>
      %mul3A_122 = arith.mulf %add3A_121, %mul3A_107 : vector<16xf32>
      %add3A_123 = arith.constant 0.333333343 : f32
      %add3A_124 = vector.broadcast %add3A_123 : f32 to vector<16xf32>
      %add3A_125 = arith.addf %mul3A_122, %add3A_124 : vector<16xf32>
      %mul3A_126 = arith.mulf %add3A_125, %mul3A_107 : vector<16xf32>
      %add3A_127 = arith.constant 1.000000e+00 : f32
      %add3A_128 = vector.broadcast %add3A_127 : f32 to vector<16xf32>
      %add3A_129 = arith.addf %mul3A_126, %add3A_128 : vector<16xf32>
      %mul3A_130 = arith.constant 2.000000e+00 : f32
      %mul3A_131 = vector.broadcast %mul3A_130 : f32 to vector<16xf32>
      %mul3A_132 = arith.mulf %mul3A_131, %div3A : vector<16xf32>
      %mul3A_133 = arith.mulf %mul3A_132, %add3A_129 : vector<16xf32>
      %add3A_134 = arith.addf %max3A, %mul3A_133 : vector<16xf32>
      %add3A_135 = arith.addf %scan3A_93, %add3A_134 : vector<16xf32>
      %add3A_136 = arith.addf %scan3A_94, %get3A_98 : vector<16xf32>
      scf.yield %add3A_135, %add3A_136 : vector<16xf32>, vector<16xf32>
    }
    %scan3A_72 = arith.constant 1024 : i32
    %dma_wait3A_73 = tpu.memref_slice %arg2[%add3A_54] : memref<4194304xf32, #tpu.memory_space<hbm>> -> memref<16384xf32, #tpu.memory_space<hbm>>
    %dma_wait3A_74 = tpu.memref_slice %arg2[%add3A_54] : memref<4194304xf32, #tpu.memory_space<hbm>> -> memref<16384xf32, #tpu.memory_space<hbm>>
    tpu.wait_dma2 semaphore(%arg10 : memref<!tpu.dma_semaphore, #tpu.memory_space<semaphore_mem>>) src(%dma_wait3A_74 : memref<16384xf32, #tpu.memory_space<hbm>>) dst(%arg5 : memref<16384xf32, #tpu.memory_space<vmem>>)
    %dma_wait3A_75 = tpu.memref_slice %arg2[%add3A_60] : memref<4194304xf32, #tpu.memory_space<hbm>> -> memref<16384xf32, #tpu.memory_space<hbm>>
    %dma_wait3A_76 = tpu.memref_slice %arg2[%add3A_60] : memref<4194304xf32, #tpu.memory_space<hbm>> -> memref<16384xf32, #tpu.memory_space<hbm>>
    tpu.wait_dma2 semaphore(%arg10 : memref<!tpu.dma_semaphore, #tpu.memory_space<semaphore_mem>>) src(%dma_wait3A_76 : memref<16384xf32, #tpu.memory_space<hbm>>) dst(%arg7 : memref<16384xf32, #tpu.memory_space<vmem>>)
    %scan3A_77 = arith.constant 0 : i32
    %scan3A_78 = arith.constant 1024 : i32
    %scan3A_79 = arith.addi %scan3A_77, %scan3A_78 : i32
    %scan3A_80 = arith.constant 1 : i32
    %scan3A_81:2 = scf.for %scan3A_92 = %scan3A_77 to %scan3A_79 step %scan3A_80 iter_args(%scan3A_93 = %scan3A_71#0, %scan3A_94 = %scan3A_71#1) -> (vector<16xf32>, vector<16xf32>)  : i32 {
      %mul3A_95 = arith.constant 16 : i32
      %mul3A_96 = arith.muli %scan3A_92, %mul3A_95 : i32
      %get3A = arith.index_cast %mul3A_96 : i32 to index
      %get3A_97 = tpu.vector_load %arg5[%get3A] {strides = array<i32>} : memref<16384xf32, #tpu.memory_space<vmem>>, vector<16xf32>,
      %get3A_98 = vector.shape_cast %get3A_97 : vector<16xf32> to vector<16xf32>
      %mul3A_99 = arith.constant 16 : i32
      %mul3A_100 = arith.muli %scan3A_92, %mul3A_99 : i32
      %get3A_101 = arith.index_cast %mul3A_100 : i32 to index
      %get3A_102 = tpu.vector_load %arg7[%get3A_101] {strides = array<i32>} : memref<16384xf32, #tpu.memory_space<vmem>>, vector<16xf32>,
      %get3A_103 = vector.shape_cast %get3A_102 : vector<16xf32> to vector<16xf32>
      %max3A = arith.maximumf %get3A_98, %get3A_103 : vector<16xf32>
      %min3A = arith.minimumf %get3A_98, %get3A_103 : vector<16xf32>
      %sub3A = arith.subf %min3A, %max3A : vector<16xf32>
      %exp3A = math.exp %sub3A : vector<16xf32>
      %add3A_104 = arith.constant 2.000000e+00 : f32
      %add3A_105 = vector.broadcast %add3A_104 : f32 to vector<16xf32>
      %add3A_106 = arith.addf %add3A_105, %exp3A : vector<16xf32>
      %div3A = arith.divf %exp3A, %add3A_106 : vector<16xf32>
      %mul3A_107 = arith.mulf %div3A, %div3A : vector<16xf32>
      %mul3A_108 = arith.constant 0.0909090936 : f32
      %mul3A_109 = vector.broadcast %mul3A_108 : f32 to vector<16xf32>
      %mul3A_110 = arith.mulf %mul3A_107, %mul3A_109 : vector<16xf32>
      %add3A_111 = arith.constant 0.111111112 : f32
      %add3A_112 = vector.broadcast %add3A_111 : f32 to vector<16xf32>
      %add3A_113 = arith.addf %mul3A_110, %add3A_112 : vector<16xf32>
      %mul3A_114 = arith.mulf %add3A_113, %mul3A_107 : vector<16xf32>
      %add3A_115 = arith.constant 0.142857149 : f32
      %add3A_116 = vector.broadcast %add3A_115 : f32 to vector<16xf32>
      %add3A_117 = arith.addf %mul3A_114, %add3A_116 : vector<16xf32>
      %mul3A_118 = arith.mulf %add3A_117, %mul3A_107 : vector<16xf32>
      %add3A_119 = arith.constant 2.000000e-01 : f32
      %add3A_120 = vector.broadcast %add3A_119 : f32 to vector<16xf32>
      %add3A_121 = arith.addf %mul3A_118, %add3A_120 : vector<16xf32>
      %mul3A_122 = arith.mulf %add3A_121, %mul3A_107 : vector<16xf32>
      %add3A_123 = arith.constant 0.333333343 : f32
      %add3A_124 = vector.broadcast %add3A_123 : f32 to vector<16xf32>
      %add3A_125 = arith.addf %mul3A_122, %add3A_124 : vector<16xf32>
      %mul3A_126 = arith.mulf %add3A_125, %mul3A_107 : vector<16xf32>
      %add3A_127 = arith.constant 1.000000e+00 : f32
      %add3A_128 = vector.broadcast %add3A_127 : f32 to vector<16xf32>
      %add3A_129 = arith.addf %mul3A_126, %add3A_128 : vector<16xf32>
      %mul3A_130 = arith.constant 2.000000e+00 : f32
      %mul3A_131 = vector.broadcast %mul3A_130 : f32 to vector<16xf32>
      %mul3A_132 = arith.mulf %mul3A_131, %div3A : vector<16xf32>
      %mul3A_133 = arith.mulf %mul3A_132, %add3A_129 : vector<16xf32>
      %add3A_134 = arith.addf %max3A, %mul3A_133 : vector<16xf32>
      %add3A_135 = arith.addf %scan3A_93, %add3A_134 : vector<16xf32>
      %add3A_136 = arith.addf %scan3A_94, %get3A_98 : vector<16xf32>
      scf.yield %add3A_135, %add3A_136 : vector<16xf32>, vector<16xf32>
    }
    %scan3A_82 = arith.constant 1024 : i32
    %swap3A = arith.constant 0 : index
    %swap3A_83 = tpu.vector_load %arg8[%swap3A] {strides = array<i32>} : memref<32xf32, #tpu.memory_space<vmem>>, vector<16xf32>,
    %swap3A_84 = vector.shape_cast %swap3A_83 : vector<16xf32> to vector<16xf32>
    %swap3A_85 = vector.shape_cast %scan3A_81#0 : vector<16xf32> to vector<16xf32>
    tpu.vector_store %arg8[%swap3A], %swap3A_85 {strides = array<i32>} : memref<32xf32, #tpu.memory_space<vmem>>, vector<16xf32>,
    %swap3A_86 = arith.constant 16 : index
    %swap3A_87 = tpu.vector_load %arg8[%swap3A_86] {strides = array<i32>} : memref<32xf32, #tpu.memory_space<vmem>>, vector<16xf32>,
    %swap3A_88 = vector.shape_cast %swap3A_87 : vector<16xf32> to vector<16xf32>
    %swap3A_89 = vector.shape_cast %scan3A_81#1 : vector<16xf32> to vector<16xf32>
    tpu.vector_store %arg8[%swap3A_86], %swap3A_89 {strides = array<i32>} : memref<32xf32, #tpu.memory_space<vmem>>, vector<16xf32>,
    %mul3A_90 = arith.constant 32 : i32
    %mul3A_91 = arith.muli %add3A, %mul3A_90 : i32
    "tpu.region"() ({
      %run_scoped3A = tpu.sem_alloc : memref<!tpu.dma_semaphore, #tpu.memory_space<semaphore_mem>>
      %dma_start3A_92 = tpu.memref_slice %arg3[%mul3A_91] : memref<1024xf32, #tpu.memory_space<hbm>> -> memref<32xf32, #tpu.memory_space<hbm>>
      %dma_start3A_93 = tpu.memref_slice %arg3[%mul3A_91] : memref<1024xf32, #tpu.memory_space<hbm>> -> memref<32xf32, #tpu.memory_space<hbm>>
      tpu.enqueue_dma source(%arg8 : memref<32xf32, #tpu.memory_space<vmem>>) target(%dma_start3A_93 : memref<32xf32, #tpu.memory_space<hbm>>) target_semaphore(%run_scoped3A : memref<!tpu.dma_semaphore, #tpu.memory_space<semaphore_mem>>)
      %dma_wait3A_94 = tpu.memref_slice %arg3[%mul3A_91] : memref<1024xf32, #tpu.memory_space<hbm>> -> memref<32xf32, #tpu.memory_space<hbm>>
      %dma_wait3A_95 = tpu.memref_slice %arg3[%mul3A_91] : memref<1024xf32, #tpu.memory_space<hbm>> -> memref<32xf32, #tpu.memory_space<hbm>>
      tpu.wait_dma2 semaphore(%run_scoped3A : memref<!tpu.dma_semaphore, #tpu.memory_space<semaphore_mem>>) src(%arg8 : memref<32xf32, #tpu.memory_space<vmem>>) dst(%dma_wait3A_95 : memref<32xf32, #tpu.memory_space<hbm>>)
      tpu.yield
    }) : () -> ()
    return
  }
}

module attributes {stable_mosaic.version = 14 : i64} {
  func.func @_loss_kernel(%arg0: i32, %arg1: memref<1x16x3xf32, #tpu.memory_space<smem>>, %arg2: memref<2x512x128xf32, #tpu.memory_space<vmem>>, %arg3: memref<1x2x512x128xf32, #tpu.memory_space<vmem>>, %arg4: memref<1x2x512x128xf32, #tpu.memory_space<vmem>>, %arg5: memref<1x1x128xf32, #tpu.memory_space<vmem>>, %arg6: memref<512x128xf32, #tpu.memory_space<vmem>>, %arg7: memref<512x128xf32, #tpu.memory_space<vmem>>, %arg8: memref<512x128xf32, #tpu.memory_space<vmem>>) attributes {dimension_semantics = [#tpu.dimension_semantics<arbitrary>], iteration_bounds = array<i64: 32>, scalar_prefetch = 0 : i64, scratch_operands = 3 : i64, tpu.core_type = #tpu.core_type<tc>, window_params = [{transform_indices = @transform_0, window_bounds = array<i64: 1, 16, 3>}, {pipeline_mode = #tpu.pipeline_mode<synchronous>, transform_indices = @transform_1, window_bounds = array<i64: 2, 512, 128>}, {transform_indices = @transform_2, window_bounds = array<i64: 1, 2, 512, 128>}, {transform_indices = @transform_3, window_bounds = array<i64: 1, 2, 512, 128>}, {transform_indices = @transform_4, window_bounds = array<i64: 1, 1, 128>}]} {
    %get3A = arith.constant 0 : index
    %get3A_0 = arith.constant 0 : index
    %get3A_1 = arith.constant 0 : index
    %get3A_2 = memref.load %arg1[%get3A, %get3A_0, %get3A_1] : memref<1x16x3xf32, #tpu.memory_space<smem>>
    %get3A_3 = arith.constant 0 : index
    %get3A_4 = arith.constant 1 : index
    %get3A_5 = arith.constant 0 : index
    %get3A_6 = memref.load %arg1[%get3A_3, %get3A_4, %get3A_5] : memref<1x16x3xf32, #tpu.memory_space<smem>>
    %get3A_7 = arith.constant 0 : index
    %get3A_8 = arith.constant 2 : index
    %get3A_9 = arith.constant 0 : index
    %get3A_10 = memref.load %arg1[%get3A_7, %get3A_8, %get3A_9] : memref<1x16x3xf32, #tpu.memory_space<smem>>
    %get3A_11 = arith.constant 0 : index
    %get3A_12 = arith.constant 3 : index
    %get3A_13 = arith.constant 0 : index
    %get3A_14 = memref.load %arg1[%get3A_11, %get3A_12, %get3A_13] : memref<1x16x3xf32, #tpu.memory_space<smem>>
    %get3A_15 = arith.constant 0 : index
    %get3A_16 = arith.constant 4 : index
    %get3A_17 = arith.constant 0 : index
    %get3A_18 = memref.load %arg1[%get3A_15, %get3A_16, %get3A_17] : memref<1x16x3xf32, #tpu.memory_space<smem>>
    %get3A_19 = arith.constant 0 : index
    %get3A_20 = arith.constant 5 : index
    %get3A_21 = arith.constant 0 : index
    %get3A_22 = memref.load %arg1[%get3A_19, %get3A_20, %get3A_21] : memref<1x16x3xf32, #tpu.memory_space<smem>>
    %get3A_23 = arith.constant 0 : index
    %get3A_24 = arith.constant 6 : index
    %get3A_25 = arith.constant 0 : index
    %get3A_26 = memref.load %arg1[%get3A_23, %get3A_24, %get3A_25] : memref<1x16x3xf32, #tpu.memory_space<smem>>
    %get3A_27 = arith.constant 0 : index
    %get3A_28 = arith.constant 7 : index
    %get3A_29 = arith.constant 0 : index
    %get3A_30 = memref.load %arg1[%get3A_27, %get3A_28, %get3A_29] : memref<1x16x3xf32, #tpu.memory_space<smem>>
    %get3A_31 = arith.constant 0 : index
    %get3A_32 = arith.constant 8 : index
    %get3A_33 = arith.constant 0 : index
    %get3A_34 = memref.load %arg1[%get3A_31, %get3A_32, %get3A_33] : memref<1x16x3xf32, #tpu.memory_space<smem>>
    %get3A_35 = arith.constant 0 : index
    %get3A_36 = arith.constant 9 : index
    %get3A_37 = arith.constant 0 : index
    %get3A_38 = memref.load %arg1[%get3A_35, %get3A_36, %get3A_37] : memref<1x16x3xf32, #tpu.memory_space<smem>>
    %get3A_39 = arith.constant 0 : index
    %get3A_40 = arith.constant 10 : index
    %get3A_41 = arith.constant 0 : index
    %get3A_42 = memref.load %arg1[%get3A_39, %get3A_40, %get3A_41] : memref<1x16x3xf32, #tpu.memory_space<smem>>
    %get3A_43 = arith.constant 0 : index
    %get3A_44 = arith.constant 11 : index
    %get3A_45 = arith.constant 0 : index
    %get3A_46 = memref.load %arg1[%get3A_43, %get3A_44, %get3A_45] : memref<1x16x3xf32, #tpu.memory_space<smem>>
    %get3A_47 = arith.constant 0 : index
    %get3A_48 = arith.constant 12 : index
    %get3A_49 = arith.constant 0 : index
    %get3A_50 = memref.load %arg1[%get3A_47, %get3A_48, %get3A_49] : memref<1x16x3xf32, #tpu.memory_space<smem>>
    %get3A_51 = arith.constant 0 : index
    %get3A_52 = arith.constant 13 : index
    %get3A_53 = arith.constant 0 : index
    %get3A_54 = memref.load %arg1[%get3A_51, %get3A_52, %get3A_53] : memref<1x16x3xf32, #tpu.memory_space<smem>>
    %get3A_55 = arith.constant 0 : index
    %get3A_56 = arith.constant 14 : index
    %get3A_57 = arith.constant 0 : index
    %get3A_58 = memref.load %arg1[%get3A_55, %get3A_56, %get3A_57] : memref<1x16x3xf32, #tpu.memory_space<smem>>
    %get3A_59 = arith.constant 0 : index
    %get3A_60 = arith.constant 15 : index
    %get3A_61 = arith.constant 0 : index
    %get3A_62 = memref.load %arg1[%get3A_59, %get3A_60, %get3A_61] : memref<1x16x3xf32, #tpu.memory_space<smem>>
    %get3A_63 = arith.constant 0 : index
    %get3A_64 = arith.constant 0 : index
    %get3A_65 = arith.constant 1 : index
    %get3A_66 = memref.load %arg1[%get3A_63, %get3A_64, %get3A_65] : memref<1x16x3xf32, #tpu.memory_space<smem>>
    %get3A_67 = arith.constant 0 : index
    %get3A_68 = arith.constant 1 : index
    %get3A_69 = arith.constant 1 : index
    %get3A_70 = memref.load %arg1[%get3A_67, %get3A_68, %get3A_69] : memref<1x16x3xf32, #tpu.memory_space<smem>>
    %get3A_71 = arith.constant 0 : index
    %get3A_72 = arith.constant 2 : index
    %get3A_73 = arith.constant 1 : index
    %get3A_74 = memref.load %arg1[%get3A_71, %get3A_72, %get3A_73] : memref<1x16x3xf32, #tpu.memory_space<smem>>
    %get3A_75 = arith.constant 0 : index
    %get3A_76 = arith.constant 3 : index
    %get3A_77 = arith.constant 1 : index
    %get3A_78 = memref.load %arg1[%get3A_75, %get3A_76, %get3A_77] : memref<1x16x3xf32, #tpu.memory_space<smem>>
    %get3A_79 = arith.constant 0 : index
    %get3A_80 = arith.constant 4 : index
    %get3A_81 = arith.constant 1 : index
    %get3A_82 = memref.load %arg1[%get3A_79, %get3A_80, %get3A_81] : memref<1x16x3xf32, #tpu.memory_space<smem>>
    %get3A_83 = arith.constant 0 : index
    %get3A_84 = arith.constant 5 : index
    %get3A_85 = arith.constant 1 : index
    %get3A_86 = memref.load %arg1[%get3A_83, %get3A_84, %get3A_85] : memref<1x16x3xf32, #tpu.memory_space<smem>>
    %get3A_87 = arith.constant 0 : index
    %get3A_88 = arith.constant 6 : index
    %get3A_89 = arith.constant 1 : index
    %get3A_90 = memref.load %arg1[%get3A_87, %get3A_88, %get3A_89] : memref<1x16x3xf32, #tpu.memory_space<smem>>
    %get3A_91 = arith.constant 0 : index
    %get3A_92 = arith.constant 7 : index
    %get3A_93 = arith.constant 1 : index
    %get3A_94 = memref.load %arg1[%get3A_91, %get3A_92, %get3A_93] : memref<1x16x3xf32, #tpu.memory_space<smem>>
    %get3A_95 = arith.constant 0 : index
    %get3A_96 = arith.constant 8 : index
    %get3A_97 = arith.constant 1 : index
    %get3A_98 = memref.load %arg1[%get3A_95, %get3A_96, %get3A_97] : memref<1x16x3xf32, #tpu.memory_space<smem>>
    %get3A_99 = arith.constant 0 : index
    %get3A_100 = arith.constant 9 : index
    %get3A_101 = arith.constant 1 : index
    %get3A_102 = memref.load %arg1[%get3A_99, %get3A_100, %get3A_101] : memref<1x16x3xf32, #tpu.memory_space<smem>>
    %get3A_103 = arith.constant 0 : index
    %get3A_104 = arith.constant 10 : index
    %get3A_105 = arith.constant 1 : index
    %get3A_106 = memref.load %arg1[%get3A_103, %get3A_104, %get3A_105] : memref<1x16x3xf32, #tpu.memory_space<smem>>
    %get3A_107 = arith.constant 0 : index
    %get3A_108 = arith.constant 11 : index
    %get3A_109 = arith.constant 1 : index
    %get3A_110 = memref.load %arg1[%get3A_107, %get3A_108, %get3A_109] : memref<1x16x3xf32, #tpu.memory_space<smem>>
    %get3A_111 = arith.constant 0 : index
    %get3A_112 = arith.constant 12 : index
    %get3A_113 = arith.constant 1 : index
    %get3A_114 = memref.load %arg1[%get3A_111, %get3A_112, %get3A_113] : memref<1x16x3xf32, #tpu.memory_space<smem>>
    %get3A_115 = arith.constant 0 : index
    %get3A_116 = arith.constant 13 : index
    %get3A_117 = arith.constant 1 : index
    %get3A_118 = memref.load %arg1[%get3A_115, %get3A_116, %get3A_117] : memref<1x16x3xf32, #tpu.memory_space<smem>>
    %get3A_119 = arith.constant 0 : index
    %get3A_120 = arith.constant 14 : index
    %get3A_121 = arith.constant 1 : index
    %get3A_122 = memref.load %arg1[%get3A_119, %get3A_120, %get3A_121] : memref<1x16x3xf32, #tpu.memory_space<smem>>
    %get3A_123 = arith.constant 0 : index
    %get3A_124 = arith.constant 15 : index
    %get3A_125 = arith.constant 1 : index
    %get3A_126 = memref.load %arg1[%get3A_123, %get3A_124, %get3A_125] : memref<1x16x3xf32, #tpu.memory_space<smem>>
    %iota3A = tpu.iota {dimensions = array<i32: 0>} : vector<32x128xi32>
    %iota3A_127 = tpu.iota {dimensions = array<i32: 1>} : vector<32x128xi32>
    %mul3A = arith.constant 128 : i32
    %mul3A_128 = vector.broadcast %mul3A : i32 to vector<32x128xi32>
    %mul3A_129 = arith.muli %iota3A, %mul3A_128 : vector<32x128xi32>
    %add3A = arith.addi %mul3A_129, %iota3A_127 : vector<32x128xi32>
    %broadcast_in_dim3A = arith.constant -2147483648 : i32
    %broadcast_in_dim3A_130 = vector.broadcast %broadcast_in_dim3A : i32 to vector<8x128xi32>
    %broadcast_in_dim3A_131 = arith.constant -2147483648 : i32
    %broadcast_in_dim3A_132 = vector.broadcast %broadcast_in_dim3A_131 : i32 to vector<8x128xi32>
    %broadcast_in_dim3A_133 = arith.constant -2147483648 : i32
    %broadcast_in_dim3A_134 = vector.broadcast %broadcast_in_dim3A_133 : i32 to vector<8x128xi32>
    %broadcast_in_dim3A_135 = arith.constant -2147483648 : i32
    %broadcast_in_dim3A_136 = vector.broadcast %broadcast_in_dim3A_135 : i32 to vector<8x128xi32>
    %broadcast_in_dim3A_137 = arith.constant -2147483648 : i32
    %broadcast_in_dim3A_138 = vector.broadcast %broadcast_in_dim3A_137 : i32 to vector<8x128xi32>
    %broadcast_in_dim3A_139 = arith.constant -2147483648 : i32
    %broadcast_in_dim3A_140 = vector.broadcast %broadcast_in_dim3A_139 : i32 to vector<8x128xi32>
    %broadcast_in_dim3A_141 = arith.constant -2147483648 : i32
    %broadcast_in_dim3A_142 = vector.broadcast %broadcast_in_dim3A_141 : i32 to vector<8x128xi32>
    %broadcast_in_dim3A_143 = arith.constant -2147483648 : i32
    %broadcast_in_dim3A_144 = vector.broadcast %broadcast_in_dim3A_143 : i32 to vector<8x128xi32>
    %broadcast_in_dim3A_145 = arith.constant -2147483648 : i32
    %broadcast_in_dim3A_146 = vector.broadcast %broadcast_in_dim3A_145 : i32 to vector<8x128xi32>
    %broadcast_in_dim3A_147 = arith.constant -2147483648 : i32
    %broadcast_in_dim3A_148 = vector.broadcast %broadcast_in_dim3A_147 : i32 to vector<8x128xi32>
    %broadcast_in_dim3A_149 = arith.constant -2147483648 : i32
    %broadcast_in_dim3A_150 = vector.broadcast %broadcast_in_dim3A_149 : i32 to vector<8x128xi32>
    %broadcast_in_dim3A_151 = arith.constant -2147483648 : i32
    %broadcast_in_dim3A_152 = vector.broadcast %broadcast_in_dim3A_151 : i32 to vector<8x128xi32>
    %broadcast_in_dim3A_153 = arith.constant -2147483648 : i32
    %broadcast_in_dim3A_154 = vector.broadcast %broadcast_in_dim3A_153 : i32 to vector<8x128xi32>
    %broadcast_in_dim3A_155 = arith.constant -2147483648 : i32
    %broadcast_in_dim3A_156 = vector.broadcast %broadcast_in_dim3A_155 : i32 to vector<8x128xi32>
    %broadcast_in_dim3A_157 = arith.constant -2147483648 : i32
    %broadcast_in_dim3A_158 = vector.broadcast %broadcast_in_dim3A_157 : i32 to vector<8x128xi32>
    %broadcast_in_dim3A_159 = arith.constant -2147483648 : i32
    %broadcast_in_dim3A_160 = vector.broadcast %broadcast_in_dim3A_159 : i32 to vector<8x128xi32>
    %scan3A = arith.constant 0 : i32
    %scan3A_161 = arith.constant 16 : i32
    %scan3A_162 = arith.addi %scan3A, %scan3A_161 : i32
    %scan3A_163 = arith.constant 1 : i32
    %scan3A_164:16 = scf.for %scan3A_368 = %scan3A to %scan3A_162 step %scan3A_163 iter_args(%scan3A_369 = %broadcast_in_dim3A_130, %scan3A_370 = %broadcast_in_dim3A_132, %scan3A_371 = %broadcast_in_dim3A_134, %scan3A_372 = %broadcast_in_dim3A_136, %scan3A_373 = %broadcast_in_dim3A_138, %scan3A_374 = %broadcast_in_dim3A_140, %scan3A_375 = %broadcast_in_dim3A_142, %scan3A_376 = %broadcast_in_dim3A_144, %scan3A_377 = %broadcast_in_dim3A_146, %scan3A_378 = %broadcast_in_dim3A_148, %scan3A_379 = %broadcast_in_dim3A_150, %scan3A_380 = %broadcast_in_dim3A_152, %scan3A_381 = %broadcast_in_dim3A_154, %scan3A_382 = %broadcast_in_dim3A_156, %scan3A_383 = %broadcast_in_dim3A_158, %scan3A_384 = %broadcast_in_dim3A_160) -> (vector<8x128xi32>, vector<8x128xi32>, vector<8x128xi32>, vector<8x128xi32>, vector<8x128xi32>, vector<8x128xi32>, vector<8x128xi32>, vector<8x128xi32>, vector<8x128xi32>, vector<8x128xi32>, vector<8x128xi32>, vector<8x128xi32>, vector<8x128xi32>, vector<8x128xi32>, vector<8x128xi32>, vector<8x128xi32>)  : i32 {
      %mul3A_385 = arith.constant 32 : i32
      %mul3A_386 = arith.muli %scan3A_368, %mul3A_385 : i32
      %get3A_387 = arith.constant 0 : index
      %get3A_388 = arith.index_cast %mul3A_386 : i32 to index
      %get3A_389 = arith.constant 0 : index
      %get3A_390 = vector.load %arg2[%get3A_387, %get3A_388, %get3A_389] : memref<2x512x128xf32, #tpu.memory_space<vmem>>, vector<1x32x128xf32>
      %get3A_391 = vector.shape_cast %get3A_390 : vector<1x32x128xf32> to vector<32x128xf32>
      %get3A_392 = arith.constant 1 : index
      %get3A_393 = arith.index_cast %mul3A_386 : i32 to index
      %get3A_394 = arith.constant 0 : index
      %get3A_395 = vector.load %arg2[%get3A_392, %get3A_393, %get3A_394] : memref<2x512x128xf32, #tpu.memory_space<vmem>>, vector<1x32x128xf32>
      %get3A_396 = vector.shape_cast %get3A_395 : vector<1x32x128xf32> to vector<32x128xf32>
      %div3A = arith.constant 2.000000e+00 : f32
      %div3A_397 = vector.broadcast %div3A : f32 to vector<32x128xf32>
      %div3A_398 = arith.divf %get3A_396, %div3A_397 : vector<32x128xf32>
      %sub3A_399 = arith.subf %get3A_391, %div3A_398 : vector<32x128xf32>
      %div3A_400 = arith.constant 2.000000e+00 : f32
      %div3A_401 = vector.broadcast %div3A_400 : f32 to vector<32x128xf32>
      %div3A_402 = arith.divf %get3A_396, %div3A_401 : vector<32x128xf32>
      %add3A_403 = arith.addf %get3A_391, %div3A_402 : vector<32x128xf32>
      %sub3A_404 = arith.subf %add3A_403, %sub3A_399 : vector<32x128xf32>
      %mul3A_405 = arith.constant 4096 : i32
      %mul3A_406 = arith.muli %scan3A_368, %mul3A_405 : i32
      %sub3A_407 = arith.constant 65535 : i32
      %sub3A_408 = arith.subi %sub3A_407, %mul3A_406 : i32
      %sub3A_409 = vector.broadcast %sub3A_408 : i32 to vector<32x128xi32>
      %sub3A_410 = arith.subi %sub3A_409, %add3A : vector<32x128xi32>
      %broadcast_in_dim3A_411 = arith.constant 0.000000e+00 : f32
      %broadcast_in_dim3A_412 = vector.broadcast %broadcast_in_dim3A_411 : f32 to vector<32x128xf32>
      %broadcast_in_dim3A_413 = vector.broadcast %get3A_2 : f32 to vector<32x128xf32>
      %broadcast_in_dim3A_414 = vector.broadcast %get3A_66 : f32 to vector<32x128xf32>
      %min3A_415 = vector.broadcast %get3A_66 : f32 to vector<32x128xf32>
      %min3A_416 = arith.minimumf %min3A_415, %add3A_403 : vector<32x128xf32>
      %max3A = vector.broadcast %get3A_2 : f32 to vector<32x128xf32>
      %max3A_417 = arith.maximumf %max3A, %sub3A_399 : vector<32x128xf32>
      %sub3A_418 = arith.subf %min3A_416, %max3A_417 : vector<32x128xf32>
      %max3A_419 = arith.constant 0.000000e+00 : f32
      %max3A_420 = vector.broadcast %max3A_419 : f32 to vector<32x128xf32>
      %max3A_421 = arith.maximumf %sub3A_418, %max3A_420 : vector<32x128xf32>
      %sub3A_422 = arith.subf %get3A_66, %get3A_2 : f32
      %add3A_423 = vector.broadcast %sub3A_422 : f32 to vector<32x128xf32>
      %add3A_424 = arith.addf %add3A_423, %sub3A_404 : vector<32x128xf32>
      %sub3A_425 = arith.subf %add3A_424, %max3A_421 : vector<32x128xf32>
      %div3A_426 = arith.divf %max3A_421, %sub3A_425 : vector<32x128xf32>
      %mul3A_427 = arith.constant 1.638400e+04 : f32
      %mul3A_428 = vector.broadcast %mul3A_427 : f32 to vector<32x128xf32>
      %mul3A_429 = arith.mulf %div3A_426, %mul3A_428 : vector<32x128xf32>
      %convert_element_type3A_430 = arith.fptosi %mul3A_429 : vector<32x128xf32> to vector<32x128xi32>
      %mul3A_431 = arith.constant 65536 : i32
      %mul3A_432 = vector.broadcast %mul3A_431 : i32 to vector<32x128xi32>
      %mul3A_433 = arith.muli %convert_element_type3A_430, %mul3A_432 : vector<32x128xi32>
      %add3A_434 = arith.addi %mul3A_433, %sub3A_410 : vector<32x128xi32>
      %slice3A = vector.extract_strided_slice %add3A_434 {offsets = [0, 0], sizes = [16, 128], strides = [1, 1]} : vector<32x128xi32> to vector<16x128xi32>
      %slice3A_435 = vector.extract_strided_slice %add3A_434 {offsets = [16, 0], sizes = [16, 128], strides = [1, 1]} : vector<32x128xi32> to vector<16x128xi32>
      %max3A_436 = arith.maxsi %slice3A, %slice3A_435 : vector<16x128xi32>
      %slice3A_437 = vector.extract_strided_slice %max3A_436 {offsets = [0, 0], sizes = [8, 128], strides = [1, 1]} : vector<16x128xi32> to vector<8x128xi32>
      %slice3A_438 = vector.extract_strided_slice %max3A_436 {offsets = [8, 0], sizes = [8, 128], strides = [1, 1]} : vector<16x128xi32> to vector<8x128xi32>
      %max3A_439 = arith.maxsi %slice3A_437, %slice3A_438 : vector<8x128xi32>
      %max3A_440 = arith.maxsi %scan3A_369, %max3A_439 : vector<8x128xi32>
      %gt3A = arith.cmpf ogt, %div3A_426, %broadcast_in_dim3A_412 : vector<32x128xf32>
      %select_n3A_441 = arith.select %gt3A, %div3A_426, %broadcast_in_dim3A_412 : vector<32x128xi1>, vector<32x128xf32>
      %broadcast_in_dim3A_442 = vector.broadcast %get3A_2 : f32 to vector<32x128xf32>
      %select_n3A_443 = arith.select %gt3A, %broadcast_in_dim3A_442, %broadcast_in_dim3A_413 : vector<32x128xi1>, vector<32x128xf32>
      %broadcast_in_dim3A_444 = vector.broadcast %get3A_66 : f32 to vector<32x128xf32>
      %select_n3A_445 = arith.select %gt3A, %broadcast_in_dim3A_444, %broadcast_in_dim3A_414 : vector<32x128xi1>, vector<32x128xf32>
      %min3A_446 = vector.broadcast %get3A_70 : f32 to vector<32x128xf32>
      %min3A_447 = arith.minimumf %min3A_446, %add3A_403 : vector<32x128xf32>
      %max3A_448 = vector.broadcast %get3A_6 : f32 to vector<32x128xf32>
      %max3A_449 = arith.maximumf %max3A_448, %sub3A_399 : vector<32x128xf32>
      %sub3A_450 = arith.subf %min3A_447, %max3A_449 : vector<32x128xf32>
      %max3A_451 = arith.constant 0.000000e+00 : f32
      %max3A_452 = vector.broadcast %max3A_451 : f32 to vector<32x128xf32>
      %max3A_453 = arith.maximumf %sub3A_450, %max3A_452 : vector<32x128xf32>
      %sub3A_454 = arith.subf %get3A_70, %get3A_6 : f32
      %add3A_455 = vector.broadcast %sub3A_454 : f32 to vector<32x128xf32>
      %add3A_456 = arith.addf %add3A_455, %sub3A_404 : vector<32x128xf32>
      %sub3A_457 = arith.subf %add3A_456, %max3A_453 : vector<32x128xf32>
      %div3A_458 = arith.divf %max3A_453, %sub3A_457 : vector<32x128xf32>
      %mul3A_459 = arith.constant 1.638400e+04 : f32
      %mul3A_460 = vector.broadcast %mul3A_459 : f32 to vector<32x128xf32>
      %mul3A_461 = arith.mulf %div3A_458, %mul3A_460 : vector<32x128xf32>
      %convert_element_type3A_462 = arith.fptosi %mul3A_461 : vector<32x128xf32> to vector<32x128xi32>
      %mul3A_463 = arith.constant 65536 : i32
      %mul3A_464 = vector.broadcast %mul3A_463 : i32 to vector<32x128xi32>
      %mul3A_465 = arith.muli %convert_element_type3A_462, %mul3A_464 : vector<32x128xi32>
      %add3A_466 = arith.addi %mul3A_465, %sub3A_410 : vector<32x128xi32>
      %slice3A_467 = vector.extract_strided_slice %add3A_466 {offsets = [0, 0], sizes = [16, 128], strides = [1, 1]} : vector<32x128xi32> to vector<16x128xi32>
      %slice3A_468 = vector.extract_strided_slice %add3A_466 {offsets = [16, 0], sizes = [16, 128], strides = [1, 1]} : vector<32x128xi32> to vector<16x128xi32>
      %max3A_469 = arith.maxsi %slice3A_467, %slice3A_468 : vector<16x128xi32>
      %slice3A_470 = vector.extract_strided_slice %max3A_469 {offsets = [0, 0], sizes = [8, 128], strides = [1, 1]} : vector<16x128xi32> to vector<8x128xi32>
      %slice3A_471 = vector.extract_strided_slice %max3A_469 {offsets = [8, 0], sizes = [8, 128], strides = [1, 1]} : vector<16x128xi32> to vector<8x128xi32>
      %max3A_472 = arith.maxsi %slice3A_470, %slice3A_471 : vector<8x128xi32>
      %max3A_473 = arith.maxsi %scan3A_370, %max3A_472 : vector<8x128xi32>
      %gt3A_474 = arith.cmpf ogt, %div3A_458, %select_n3A_441 : vector<32x128xf32>
      %select_n3A_475 = arith.select %gt3A_474, %div3A_458, %select_n3A_441 : vector<32x128xi1>, vector<32x128xf32>
      %broadcast_in_dim3A_476 = vector.broadcast %get3A_6 : f32 to vector<32x128xf32>
      %select_n3A_477 = arith.select %gt3A_474, %broadcast_in_dim3A_476, %select_n3A_443 : vector<32x128xi1>, vector<32x128xf32>
      %broadcast_in_dim3A_478 = vector.broadcast %get3A_70 : f32 to vector<32x128xf32>
      %select_n3A_479 = arith.select %gt3A_474, %broadcast_in_dim3A_478, %select_n3A_445 : vector<32x128xi1>, vector<32x128xf32>
      %min3A_480 = vector.broadcast %get3A_74 : f32 to vector<32x128xf32>
      %min3A_481 = arith.minimumf %min3A_480, %add3A_403 : vector<32x128xf32>
      %max3A_482 = vector.broadcast %get3A_10 : f32 to vector<32x128xf32>
      %max3A_483 = arith.maximumf %max3A_482, %sub3A_399 : vector<32x128xf32>
      %sub3A_484 = arith.subf %min3A_481, %max3A_483 : vector<32x128xf32>
      %max3A_485 = arith.constant 0.000000e+00 : f32
      %max3A_486 = vector.broadcast %max3A_485 : f32 to vector<32x128xf32>
      %max3A_487 = arith.maximumf %sub3A_484, %max3A_486 : vector<32x128xf32>
      %sub3A_488 = arith.subf %get3A_74, %get3A_10 : f32
      %add3A_489 = vector.broadcast %sub3A_488 : f32 to vector<32x128xf32>
      %add3A_490 = arith.addf %add3A_489, %sub3A_404 : vector<32x128xf32>
      %sub3A_491 = arith.subf %add3A_490, %max3A_487 : vector<32x128xf32>
      %div3A_492 = arith.divf %max3A_487, %sub3A_491 : vector<32x128xf32>
      %mul3A_493 = arith.constant 1.638400e+04 : f32
      %mul3A_494 = vector.broadcast %mul3A_493 : f32 to vector<32x128xf32>
      %mul3A_495 = arith.mulf %div3A_492, %mul3A_494 : vector<32x128xf32>
      %convert_element_type3A_496 = arith.fptosi %mul3A_495 : vector<32x128xf32> to vector<32x128xi32>
      %mul3A_497 = arith.constant 65536 : i32
      %mul3A_498 = vector.broadcast %mul3A_497 : i32 to vector<32x128xi32>
      %mul3A_499 = arith.muli %convert_element_type3A_496, %mul3A_498 : vector<32x128xi32>
      %add3A_500 = arith.addi %mul3A_499, %sub3A_410 : vector<32x128xi32>
      %slice3A_501 = vector.extract_strided_slice %add3A_500 {offsets = [0, 0], sizes = [16, 128], strides = [1, 1]} : vector<32x128xi32> to vector<16x128xi32>
      %slice3A_502 = vector.extract_strided_slice %add3A_500 {offsets = [16, 0], sizes = [16, 128], strides = [1, 1]} : vector<32x128xi32> to vector<16x128xi32>
      %max3A_503 = arith.maxsi %slice3A_501, %slice3A_502 : vector<16x128xi32>
      %slice3A_504 = vector.extract_strided_slice %max3A_503 {offsets = [0, 0], sizes = [8, 128], strides = [1, 1]} : vector<16x128xi32> to vector<8x128xi32>
      %slice3A_505 = vector.extract_strided_slice %max3A_503 {offsets = [8, 0], sizes = [8, 128], strides = [1, 1]} : vector<16x128xi32> to vector<8x128xi32>
      %max3A_506 = arith.maxsi %slice3A_504, %slice3A_505 : vector<8x128xi32>
      %max3A_507 = arith.maxsi %scan3A_371, %max3A_506 : vector<8x128xi32>
      %gt3A_508 = arith.cmpf ogt, %div3A_492, %select_n3A_475 : vector<32x128xf32>
      %select_n3A_509 = arith.select %gt3A_508, %div3A_492, %select_n3A_475 : vector<32x128xi1>, vector<32x128xf32>
      %broadcast_in_dim3A_510 = vector.broadcast %get3A_10 : f32 to vector<32x128xf32>
      %select_n3A_511 = arith.select %gt3A_508, %broadcast_in_dim3A_510, %select_n3A_477 : vector<32x128xi1>, vector<32x128xf32>
      %broadcast_in_dim3A_512 = vector.broadcast %get3A_74 : f32 to vector<32x128xf32>
      %select_n3A_513 = arith.select %gt3A_508, %broadcast_in_dim3A_512, %select_n3A_479 : vector<32x128xi1>, vector<32x128xf32>
      %min3A_514 = vector.broadcast %get3A_78 : f32 to vector<32x128xf32>
      %min3A_515 = arith.minimumf %min3A_514, %add3A_403 : vector<32x128xf32>
      %max3A_516 = vector.broadcast %get3A_14 : f32 to vector<32x128xf32>
      %max3A_517 = arith.maximumf %max3A_516, %sub3A_399 : vector<32x128xf32>
      %sub3A_518 = arith.subf %min3A_515, %max3A_517 : vector<32x128xf32>
      %max3A_519 = arith.constant 0.000000e+00 : f32
      %max3A_520 = vector.broadcast %max3A_519 : f32 to vector<32x128xf32>
      %max3A_521 = arith.maximumf %sub3A_518, %max3A_520 : vector<32x128xf32>
      %sub3A_522 = arith.subf %get3A_78, %get3A_14 : f32
      %add3A_523 = vector.broadcast %sub3A_522 : f32 to vector<32x128xf32>
      %add3A_524 = arith.addf %add3A_523, %sub3A_404 : vector<32x128xf32>
      %sub3A_525 = arith.subf %add3A_524, %max3A_521 : vector<32x128xf32>
      %div3A_526 = arith.divf %max3A_521, %sub3A_525 : vector<32x128xf32>
      %mul3A_527 = arith.constant 1.638400e+04 : f32
      %mul3A_528 = vector.broadcast %mul3A_527 : f32 to vector<32x128xf32>
      %mul3A_529 = arith.mulf %div3A_526, %mul3A_528 : vector<32x128xf32>
      %convert_element_type3A_530 = arith.fptosi %mul3A_529 : vector<32x128xf32> to vector<32x128xi32>
      %mul3A_531 = arith.constant 65536 : i32
      %mul3A_532 = vector.broadcast %mul3A_531 : i32 to vector<32x128xi32>
      %mul3A_533 = arith.muli %convert_element_type3A_530, %mul3A_532 : vector<32x128xi32>
      %add3A_534 = arith.addi %mul3A_533, %sub3A_410 : vector<32x128xi32>
      %slice3A_535 = vector.extract_strided_slice %add3A_534 {offsets = [0, 0], sizes = [16, 128], strides = [1, 1]} : vector<32x128xi32> to vector<16x128xi32>
      %slice3A_536 = vector.extract_strided_slice %add3A_534 {offsets = [16, 0], sizes = [16, 128], strides = [1, 1]} : vector<32x128xi32> to vector<16x128xi32>
      %max3A_537 = arith.maxsi %slice3A_535, %slice3A_536 : vector<16x128xi32>
      %slice3A_538 = vector.extract_strided_slice %max3A_537 {offsets = [0, 0], sizes = [8, 128], strides = [1, 1]} : vector<16x128xi32> to vector<8x128xi32>
      %slice3A_539 = vector.extract_strided_slice %max3A_537 {offsets = [8, 0], sizes = [8, 128], strides = [1, 1]} : vector<16x128xi32> to vector<8x128xi32>
      %max3A_540 = arith.maxsi %slice3A_538, %slice3A_539 : vector<8x128xi32>
      %max3A_541 = arith.maxsi %scan3A_372, %max3A_540 : vector<8x128xi32>
      %gt3A_542 = arith.cmpf ogt, %div3A_526, %select_n3A_509 : vector<32x128xf32>
      %select_n3A_543 = arith.select %gt3A_542, %div3A_526, %select_n3A_509 : vector<32x128xi1>, vector<32x128xf32>
      %broadcast_in_dim3A_544 = vector.broadcast %get3A_14 : f32 to vector<32x128xf32>
      %select_n3A_545 = arith.select %gt3A_542, %broadcast_in_dim3A_544, %select_n3A_511 : vector<32x128xi1>, vector<32x128xf32>
      %broadcast_in_dim3A_546 = vector.broadcast %get3A_78 : f32 to vector<32x128xf32>
      %select_n3A_547 = arith.select %gt3A_542, %broadcast_in_dim3A_546, %select_n3A_513 : vector<32x128xi1>, vector<32x128xf32>
      %min3A_548 = vector.broadcast %get3A_82 : f32 to vector<32x128xf32>
      %min3A_549 = arith.minimumf %min3A_548, %add3A_403 : vector<32x128xf32>
      %max3A_550 = vector.broadcast %get3A_18 : f32 to vector<32x128xf32>
      %max3A_551 = arith.maximumf %max3A_550, %sub3A_399 : vector<32x128xf32>
      %sub3A_552 = arith.subf %min3A_549, %max3A_551 : vector<32x128xf32>
      %max3A_553 = arith.constant 0.000000e+00 : f32
      %max3A_554 = vector.broadcast %max3A_553 : f32 to vector<32x128xf32>
      %max3A_555 = arith.maximumf %sub3A_552, %max3A_554 : vector<32x128xf32>
      %sub3A_556 = arith.subf %get3A_82, %get3A_18 : f32
      %add3A_557 = vector.broadcast %sub3A_556 : f32 to vector<32x128xf32>
      %add3A_558 = arith.addf %add3A_557, %sub3A_404 : vector<32x128xf32>
      %sub3A_559 = arith.subf %add3A_558, %max3A_555 : vector<32x128xf32>
      %div3A_560 = arith.divf %max3A_555, %sub3A_559 : vector<32x128xf32>
      %mul3A_561 = arith.constant 1.638400e+04 : f32
      %mul3A_562 = vector.broadcast %mul3A_561 : f32 to vector<32x128xf32>
      %mul3A_563 = arith.mulf %div3A_560, %mul3A_562 : vector<32x128xf32>
      %convert_element_type3A_564 = arith.fptosi %mul3A_563 : vector<32x128xf32> to vector<32x128xi32>
      %mul3A_565 = arith.constant 65536 : i32
      %mul3A_566 = vector.broadcast %mul3A_565 : i32 to vector<32x128xi32>
      %mul3A_567 = arith.muli %convert_element_type3A_564, %mul3A_566 : vector<32x128xi32>
      %add3A_568 = arith.addi %mul3A_567, %sub3A_410 : vector<32x128xi32>
      %slice3A_569 = vector.extract_strided_slice %add3A_568 {offsets = [0, 0], sizes = [16, 128], strides = [1, 1]} : vector<32x128xi32> to vector<16x128xi32>
      %slice3A_570 = vector.extract_strided_slice %add3A_568 {offsets = [16, 0], sizes = [16, 128], strides = [1, 1]} : vector<32x128xi32> to vector<16x128xi32>
      %max3A_571 = arith.maxsi %slice3A_569, %slice3A_570 : vector<16x128xi32>
      %slice3A_572 = vector.extract_strided_slice %max3A_571 {offsets = [0, 0], sizes = [8, 128], strides = [1, 1]} : vector<16x128xi32> to vector<8x128xi32>
      %slice3A_573 = vector.extract_strided_slice %max3A_571 {offsets = [8, 0], sizes = [8, 128], strides = [1, 1]} : vector<16x128xi32> to vector<8x128xi32>
      %max3A_574 = arith.maxsi %slice3A_572, %slice3A_573 : vector<8x128xi32>
      %max3A_575 = arith.maxsi %scan3A_373, %max3A_574 : vector<8x128xi32>
      %gt3A_576 = arith.cmpf ogt, %div3A_560, %select_n3A_543 : vector<32x128xf32>
      %select_n3A_577 = arith.select %gt3A_576, %div3A_560, %select_n3A_543 : vector<32x128xi1>, vector<32x128xf32>
      %broadcast_in_dim3A_578 = vector.broadcast %get3A_18 : f32 to vector<32x128xf32>
      %select_n3A_579 = arith.select %gt3A_576, %broadcast_in_dim3A_578, %select_n3A_545 : vector<32x128xi1>, vector<32x128xf32>
      %broadcast_in_dim3A_580 = vector.broadcast %get3A_82 : f32 to vector<32x128xf32>
      %select_n3A_581 = arith.select %gt3A_576, %broadcast_in_dim3A_580, %select_n3A_547 : vector<32x128xi1>, vector<32x128xf32>
      %min3A_582 = vector.broadcast %get3A_86 : f32 to vector<32x128xf32>
      %min3A_583 = arith.minimumf %min3A_582, %add3A_403 : vector<32x128xf32>
      %max3A_584 = vector.broadcast %get3A_22 : f32 to vector<32x128xf32>
      %max3A_585 = arith.maximumf %max3A_584, %sub3A_399 : vector<32x128xf32>
      %sub3A_586 = arith.subf %min3A_583, %max3A_585 : vector<32x128xf32>
      %max3A_587 = arith.constant 0.000000e+00 : f32
      %max3A_588 = vector.broadcast %max3A_587 : f32 to vector<32x128xf32>
      %max3A_589 = arith.maximumf %sub3A_586, %max3A_588 : vector<32x128xf32>
      %sub3A_590 = arith.subf %get3A_86, %get3A_22 : f32
      %add3A_591 = vector.broadcast %sub3A_590 : f32 to vector<32x128xf32>
      %add3A_592 = arith.addf %add3A_591, %sub3A_404 : vector<32x128xf32>
      %sub3A_593 = arith.subf %add3A_592, %max3A_589 : vector<32x128xf32>
      %div3A_594 = arith.divf %max3A_589, %sub3A_593 : vector<32x128xf32>
      %mul3A_595 = arith.constant 1.638400e+04 : f32
      %mul3A_596 = vector.broadcast %mul3A_595 : f32 to vector<32x128xf32>
      %mul3A_597 = arith.mulf %div3A_594, %mul3A_596 : vector<32x128xf32>
      %convert_element_type3A_598 = arith.fptosi %mul3A_597 : vector<32x128xf32> to vector<32x128xi32>
      %mul3A_599 = arith.constant 65536 : i32
      %mul3A_600 = vector.broadcast %mul3A_599 : i32 to vector<32x128xi32>
      %mul3A_601 = arith.muli %convert_element_type3A_598, %mul3A_600 : vector<32x128xi32>
      %add3A_602 = arith.addi %mul3A_601, %sub3A_410 : vector<32x128xi32>
      %slice3A_603 = vector.extract_strided_slice %add3A_602 {offsets = [0, 0], sizes = [16, 128], strides = [1, 1]} : vector<32x128xi32> to vector<16x128xi32>
      %slice3A_604 = vector.extract_strided_slice %add3A_602 {offsets = [16, 0], sizes = [16, 128], strides = [1, 1]} : vector<32x128xi32> to vector<16x128xi32>
      %max3A_605 = arith.maxsi %slice3A_603, %slice3A_604 : vector<16x128xi32>
      %slice3A_606 = vector.extract_strided_slice %max3A_605 {offsets = [0, 0], sizes = [8, 128], strides = [1, 1]} : vector<16x128xi32> to vector<8x128xi32>
      %slice3A_607 = vector.extract_strided_slice %max3A_605 {offsets = [8, 0], sizes = [8, 128], strides = [1, 1]} : vector<16x128xi32> to vector<8x128xi32>
      %max3A_608 = arith.maxsi %slice3A_606, %slice3A_607 : vector<8x128xi32>
      %max3A_609 = arith.maxsi %scan3A_374, %max3A_608 : vector<8x128xi32>
      %gt3A_610 = arith.cmpf ogt, %div3A_594, %select_n3A_577 : vector<32x128xf32>
      %select_n3A_611 = arith.select %gt3A_610, %div3A_594, %select_n3A_577 : vector<32x128xi1>, vector<32x128xf32>
      %broadcast_in_dim3A_612 = vector.broadcast %get3A_22 : f32 to vector<32x128xf32>
      %select_n3A_613 = arith.select %gt3A_610, %broadcast_in_dim3A_612, %select_n3A_579 : vector<32x128xi1>, vector<32x128xf32>
      %broadcast_in_dim3A_614 = vector.broadcast %get3A_86 : f32 to vector<32x128xf32>
      %select_n3A_615 = arith.select %gt3A_610, %broadcast_in_dim3A_614, %select_n3A_581 : vector<32x128xi1>, vector<32x128xf32>
      %min3A_616 = vector.broadcast %get3A_90 : f32 to vector<32x128xf32>
      %min3A_617 = arith.minimumf %min3A_616, %add3A_403 : vector<32x128xf32>
      %max3A_618 = vector.broadcast %get3A_26 : f32 to vector<32x128xf32>
      %max3A_619 = arith.maximumf %max3A_618, %sub3A_399 : vector<32x128xf32>
      %sub3A_620 = arith.subf %min3A_617, %max3A_619 : vector<32x128xf32>
      %max3A_621 = arith.constant 0.000000e+00 : f32
      %max3A_622 = vector.broadcast %max3A_621 : f32 to vector<32x128xf32>
      %max3A_623 = arith.maximumf %sub3A_620, %max3A_622 : vector<32x128xf32>
      %sub3A_624 = arith.subf %get3A_90, %get3A_26 : f32
      %add3A_625 = vector.broadcast %sub3A_624 : f32 to vector<32x128xf32>
      %add3A_626 = arith.addf %add3A_625, %sub3A_404 : vector<32x128xf32>
      %sub3A_627 = arith.subf %add3A_626, %max3A_623 : vector<32x128xf32>
      %div3A_628 = arith.divf %max3A_623, %sub3A_627 : vector<32x128xf32>
      %mul3A_629 = arith.constant 1.638400e+04 : f32
      %mul3A_630 = vector.broadcast %mul3A_629 : f32 to vector<32x128xf32>
      %mul3A_631 = arith.mulf %div3A_628, %mul3A_630 : vector<32x128xf32>
      %convert_element_type3A_632 = arith.fptosi %mul3A_631 : vector<32x128xf32> to vector<32x128xi32>
      %mul3A_633 = arith.constant 65536 : i32
      %mul3A_634 = vector.broadcast %mul3A_633 : i32 to vector<32x128xi32>
      %mul3A_635 = arith.muli %convert_element_type3A_632, %mul3A_634 : vector<32x128xi32>
      %add3A_636 = arith.addi %mul3A_635, %sub3A_410 : vector<32x128xi32>
      %slice3A_637 = vector.extract_strided_slice %add3A_636 {offsets = [0, 0], sizes = [16, 128], strides = [1, 1]} : vector<32x128xi32> to vector<16x128xi32>
      %slice3A_638 = vector.extract_strided_slice %add3A_636 {offsets = [16, 0], sizes = [16, 128], strides = [1, 1]} : vector<32x128xi32> to vector<16x128xi32>
      %max3A_639 = arith.maxsi %slice3A_637, %slice3A_638 : vector<16x128xi32>
      %slice3A_640 = vector.extract_strided_slice %max3A_639 {offsets = [0, 0], sizes = [8, 128], strides = [1, 1]} : vector<16x128xi32> to vector<8x128xi32>
      %slice3A_641 = vector.extract_strided_slice %max3A_639 {offsets = [8, 0], sizes = [8, 128], strides = [1, 1]} : vector<16x128xi32> to vector<8x128xi32>
      %max3A_642 = arith.maxsi %slice3A_640, %slice3A_641 : vector<8x128xi32>
      %max3A_643 = arith.maxsi %scan3A_375, %max3A_642 : vector<8x128xi32>
      %gt3A_644 = arith.cmpf ogt, %div3A_628, %select_n3A_611 : vector<32x128xf32>
      %select_n3A_645 = arith.select %gt3A_644, %div3A_628, %select_n3A_611 : vector<32x128xi1>, vector<32x128xf32>
      %broadcast_in_dim3A_646 = vector.broadcast %get3A_26 : f32 to vector<32x128xf32>
      %select_n3A_647 = arith.select %gt3A_644, %broadcast_in_dim3A_646, %select_n3A_613 : vector<32x128xi1>, vector<32x128xf32>
      %broadcast_in_dim3A_648 = vector.broadcast %get3A_90 : f32 to vector<32x128xf32>
      %select_n3A_649 = arith.select %gt3A_644, %broadcast_in_dim3A_648, %select_n3A_615 : vector<32x128xi1>, vector<32x128xf32>
      %min3A_650 = vector.broadcast %get3A_94 : f32 to vector<32x128xf32>
      %min3A_651 = arith.minimumf %min3A_650, %add3A_403 : vector<32x128xf32>
      %max3A_652 = vector.broadcast %get3A_30 : f32 to vector<32x128xf32>
      %max3A_653 = arith.maximumf %max3A_652, %sub3A_399 : vector<32x128xf32>
      %sub3A_654 = arith.subf %min3A_651, %max3A_653 : vector<32x128xf32>
      %max3A_655 = arith.constant 0.000000e+00 : f32
      %max3A_656 = vector.broadcast %max3A_655 : f32 to vector<32x128xf32>
      %max3A_657 = arith.maximumf %sub3A_654, %max3A_656 : vector<32x128xf32>
      %sub3A_658 = arith.subf %get3A_94, %get3A_30 : f32
      %add3A_659 = vector.broadcast %sub3A_658 : f32 to vector<32x128xf32>
      %add3A_660 = arith.addf %add3A_659, %sub3A_404 : vector<32x128xf32>
      %sub3A_661 = arith.subf %add3A_660, %max3A_657 : vector<32x128xf32>
      %div3A_662 = arith.divf %max3A_657, %sub3A_661 : vector<32x128xf32>
      %mul3A_663 = arith.constant 1.638400e+04 : f32
      %mul3A_664 = vector.broadcast %mul3A_663 : f32 to vector<32x128xf32>
      %mul3A_665 = arith.mulf %div3A_662, %mul3A_664 : vector<32x128xf32>
      %convert_element_type3A_666 = arith.fptosi %mul3A_665 : vector<32x128xf32> to vector<32x128xi32>
      %mul3A_667 = arith.constant 65536 : i32
      %mul3A_668 = vector.broadcast %mul3A_667 : i32 to vector<32x128xi32>
      %mul3A_669 = arith.muli %convert_element_type3A_666, %mul3A_668 : vector<32x128xi32>
      %add3A_670 = arith.addi %mul3A_669, %sub3A_410 : vector<32x128xi32>
      %slice3A_671 = vector.extract_strided_slice %add3A_670 {offsets = [0, 0], sizes = [16, 128], strides = [1, 1]} : vector<32x128xi32> to vector<16x128xi32>
      %slice3A_672 = vector.extract_strided_slice %add3A_670 {offsets = [16, 0], sizes = [16, 128], strides = [1, 1]} : vector<32x128xi32> to vector<16x128xi32>
      %max3A_673 = arith.maxsi %slice3A_671, %slice3A_672 : vector<16x128xi32>
      %slice3A_674 = vector.extract_strided_slice %max3A_673 {offsets = [0, 0], sizes = [8, 128], strides = [1, 1]} : vector<16x128xi32> to vector<8x128xi32>
      %slice3A_675 = vector.extract_strided_slice %max3A_673 {offsets = [8, 0], sizes = [8, 128], strides = [1, 1]} : vector<16x128xi32> to vector<8x128xi32>
      %max3A_676 = arith.maxsi %slice3A_674, %slice3A_675 : vector<8x128xi32>
      %max3A_677 = arith.maxsi %scan3A_376, %max3A_676 : vector<8x128xi32>
      %gt3A_678 = arith.cmpf ogt, %div3A_662, %select_n3A_645 : vector<32x128xf32>
      %select_n3A_679 = arith.select %gt3A_678, %div3A_662, %select_n3A_645 : vector<32x128xi1>, vector<32x128xf32>
      %broadcast_in_dim3A_680 = vector.broadcast %get3A_30 : f32 to vector<32x128xf32>
      %select_n3A_681 = arith.select %gt3A_678, %broadcast_in_dim3A_680, %select_n3A_647 : vector<32x128xi1>, vector<32x128xf32>
      %broadcast_in_dim3A_682 = vector.broadcast %get3A_94 : f32 to vector<32x128xf32>
      %select_n3A_683 = arith.select %gt3A_678, %broadcast_in_dim3A_682, %select_n3A_649 : vector<32x128xi1>, vector<32x128xf32>
      %min3A_684 = vector.broadcast %get3A_98 : f32 to vector<32x128xf32>
      %min3A_685 = arith.minimumf %min3A_684, %add3A_403 : vector<32x128xf32>
      %max3A_686 = vector.broadcast %get3A_34 : f32 to vector<32x128xf32>
      %max3A_687 = arith.maximumf %max3A_686, %sub3A_399 : vector<32x128xf32>
      %sub3A_688 = arith.subf %min3A_685, %max3A_687 : vector<32x128xf32>
      %max3A_689 = arith.constant 0.000000e+00 : f32
      %max3A_690 = vector.broadcast %max3A_689 : f32 to vector<32x128xf32>
      %max3A_691 = arith.maximumf %sub3A_688, %max3A_690 : vector<32x128xf32>
      %sub3A_692 = arith.subf %get3A_98, %get3A_34 : f32
      %add3A_693 = vector.broadcast %sub3A_692 : f32 to vector<32x128xf32>
      %add3A_694 = arith.addf %add3A_693, %sub3A_404 : vector<32x128xf32>
      %sub3A_695 = arith.subf %add3A_694, %max3A_691 : vector<32x128xf32>
      %div3A_696 = arith.divf %max3A_691, %sub3A_695 : vector<32x128xf32>
      %mul3A_697 = arith.constant 1.638400e+04 : f32
      %mul3A_698 = vector.broadcast %mul3A_697 : f32 to vector<32x128xf32>
      %mul3A_699 = arith.mulf %div3A_696, %mul3A_698 : vector<32x128xf32>
      %convert_element_type3A_700 = arith.fptosi %mul3A_699 : vector<32x128xf32> to vector<32x128xi32>
      %mul3A_701 = arith.constant 65536 : i32
      %mul3A_702 = vector.broadcast %mul3A_701 : i32 to vector<32x128xi32>
      %mul3A_703 = arith.muli %convert_element_type3A_700, %mul3A_702 : vector<32x128xi32>
      %add3A_704 = arith.addi %mul3A_703, %sub3A_410 : vector<32x128xi32>
      %slice3A_705 = vector.extract_strided_slice %add3A_704 {offsets = [0, 0], sizes = [16, 128], strides = [1, 1]} : vector<32x128xi32> to vector<16x128xi32>
      %slice3A_706 = vector.extract_strided_slice %add3A_704 {offsets = [16, 0], sizes = [16, 128], strides = [1, 1]} : vector<32x128xi32> to vector<16x128xi32>
      %max3A_707 = arith.maxsi %slice3A_705, %slice3A_706 : vector<16x128xi32>
      %slice3A_708 = vector.extract_strided_slice %max3A_707 {offsets = [0, 0], sizes = [8, 128], strides = [1, 1]} : vector<16x128xi32> to vector<8x128xi32>
      %slice3A_709 = vector.extract_strided_slice %max3A_707 {offsets = [8, 0], sizes = [8, 128], strides = [1, 1]} : vector<16x128xi32> to vector<8x128xi32>
      %max3A_710 = arith.maxsi %slice3A_708, %slice3A_709 : vector<8x128xi32>
      %max3A_711 = arith.maxsi %scan3A_377, %max3A_710 : vector<8x128xi32>
      %gt3A_712 = arith.cmpf ogt, %div3A_696, %select_n3A_679 : vector<32x128xf32>
      %select_n3A_713 = arith.select %gt3A_712, %div3A_696, %select_n3A_679 : vector<32x128xi1>, vector<32x128xf32>
      %broadcast_in_dim3A_714 = vector.broadcast %get3A_34 : f32 to vector<32x128xf32>
      %select_n3A_715 = arith.select %gt3A_712, %broadcast_in_dim3A_714, %select_n3A_681 : vector<32x128xi1>, vector<32x128xf32>
      %broadcast_in_dim3A_716 = vector.broadcast %get3A_98 : f32 to vector<32x128xf32>
      %select_n3A_717 = arith.select %gt3A_712, %broadcast_in_dim3A_716, %select_n3A_683 : vector<32x128xi1>, vector<32x128xf32>
      %min3A_718 = vector.broadcast %get3A_102 : f32 to vector<32x128xf32>
      %min3A_719 = arith.minimumf %min3A_718, %add3A_403 : vector<32x128xf32>
      %max3A_720 = vector.broadcast %get3A_38 : f32 to vector<32x128xf32>
      %max3A_721 = arith.maximumf %max3A_720, %sub3A_399 : vector<32x128xf32>
      %sub3A_722 = arith.subf %min3A_719, %max3A_721 : vector<32x128xf32>
      %max3A_723 = arith.constant 0.000000e+00 : f32
      %max3A_724 = vector.broadcast %max3A_723 : f32 to vector<32x128xf32>
      %max3A_725 = arith.maximumf %sub3A_722, %max3A_724 : vector<32x128xf32>
      %sub3A_726 = arith.subf %get3A_102, %get3A_38 : f32
      %add3A_727 = vector.broadcast %sub3A_726 : f32 to vector<32x128xf32>
      %add3A_728 = arith.addf %add3A_727, %sub3A_404 : vector<32x128xf32>
      %sub3A_729 = arith.subf %add3A_728, %max3A_725 : vector<32x128xf32>
      %div3A_730 = arith.divf %max3A_725, %sub3A_729 : vector<32x128xf32>
      %mul3A_731 = arith.constant 1.638400e+04 : f32
      %mul3A_732 = vector.broadcast %mul3A_731 : f32 to vector<32x128xf32>
      %mul3A_733 = arith.mulf %div3A_730, %mul3A_732 : vector<32x128xf32>
      %convert_element_type3A_734 = arith.fptosi %mul3A_733 : vector<32x128xf32> to vector<32x128xi32>
      %mul3A_735 = arith.constant 65536 : i32
      %mul3A_736 = vector.broadcast %mul3A_735 : i32 to vector<32x128xi32>
      %mul3A_737 = arith.muli %convert_element_type3A_734, %mul3A_736 : vector<32x128xi32>
      %add3A_738 = arith.addi %mul3A_737, %sub3A_410 : vector<32x128xi32>
      %slice3A_739 = vector.extract_strided_slice %add3A_738 {offsets = [0, 0], sizes = [16, 128], strides = [1, 1]} : vector<32x128xi32> to vector<16x128xi32>
      %slice3A_740 = vector.extract_strided_slice %add3A_738 {offsets = [16, 0], sizes = [16, 128], strides = [1, 1]} : vector<32x128xi32> to vector<16x128xi32>
      %max3A_741 = arith.maxsi %slice3A_739, %slice3A_740 : vector<16x128xi32>
      %slice3A_742 = vector.extract_strided_slice %max3A_741 {offsets = [0, 0], sizes = [8, 128], strides = [1, 1]} : vector<16x128xi32> to vector<8x128xi32>
      %slice3A_743 = vector.extract_strided_slice %max3A_741 {offsets = [8, 0], sizes = [8, 128], strides = [1, 1]} : vector<16x128xi32> to vector<8x128xi32>
      %max3A_744 = arith.maxsi %slice3A_742, %slice3A_743 : vector<8x128xi32>
      %max3A_745 = arith.maxsi %scan3A_378, %max3A_744 : vector<8x128xi32>
      %gt3A_746 = arith.cmpf ogt, %div3A_730, %select_n3A_713 : vector<32x128xf32>
      %select_n3A_747 = arith.select %gt3A_746, %div3A_730, %select_n3A_713 : vector<32x128xi1>, vector<32x128xf32>
      %broadcast_in_dim3A_748 = vector.broadcast %get3A_38 : f32 to vector<32x128xf32>
      %select_n3A_749 = arith.select %gt3A_746, %broadcast_in_dim3A_748, %select_n3A_715 : vector<32x128xi1>, vector<32x128xf32>
      %broadcast_in_dim3A_750 = vector.broadcast %get3A_102 : f32 to vector<32x128xf32>
      %select_n3A_751 = arith.select %gt3A_746, %broadcast_in_dim3A_750, %select_n3A_717 : vector<32x128xi1>, vector<32x128xf32>
      %min3A_752 = vector.broadcast %get3A_106 : f32 to vector<32x128xf32>
      %min3A_753 = arith.minimumf %min3A_752, %add3A_403 : vector<32x128xf32>
      %max3A_754 = vector.broadcast %get3A_42 : f32 to vector<32x128xf32>
      %max3A_755 = arith.maximumf %max3A_754, %sub3A_399 : vector<32x128xf32>
      %sub3A_756 = arith.subf %min3A_753, %max3A_755 : vector<32x128xf32>
      %max3A_757 = arith.constant 0.000000e+00 : f32
      %max3A_758 = vector.broadcast %max3A_757 : f32 to vector<32x128xf32>
      %max3A_759 = arith.maximumf %sub3A_756, %max3A_758 : vector<32x128xf32>
      %sub3A_760 = arith.subf %get3A_106, %get3A_42 : f32
      %add3A_761 = vector.broadcast %sub3A_760 : f32 to vector<32x128xf32>
      %add3A_762 = arith.addf %add3A_761, %sub3A_404 : vector<32x128xf32>
      %sub3A_763 = arith.subf %add3A_762, %max3A_759 : vector<32x128xf32>
      %div3A_764 = arith.divf %max3A_759, %sub3A_763 : vector<32x128xf32>
      %mul3A_765 = arith.constant 1.638400e+04 : f32
      %mul3A_766 = vector.broadcast %mul3A_765 : f32 to vector<32x128xf32>
      %mul3A_767 = arith.mulf %div3A_764, %mul3A_766 : vector<32x128xf32>
      %convert_element_type3A_768 = arith.fptosi %mul3A_767 : vector<32x128xf32> to vector<32x128xi32>
      %mul3A_769 = arith.constant 65536 : i32
      %mul3A_770 = vector.broadcast %mul3A_769 : i32 to vector<32x128xi32>
      %mul3A_771 = arith.muli %convert_element_type3A_768, %mul3A_770 : vector<32x128xi32>
      %add3A_772 = arith.addi %mul3A_771, %sub3A_410 : vector<32x128xi32>
      %slice3A_773 = vector.extract_strided_slice %add3A_772 {offsets = [0, 0], sizes = [16, 128], strides = [1, 1]} : vector<32x128xi32> to vector<16x128xi32>
      %slice3A_774 = vector.extract_strided_slice %add3A_772 {offsets = [16, 0], sizes = [16, 128], strides = [1, 1]} : vector<32x128xi32> to vector<16x128xi32>
      %max3A_775 = arith.maxsi %slice3A_773, %slice3A_774 : vector<16x128xi32>
      %slice3A_776 = vector.extract_strided_slice %max3A_775 {offsets = [0, 0], sizes = [8, 128], strides = [1, 1]} : vector<16x128xi32> to vector<8x128xi32>
      %slice3A_777 = vector.extract_strided_slice %max3A_775 {offsets = [8, 0], sizes = [8, 128], strides = [1, 1]} : vector<16x128xi32> to vector<8x128xi32>
      %max3A_778 = arith.maxsi %slice3A_776, %slice3A_777 : vector<8x128xi32>
      %max3A_779 = arith.maxsi %scan3A_379, %max3A_778 : vector<8x128xi32>
      %gt3A_780 = arith.cmpf ogt, %div3A_764, %select_n3A_747 : vector<32x128xf32>
      %select_n3A_781 = arith.select %gt3A_780, %div3A_764, %select_n3A_747 : vector<32x128xi1>, vector<32x128xf32>
      %broadcast_in_dim3A_782 = vector.broadcast %get3A_42 : f32 to vector<32x128xf32>
      %select_n3A_783 = arith.select %gt3A_780, %broadcast_in_dim3A_782, %select_n3A_749 : vector<32x128xi1>, vector<32x128xf32>
      %broadcast_in_dim3A_784 = vector.broadcast %get3A_106 : f32 to vector<32x128xf32>
      %select_n3A_785 = arith.select %gt3A_780, %broadcast_in_dim3A_784, %select_n3A_751 : vector<32x128xi1>, vector<32x128xf32>
      %min3A_786 = vector.broadcast %get3A_110 : f32 to vector<32x128xf32>
      %min3A_787 = arith.minimumf %min3A_786, %add3A_403 : vector<32x128xf32>
      %max3A_788 = vector.broadcast %get3A_46 : f32 to vector<32x128xf32>
      %max3A_789 = arith.maximumf %max3A_788, %sub3A_399 : vector<32x128xf32>
      %sub3A_790 = arith.subf %min3A_787, %max3A_789 : vector<32x128xf32>
      %max3A_791 = arith.constant 0.000000e+00 : f32
      %max3A_792 = vector.broadcast %max3A_791 : f32 to vector<32x128xf32>
      %max3A_793 = arith.maximumf %sub3A_790, %max3A_792 : vector<32x128xf32>
      %sub3A_794 = arith.subf %get3A_110, %get3A_46 : f32
      %add3A_795 = vector.broadcast %sub3A_794 : f32 to vector<32x128xf32>
      %add3A_796 = arith.addf %add3A_795, %sub3A_404 : vector<32x128xf32>
      %sub3A_797 = arith.subf %add3A_796, %max3A_793 : vector<32x128xf32>
      %div3A_798 = arith.divf %max3A_793, %sub3A_797 : vector<32x128xf32>
      %mul3A_799 = arith.constant 1.638400e+04 : f32
      %mul3A_800 = vector.broadcast %mul3A_799 : f32 to vector<32x128xf32>
      %mul3A_801 = arith.mulf %div3A_798, %mul3A_800 : vector<32x128xf32>
      %convert_element_type3A_802 = arith.fptosi %mul3A_801 : vector<32x128xf32> to vector<32x128xi32>
      %mul3A_803 = arith.constant 65536 : i32
      %mul3A_804 = vector.broadcast %mul3A_803 : i32 to vector<32x128xi32>
      %mul3A_805 = arith.muli %convert_element_type3A_802, %mul3A_804 : vector<32x128xi32>
      %add3A_806 = arith.addi %mul3A_805, %sub3A_410 : vector<32x128xi32>
      %slice3A_807 = vector.extract_strided_slice %add3A_806 {offsets = [0, 0], sizes = [16, 128], strides = [1, 1]} : vector<32x128xi32> to vector<16x128xi32>
      %slice3A_808 = vector.extract_strided_slice %add3A_806 {offsets = [16, 0], sizes = [16, 128], strides = [1, 1]} : vector<32x128xi32> to vector<16x128xi32>
      %max3A_809 = arith.maxsi %slice3A_807, %slice3A_808 : vector<16x128xi32>
      %slice3A_810 = vector.extract_strided_slice %max3A_809 {offsets = [0, 0], sizes = [8, 128], strides = [1, 1]} : vector<16x128xi32> to vector<8x128xi32>
      %slice3A_811 = vector.extract_strided_slice %max3A_809 {offsets = [8, 0], sizes = [8, 128], strides = [1, 1]} : vector<16x128xi32> to vector<8x128xi32>
      %max3A_812 = arith.maxsi %slice3A_810, %slice3A_811 : vector<8x128xi32>
      %max3A_813 = arith.maxsi %scan3A_380, %max3A_812 : vector<8x128xi32>
      %gt3A_814 = arith.cmpf ogt, %div3A_798, %select_n3A_781 : vector<32x128xf32>
      %select_n3A_815 = arith.select %gt3A_814, %div3A_798, %select_n3A_781 : vector<32x128xi1>, vector<32x128xf32>
      %broadcast_in_dim3A_816 = vector.broadcast %get3A_46 : f32 to vector<32x128xf32>
      %select_n3A_817 = arith.select %gt3A_814, %broadcast_in_dim3A_816, %select_n3A_783 : vector<32x128xi1>, vector<32x128xf32>
      %broadcast_in_dim3A_818 = vector.broadcast %get3A_110 : f32 to vector<32x128xf32>
      %select_n3A_819 = arith.select %gt3A_814, %broadcast_in_dim3A_818, %select_n3A_785 : vector<32x128xi1>, vector<32x128xf32>
      %min3A_820 = vector.broadcast %get3A_114 : f32 to vector<32x128xf32>
      %min3A_821 = arith.minimumf %min3A_820, %add3A_403 : vector<32x128xf32>
      %max3A_822 = vector.broadcast %get3A_50 : f32 to vector<32x128xf32>
      %max3A_823 = arith.maximumf %max3A_822, %sub3A_399 : vector<32x128xf32>
      %sub3A_824 = arith.subf %min3A_821, %max3A_823 : vector<32x128xf32>
      %max3A_825 = arith.constant 0.000000e+00 : f32
      %max3A_826 = vector.broadcast %max3A_825 : f32 to vector<32x128xf32>
      %max3A_827 = arith.maximumf %sub3A_824, %max3A_826 : vector<32x128xf32>
      %sub3A_828 = arith.subf %get3A_114, %get3A_50 : f32
      %add3A_829 = vector.broadcast %sub3A_828 : f32 to vector<32x128xf32>
      %add3A_830 = arith.addf %add3A_829, %sub3A_404 : vector<32x128xf32>
      %sub3A_831 = arith.subf %add3A_830, %max3A_827 : vector<32x128xf32>
      %div3A_832 = arith.divf %max3A_827, %sub3A_831 : vector<32x128xf32>
      %mul3A_833 = arith.constant 1.638400e+04 : f32
      %mul3A_834 = vector.broadcast %mul3A_833 : f32 to vector<32x128xf32>
      %mul3A_835 = arith.mulf %div3A_832, %mul3A_834 : vector<32x128xf32>
      %convert_element_type3A_836 = arith.fptosi %mul3A_835 : vector<32x128xf32> to vector<32x128xi32>
      %mul3A_837 = arith.constant 65536 : i32
      %mul3A_838 = vector.broadcast %mul3A_837 : i32 to vector<32x128xi32>
      %mul3A_839 = arith.muli %convert_element_type3A_836, %mul3A_838 : vector<32x128xi32>
      %add3A_840 = arith.addi %mul3A_839, %sub3A_410 : vector<32x128xi32>
      %slice3A_841 = vector.extract_strided_slice %add3A_840 {offsets = [0, 0], sizes = [16, 128], strides = [1, 1]} : vector<32x128xi32> to vector<16x128xi32>
      %slice3A_842 = vector.extract_strided_slice %add3A_840 {offsets = [16, 0], sizes = [16, 128], strides = [1, 1]} : vector<32x128xi32> to vector<16x128xi32>
      %max3A_843 = arith.maxsi %slice3A_841, %slice3A_842 : vector<16x128xi32>
      %slice3A_844 = vector.extract_strided_slice %max3A_843 {offsets = [0, 0], sizes = [8, 128], strides = [1, 1]} : vector<16x128xi32> to vector<8x128xi32>
      %slice3A_845 = vector.extract_strided_slice %max3A_843 {offsets = [8, 0], sizes = [8, 128], strides = [1, 1]} : vector<16x128xi32> to vector<8x128xi32>
      %max3A_846 = arith.maxsi %slice3A_844, %slice3A_845 : vector<8x128xi32>
      %max3A_847 = arith.maxsi %scan3A_381, %max3A_846 : vector<8x128xi32>
      %gt3A_848 = arith.cmpf ogt, %div3A_832, %select_n3A_815 : vector<32x128xf32>
      %select_n3A_849 = arith.select %gt3A_848, %div3A_832, %select_n3A_815 : vector<32x128xi1>, vector<32x128xf32>
      %broadcast_in_dim3A_850 = vector.broadcast %get3A_50 : f32 to vector<32x128xf32>
      %select_n3A_851 = arith.select %gt3A_848, %broadcast_in_dim3A_850, %select_n3A_817 : vector<32x128xi1>, vector<32x128xf32>
      %broadcast_in_dim3A_852 = vector.broadcast %get3A_114 : f32 to vector<32x128xf32>
      %select_n3A_853 = arith.select %gt3A_848, %broadcast_in_dim3A_852, %select_n3A_819 : vector<32x128xi1>, vector<32x128xf32>
      %min3A_854 = vector.broadcast %get3A_118 : f32 to vector<32x128xf32>
      %min3A_855 = arith.minimumf %min3A_854, %add3A_403 : vector<32x128xf32>
      %max3A_856 = vector.broadcast %get3A_54 : f32 to vector<32x128xf32>
      %max3A_857 = arith.maximumf %max3A_856, %sub3A_399 : vector<32x128xf32>
      %sub3A_858 = arith.subf %min3A_855, %max3A_857 : vector<32x128xf32>
      %max3A_859 = arith.constant 0.000000e+00 : f32
      %max3A_860 = vector.broadcast %max3A_859 : f32 to vector<32x128xf32>
      %max3A_861 = arith.maximumf %sub3A_858, %max3A_860 : vector<32x128xf32>
      %sub3A_862 = arith.subf %get3A_118, %get3A_54 : f32
      %add3A_863 = vector.broadcast %sub3A_862 : f32 to vector<32x128xf32>
      %add3A_864 = arith.addf %add3A_863, %sub3A_404 : vector<32x128xf32>
      %sub3A_865 = arith.subf %add3A_864, %max3A_861 : vector<32x128xf32>
      %div3A_866 = arith.divf %max3A_861, %sub3A_865 : vector<32x128xf32>
      %mul3A_867 = arith.constant 1.638400e+04 : f32
      %mul3A_868 = vector.broadcast %mul3A_867 : f32 to vector<32x128xf32>
      %mul3A_869 = arith.mulf %div3A_866, %mul3A_868 : vector<32x128xf32>
      %convert_element_type3A_870 = arith.fptosi %mul3A_869 : vector<32x128xf32> to vector<32x128xi32>
      %mul3A_871 = arith.constant 65536 : i32
      %mul3A_872 = vector.broadcast %mul3A_871 : i32 to vector<32x128xi32>
      %mul3A_873 = arith.muli %convert_element_type3A_870, %mul3A_872 : vector<32x128xi32>
      %add3A_874 = arith.addi %mul3A_873, %sub3A_410 : vector<32x128xi32>
      %slice3A_875 = vector.extract_strided_slice %add3A_874 {offsets = [0, 0], sizes = [16, 128], strides = [1, 1]} : vector<32x128xi32> to vector<16x128xi32>
      %slice3A_876 = vector.extract_strided_slice %add3A_874 {offsets = [16, 0], sizes = [16, 128], strides = [1, 1]} : vector<32x128xi32> to vector<16x128xi32>
      %max3A_877 = arith.maxsi %slice3A_875, %slice3A_876 : vector<16x128xi32>
      %slice3A_878 = vector.extract_strided_slice %max3A_877 {offsets = [0, 0], sizes = [8, 128], strides = [1, 1]} : vector<16x128xi32> to vector<8x128xi32>
      %slice3A_879 = vector.extract_strided_slice %max3A_877 {offsets = [8, 0], sizes = [8, 128], strides = [1, 1]} : vector<16x128xi32> to vector<8x128xi32>
      %max3A_880 = arith.maxsi %slice3A_878, %slice3A_879 : vector<8x128xi32>
      %max3A_881 = arith.maxsi %scan3A_382, %max3A_880 : vector<8x128xi32>
      %gt3A_882 = arith.cmpf ogt, %div3A_866, %select_n3A_849 : vector<32x128xf32>
      %select_n3A_883 = arith.select %gt3A_882, %div3A_866, %select_n3A_849 : vector<32x128xi1>, vector<32x128xf32>
      %broadcast_in_dim3A_884 = vector.broadcast %get3A_54 : f32 to vector<32x128xf32>
      %select_n3A_885 = arith.select %gt3A_882, %broadcast_in_dim3A_884, %select_n3A_851 : vector<32x128xi1>, vector<32x128xf32>
      %broadcast_in_dim3A_886 = vector.broadcast %get3A_118 : f32 to vector<32x128xf32>
      %select_n3A_887 = arith.select %gt3A_882, %broadcast_in_dim3A_886, %select_n3A_853 : vector<32x128xi1>, vector<32x128xf32>
      %min3A_888 = vector.broadcast %get3A_122 : f32 to vector<32x128xf32>
      %min3A_889 = arith.minimumf %min3A_888, %add3A_403 : vector<32x128xf32>
      %max3A_890 = vector.broadcast %get3A_58 : f32 to vector<32x128xf32>
      %max3A_891 = arith.maximumf %max3A_890, %sub3A_399 : vector<32x128xf32>
      %sub3A_892 = arith.subf %min3A_889, %max3A_891 : vector<32x128xf32>
      %max3A_893 = arith.constant 0.000000e+00 : f32
      %max3A_894 = vector.broadcast %max3A_893 : f32 to vector<32x128xf32>
      %max3A_895 = arith.maximumf %sub3A_892, %max3A_894 : vector<32x128xf32>
      %sub3A_896 = arith.subf %get3A_122, %get3A_58 : f32
      %add3A_897 = vector.broadcast %sub3A_896 : f32 to vector<32x128xf32>
      %add3A_898 = arith.addf %add3A_897, %sub3A_404 : vector<32x128xf32>
      %sub3A_899 = arith.subf %add3A_898, %max3A_895 : vector<32x128xf32>
      %div3A_900 = arith.divf %max3A_895, %sub3A_899 : vector<32x128xf32>
      %mul3A_901 = arith.constant 1.638400e+04 : f32
      %mul3A_902 = vector.broadcast %mul3A_901 : f32 to vector<32x128xf32>
      %mul3A_903 = arith.mulf %div3A_900, %mul3A_902 : vector<32x128xf32>
      %convert_element_type3A_904 = arith.fptosi %mul3A_903 : vector<32x128xf32> to vector<32x128xi32>
      %mul3A_905 = arith.constant 65536 : i32
      %mul3A_906 = vector.broadcast %mul3A_905 : i32 to vector<32x128xi32>
      %mul3A_907 = arith.muli %convert_element_type3A_904, %mul3A_906 : vector<32x128xi32>
      %add3A_908 = arith.addi %mul3A_907, %sub3A_410 : vector<32x128xi32>
      %slice3A_909 = vector.extract_strided_slice %add3A_908 {offsets = [0, 0], sizes = [16, 128], strides = [1, 1]} : vector<32x128xi32> to vector<16x128xi32>
      %slice3A_910 = vector.extract_strided_slice %add3A_908 {offsets = [16, 0], sizes = [16, 128], strides = [1, 1]} : vector<32x128xi32> to vector<16x128xi32>
      %max3A_911 = arith.maxsi %slice3A_909, %slice3A_910 : vector<16x128xi32>
      %slice3A_912 = vector.extract_strided_slice %max3A_911 {offsets = [0, 0], sizes = [8, 128], strides = [1, 1]} : vector<16x128xi32> to vector<8x128xi32>
      %slice3A_913 = vector.extract_strided_slice %max3A_911 {offsets = [8, 0], sizes = [8, 128], strides = [1, 1]} : vector<16x128xi32> to vector<8x128xi32>
      %max3A_914 = arith.maxsi %slice3A_912, %slice3A_913 : vector<8x128xi32>
      %max3A_915 = arith.maxsi %scan3A_383, %max3A_914 : vector<8x128xi32>
      %gt3A_916 = arith.cmpf ogt, %div3A_900, %select_n3A_883 : vector<32x128xf32>
      %select_n3A_917 = arith.select %gt3A_916, %div3A_900, %select_n3A_883 : vector<32x128xi1>, vector<32x128xf32>
      %broadcast_in_dim3A_918 = vector.broadcast %get3A_58 : f32 to vector<32x128xf32>
      %select_n3A_919 = arith.select %gt3A_916, %broadcast_in_dim3A_918, %select_n3A_885 : vector<32x128xi1>, vector<32x128xf32>
      %broadcast_in_dim3A_920 = vector.broadcast %get3A_122 : f32 to vector<32x128xf32>
      %select_n3A_921 = arith.select %gt3A_916, %broadcast_in_dim3A_920, %select_n3A_887 : vector<32x128xi1>, vector<32x128xf32>
      %min3A_922 = vector.broadcast %get3A_126 : f32 to vector<32x128xf32>
      %min3A_923 = arith.minimumf %min3A_922, %add3A_403 : vector<32x128xf32>
      %max3A_924 = vector.broadcast %get3A_62 : f32 to vector<32x128xf32>
      %max3A_925 = arith.maximumf %max3A_924, %sub3A_399 : vector<32x128xf32>
      %sub3A_926 = arith.subf %min3A_923, %max3A_925 : vector<32x128xf32>
      %max3A_927 = arith.constant 0.000000e+00 : f32
      %max3A_928 = vector.broadcast %max3A_927 : f32 to vector<32x128xf32>
      %max3A_929 = arith.maximumf %sub3A_926, %max3A_928 : vector<32x128xf32>
      %sub3A_930 = arith.subf %get3A_126, %get3A_62 : f32
      %add3A_931 = vector.broadcast %sub3A_930 : f32 to vector<32x128xf32>
      %add3A_932 = arith.addf %add3A_931, %sub3A_404 : vector<32x128xf32>
      %sub3A_933 = arith.subf %add3A_932, %max3A_929 : vector<32x128xf32>
      %div3A_934 = arith.divf %max3A_929, %sub3A_933 : vector<32x128xf32>
      %mul3A_935 = arith.constant 1.638400e+04 : f32
      %mul3A_936 = vector.broadcast %mul3A_935 : f32 to vector<32x128xf32>
      %mul3A_937 = arith.mulf %div3A_934, %mul3A_936 : vector<32x128xf32>
      %convert_element_type3A_938 = arith.fptosi %mul3A_937 : vector<32x128xf32> to vector<32x128xi32>
      %mul3A_939 = arith.constant 65536 : i32
      %mul3A_940 = vector.broadcast %mul3A_939 : i32 to vector<32x128xi32>
      %mul3A_941 = arith.muli %convert_element_type3A_938, %mul3A_940 : vector<32x128xi32>
      %add3A_942 = arith.addi %mul3A_941, %sub3A_410 : vector<32x128xi32>
      %slice3A_943 = vector.extract_strided_slice %add3A_942 {offsets = [0, 0], sizes = [16, 128], strides = [1, 1]} : vector<32x128xi32> to vector<16x128xi32>
      %slice3A_944 = vector.extract_strided_slice %add3A_942 {offsets = [16, 0], sizes = [16, 128], strides = [1, 1]} : vector<32x128xi32> to vector<16x128xi32>
      %max3A_945 = arith.maxsi %slice3A_943, %slice3A_944 : vector<16x128xi32>
      %slice3A_946 = vector.extract_strided_slice %max3A_945 {offsets = [0, 0], sizes = [8, 128], strides = [1, 1]} : vector<16x128xi32> to vector<8x128xi32>
      %slice3A_947 = vector.extract_strided_slice %max3A_945 {offsets = [8, 0], sizes = [8, 128], strides = [1, 1]} : vector<16x128xi32> to vector<8x128xi32>
      %max3A_948 = arith.maxsi %slice3A_946, %slice3A_947 : vector<8x128xi32>
      %max3A_949 = arith.maxsi %scan3A_384, %max3A_948 : vector<8x128xi32>
      %gt3A_950 = arith.cmpf ogt, %div3A_934, %select_n3A_917 : vector<32x128xf32>
      %select_n3A_951 = arith.select %gt3A_950, %div3A_934, %select_n3A_917 : vector<32x128xi1>, vector<32x128xf32>
      %broadcast_in_dim3A_952 = vector.broadcast %get3A_62 : f32 to vector<32x128xf32>
      %select_n3A_953 = arith.select %gt3A_950, %broadcast_in_dim3A_952, %select_n3A_919 : vector<32x128xi1>, vector<32x128xf32>
      %broadcast_in_dim3A_954 = vector.broadcast %get3A_126 : f32 to vector<32x128xf32>
      %select_n3A_955 = arith.select %gt3A_950, %broadcast_in_dim3A_954, %select_n3A_921 : vector<32x128xi1>, vector<32x128xf32>
      %swap3A_956 = arith.index_cast %mul3A_386 : i32 to index
      %swap3A_957 = arith.constant 0 : index
      %swap3A_958 = vector.load %arg6[%swap3A_956, %swap3A_957] : memref<512x128xf32, #tpu.memory_space<vmem>>, vector<32x128xf32>
      tpu.vector_store %arg6[%swap3A_956, %swap3A_957], %select_n3A_951 {strides = array<i32>} : memref<512x128xf32, #tpu.memory_space<vmem>>, vector<32x128xf32>,
      %swap3A_959 = arith.index_cast %mul3A_386 : i32 to index
      %swap3A_960 = arith.constant 0 : index
      %swap3A_961 = vector.load %arg7[%swap3A_959, %swap3A_960] : memref<512x128xf32, #tpu.memory_space<vmem>>, vector<32x128xf32>
      tpu.vector_store %arg7[%swap3A_959, %swap3A_960], %select_n3A_953 {strides = array<i32>} : memref<512x128xf32, #tpu.memory_space<vmem>>, vector<32x128xf32>,
      %swap3A_962 = arith.index_cast %mul3A_386 : i32 to index
      %swap3A_963 = arith.constant 0 : index
      %swap3A_964 = vector.load %arg8[%swap3A_962, %swap3A_963] : memref<512x128xf32, #tpu.memory_space<vmem>>, vector<32x128xf32>
      tpu.vector_store %arg8[%swap3A_962, %swap3A_963], %select_n3A_955 {strides = array<i32>} : memref<512x128xf32, #tpu.memory_space<vmem>>, vector<32x128xf32>,
      scf.yield %max3A_440, %max3A_473, %max3A_507, %max3A_541, %max3A_575, %max3A_609, %max3A_643, %max3A_677, %max3A_711, %max3A_745, %max3A_779, %max3A_813, %max3A_847, %max3A_881, %max3A_915, %max3A_949 : vector<8x128xi32>, vector<8x128xi32>, vector<8x128xi32>, vector<8x128xi32>, vector<8x128xi32>, vector<8x128xi32>, vector<8x128xi32>, vector<8x128xi32>, vector<8x128xi32>, vector<8x128xi32>, vector<8x128xi32>, vector<8x128xi32>, vector<8x128xi32>, vector<8x128xi32>, vector<8x128xi32>, vector<8x128xi32>
    }
    %scan3A_165 = arith.constant 16 : i32
    %reduce_max3A = vector.shape_cast %scan3A_164#0 : vector<8x128xi32> to vector<1x8x128xi32>
    %reduce_max3A_166 = arith.constant dense<-2147483648> : vector<1xi32>
    %reduce_max3A_167 = vector.multi_reduction <maxsi>, %reduce_max3A, %reduce_max3A_166 [1, 2] : vector<1x8x128xi32> to vector<1xi32>
    %reduce_max3A_168 = vector.shape_cast %reduce_max3A_167 : vector<1xi32> to vector<1x1x1xi32>
    %reduce_max3A_169 = vector.extract %reduce_max3A_168[0, 0, 0] : i32 from vector<1x1x1xi32>
    %and3A = arith.constant 65535 : i32
    %and3A_170 = arith.andi %reduce_max3A_169, %and3A : i32
    %sub3A = arith.constant 65535 : i32
    %sub3A_171 = arith.subi %sub3A, %and3A_170 : i32
    %reduce_max3A_172 = vector.shape_cast %scan3A_164#1 : vector<8x128xi32> to vector<1x8x128xi32>
    %reduce_max3A_173 = arith.constant dense<-2147483648> : vector<1xi32>
    %reduce_max3A_174 = vector.multi_reduction <maxsi>, %reduce_max3A_172, %reduce_max3A_173 [1, 2] : vector<1x8x128xi32> to vector<1xi32>
    %reduce_max3A_175 = vector.shape_cast %reduce_max3A_174 : vector<1xi32> to vector<1x1x1xi32>
    %reduce_max3A_176 = vector.extract %reduce_max3A_175[0, 0, 0] : i32 from vector<1x1x1xi32>
    %and3A_177 = arith.constant 65535 : i32
    %and3A_178 = arith.andi %reduce_max3A_176, %and3A_177 : i32
    %sub3A_179 = arith.constant 65535 : i32
    %sub3A_180 = arith.subi %sub3A_179, %and3A_178 : i32
    %reduce_max3A_181 = vector.shape_cast %scan3A_164#2 : vector<8x128xi32> to vector<1x8x128xi32>
    %reduce_max3A_182 = arith.constant dense<-2147483648> : vector<1xi32>
    %reduce_max3A_183 = vector.multi_reduction <maxsi>, %reduce_max3A_181, %reduce_max3A_182 [1, 2] : vector<1x8x128xi32> to vector<1xi32>
    %reduce_max3A_184 = vector.shape_cast %reduce_max3A_183 : vector<1xi32> to vector<1x1x1xi32>
    %reduce_max3A_185 = vector.extract %reduce_max3A_184[0, 0, 0] : i32 from vector<1x1x1xi32>
    %and3A_186 = arith.constant 65535 : i32
    %and3A_187 = arith.andi %reduce_max3A_185, %and3A_186 : i32
    %sub3A_188 = arith.constant 65535 : i32
    %sub3A_189 = arith.subi %sub3A_188, %and3A_187 : i32
    %reduce_max3A_190 = vector.shape_cast %scan3A_164#3 : vector<8x128xi32> to vector<1x8x128xi32>
    %reduce_max3A_191 = arith.constant dense<-2147483648> : vector<1xi32>
    %reduce_max3A_192 = vector.multi_reduction <maxsi>, %reduce_max3A_190, %reduce_max3A_191 [1, 2] : vector<1x8x128xi32> to vector<1xi32>
    %reduce_max3A_193 = vector.shape_cast %reduce_max3A_192 : vector<1xi32> to vector<1x1x1xi32>
    %reduce_max3A_194 = vector.extract %reduce_max3A_193[0, 0, 0] : i32 from vector<1x1x1xi32>
    %and3A_195 = arith.constant 65535 : i32
    %and3A_196 = arith.andi %reduce_max3A_194, %and3A_195 : i32
    %sub3A_197 = arith.constant 65535 : i32
    %sub3A_198 = arith.subi %sub3A_197, %and3A_196 : i32
    %reduce_max3A_199 = vector.shape_cast %scan3A_164#4 : vector<8x128xi32> to vector<1x8x128xi32>
    %reduce_max3A_200 = arith.constant dense<-2147483648> : vector<1xi32>
    %reduce_max3A_201 = vector.multi_reduction <maxsi>, %reduce_max3A_199, %reduce_max3A_200 [1, 2] : vector<1x8x128xi32> to vector<1xi32>
    %reduce_max3A_202 = vector.shape_cast %reduce_max3A_201 : vector<1xi32> to vector<1x1x1xi32>
    %reduce_max3A_203 = vector.extract %reduce_max3A_202[0, 0, 0] : i32 from vector<1x1x1xi32>
    %and3A_204 = arith.constant 65535 : i32
    %and3A_205 = arith.andi %reduce_max3A_203, %and3A_204 : i32
    %sub3A_206 = arith.constant 65535 : i32
    %sub3A_207 = arith.subi %sub3A_206, %and3A_205 : i32
    %reduce_max3A_208 = vector.shape_cast %scan3A_164#5 : vector<8x128xi32> to vector<1x8x128xi32>
    %reduce_max3A_209 = arith.constant dense<-2147483648> : vector<1xi32>
    %reduce_max3A_210 = vector.multi_reduction <maxsi>, %reduce_max3A_208, %reduce_max3A_209 [1, 2] : vector<1x8x128xi32> to vector<1xi32>
    %reduce_max3A_211 = vector.shape_cast %reduce_max3A_210 : vector<1xi32> to vector<1x1x1xi32>
    %reduce_max3A_212 = vector.extract %reduce_max3A_211[0, 0, 0] : i32 from vector<1x1x1xi32>
    %and3A_213 = arith.constant 65535 : i32
    %and3A_214 = arith.andi %reduce_max3A_212, %and3A_213 : i32
    %sub3A_215 = arith.constant 65535 : i32
    %sub3A_216 = arith.subi %sub3A_215, %and3A_214 : i32
    %reduce_max3A_217 = vector.shape_cast %scan3A_164#6 : vector<8x128xi32> to vector<1x8x128xi32>
    %reduce_max3A_218 = arith.constant dense<-2147483648> : vector<1xi32>
    %reduce_max3A_219 = vector.multi_reduction <maxsi>, %reduce_max3A_217, %reduce_max3A_218 [1, 2] : vector<1x8x128xi32> to vector<1xi32>
    %reduce_max3A_220 = vector.shape_cast %reduce_max3A_219 : vector<1xi32> to vector<1x1x1xi32>
    %reduce_max3A_221 = vector.extract %reduce_max3A_220[0, 0, 0] : i32 from vector<1x1x1xi32>
    %and3A_222 = arith.constant 65535 : i32
    %and3A_223 = arith.andi %reduce_max3A_221, %and3A_222 : i32
    %sub3A_224 = arith.constant 65535 : i32
    %sub3A_225 = arith.subi %sub3A_224, %and3A_223 : i32
    %reduce_max3A_226 = vector.shape_cast %scan3A_164#7 : vector<8x128xi32> to vector<1x8x128xi32>
    %reduce_max3A_227 = arith.constant dense<-2147483648> : vector<1xi32>
    %reduce_max3A_228 = vector.multi_reduction <maxsi>, %reduce_max3A_226, %reduce_max3A_227 [1, 2] : vector<1x8x128xi32> to vector<1xi32>
    %reduce_max3A_229 = vector.shape_cast %reduce_max3A_228 : vector<1xi32> to vector<1x1x1xi32>
    %reduce_max3A_230 = vector.extract %reduce_max3A_229[0, 0, 0] : i32 from vector<1x1x1xi32>
    %and3A_231 = arith.constant 65535 : i32
    %and3A_232 = arith.andi %reduce_max3A_230, %and3A_231 : i32
    %sub3A_233 = arith.constant 65535 : i32
    %sub3A_234 = arith.subi %sub3A_233, %and3A_232 : i32
    %reduce_max3A_235 = vector.shape_cast %scan3A_164#8 : vector<8x128xi32> to vector<1x8x128xi32>
    %reduce_max3A_236 = arith.constant dense<-2147483648> : vector<1xi32>
    %reduce_max3A_237 = vector.multi_reduction <maxsi>, %reduce_max3A_235, %reduce_max3A_236 [1, 2] : vector<1x8x128xi32> to vector<1xi32>
    %reduce_max3A_238 = vector.shape_cast %reduce_max3A_237 : vector<1xi32> to vector<1x1x1xi32>
    %reduce_max3A_239 = vector.extract %reduce_max3A_238[0, 0, 0] : i32 from vector<1x1x1xi32>
    %and3A_240 = arith.constant 65535 : i32
    %and3A_241 = arith.andi %reduce_max3A_239, %and3A_240 : i32
    %sub3A_242 = arith.constant 65535 : i32
    %sub3A_243 = arith.subi %sub3A_242, %and3A_241 : i32
    %reduce_max3A_244 = vector.shape_cast %scan3A_164#9 : vector<8x128xi32> to vector<1x8x128xi32>
    %reduce_max3A_245 = arith.constant dense<-2147483648> : vector<1xi32>
    %reduce_max3A_246 = vector.multi_reduction <maxsi>, %reduce_max3A_244, %reduce_max3A_245 [1, 2] : vector<1x8x128xi32> to vector<1xi32>
    %reduce_max3A_247 = vector.shape_cast %reduce_max3A_246 : vector<1xi32> to vector<1x1x1xi32>
    %reduce_max3A_248 = vector.extract %reduce_max3A_247[0, 0, 0] : i32 from vector<1x1x1xi32>
    %and3A_249 = arith.constant 65535 : i32
    %and3A_250 = arith.andi %reduce_max3A_248, %and3A_249 : i32
    %sub3A_251 = arith.constant 65535 : i32
    %sub3A_252 = arith.subi %sub3A_251, %and3A_250 : i32
    %reduce_max3A_253 = vector.shape_cast %scan3A_164#10 : vector<8x128xi32> to vector<1x8x128xi32>
    %reduce_max3A_254 = arith.constant dense<-2147483648> : vector<1xi32>
    %reduce_max3A_255 = vector.multi_reduction <maxsi>, %reduce_max3A_253, %reduce_max3A_254 [1, 2] : vector<1x8x128xi32> to vector<1xi32>
    %reduce_max3A_256 = vector.shape_cast %reduce_max3A_255 : vector<1xi32> to vector<1x1x1xi32>
    %reduce_max3A_257 = vector.extract %reduce_max3A_256[0, 0, 0] : i32 from vector<1x1x1xi32>
    %and3A_258 = arith.constant 65535 : i32
    %and3A_259 = arith.andi %reduce_max3A_257, %and3A_258 : i32
    %sub3A_260 = arith.constant 65535 : i32
    %sub3A_261 = arith.subi %sub3A_260, %and3A_259 : i32
    %reduce_max3A_262 = vector.shape_cast %scan3A_164#11 : vector<8x128xi32> to vector<1x8x128xi32>
    %reduce_max3A_263 = arith.constant dense<-2147483648> : vector<1xi32>
    %reduce_max3A_264 = vector.multi_reduction <maxsi>, %reduce_max3A_262, %reduce_max3A_263 [1, 2] : vector<1x8x128xi32> to vector<1xi32>
    %reduce_max3A_265 = vector.shape_cast %reduce_max3A_264 : vector<1xi32> to vector<1x1x1xi32>
    %reduce_max3A_266 = vector.extract %reduce_max3A_265[0, 0, 0] : i32 from vector<1x1x1xi32>
    %and3A_267 = arith.constant 65535 : i32
    %and3A_268 = arith.andi %reduce_max3A_266, %and3A_267 : i32
    %sub3A_269 = arith.constant 65535 : i32
    %sub3A_270 = arith.subi %sub3A_269, %and3A_268 : i32
    %reduce_max3A_271 = vector.shape_cast %scan3A_164#12 : vector<8x128xi32> to vector<1x8x128xi32>
    %reduce_max3A_272 = arith.constant dense<-2147483648> : vector<1xi32>
    %reduce_max3A_273 = vector.multi_reduction <maxsi>, %reduce_max3A_271, %reduce_max3A_272 [1, 2] : vector<1x8x128xi32> to vector<1xi32>
    %reduce_max3A_274 = vector.shape_cast %reduce_max3A_273 : vector<1xi32> to vector<1x1x1xi32>
    %reduce_max3A_275 = vector.extract %reduce_max3A_274[0, 0, 0] : i32 from vector<1x1x1xi32>
    %and3A_276 = arith.constant 65535 : i32
    %and3A_277 = arith.andi %reduce_max3A_275, %and3A_276 : i32
    %sub3A_278 = arith.constant 65535 : i32
    %sub3A_279 = arith.subi %sub3A_278, %and3A_277 : i32
    %reduce_max3A_280 = vector.shape_cast %scan3A_164#13 : vector<8x128xi32> to vector<1x8x128xi32>
    %reduce_max3A_281 = arith.constant dense<-2147483648> : vector<1xi32>
    %reduce_max3A_282 = vector.multi_reduction <maxsi>, %reduce_max3A_280, %reduce_max3A_281 [1, 2] : vector<1x8x128xi32> to vector<1xi32>
    %reduce_max3A_283 = vector.shape_cast %reduce_max3A_282 : vector<1xi32> to vector<1x1x1xi32>
    %reduce_max3A_284 = vector.extract %reduce_max3A_283[0, 0, 0] : i32 from vector<1x1x1xi32>
    %and3A_285 = arith.constant 65535 : i32
    %and3A_286 = arith.andi %reduce_max3A_284, %and3A_285 : i32
    %sub3A_287 = arith.constant 65535 : i32
    %sub3A_288 = arith.subi %sub3A_287, %and3A_286 : i32
    %reduce_max3A_289 = vector.shape_cast %scan3A_164#14 : vector<8x128xi32> to vector<1x8x128xi32>
    %reduce_max3A_290 = arith.constant dense<-2147483648> : vector<1xi32>
    %reduce_max3A_291 = vector.multi_reduction <maxsi>, %reduce_max3A_289, %reduce_max3A_290 [1, 2] : vector<1x8x128xi32> to vector<1xi32>
    %reduce_max3A_292 = vector.shape_cast %reduce_max3A_291 : vector<1xi32> to vector<1x1x1xi32>
    %reduce_max3A_293 = vector.extract %reduce_max3A_292[0, 0, 0] : i32 from vector<1x1x1xi32>
    %and3A_294 = arith.constant 65535 : i32
    %and3A_295 = arith.andi %reduce_max3A_293, %and3A_294 : i32
    %sub3A_296 = arith.constant 65535 : i32
    %sub3A_297 = arith.subi %sub3A_296, %and3A_295 : i32
    %reduce_max3A_298 = vector.shape_cast %scan3A_164#15 : vector<8x128xi32> to vector<1x8x128xi32>
    %reduce_max3A_299 = arith.constant dense<-2147483648> : vector<1xi32>
    %reduce_max3A_300 = vector.multi_reduction <maxsi>, %reduce_max3A_298, %reduce_max3A_299 [1, 2] : vector<1x8x128xi32> to vector<1xi32>
    %reduce_max3A_301 = vector.shape_cast %reduce_max3A_300 : vector<1xi32> to vector<1x1x1xi32>
    %reduce_max3A_302 = vector.extract %reduce_max3A_301[0, 0, 0] : i32 from vector<1x1x1xi32>
    %and3A_303 = arith.constant 65535 : i32
    %and3A_304 = arith.andi %reduce_max3A_302, %and3A_303 : i32
    %sub3A_305 = arith.constant 65535 : i32
    %sub3A_306 = arith.subi %sub3A_305, %and3A_304 : i32
    %broadcast_in_dim3A_307 = arith.constant 0.000000e+00 : f32
    %broadcast_in_dim3A_308 = vector.broadcast %broadcast_in_dim3A_307 : f32 to vector<32x128xf32>
    %scan3A_309 = arith.constant 0 : i32
    %scan3A_310 = arith.constant 16 : i32
    %scan3A_311 = arith.addi %scan3A_309, %scan3A_310 : i32
    %scan3A_312 = arith.constant 1 : i32
    %scan3A_313:3 = scf.for %scan3A_368 = %scan3A_309 to %scan3A_311 step %scan3A_312 iter_args(%scan3A_369 = %broadcast_in_dim3A_308, %scan3A_370 = %broadcast_in_dim3A_308, %scan3A_371 = %broadcast_in_dim3A_308) -> (vector<32x128xf32>, vector<32x128xf32>, vector<32x128xf32>)  : i32 {
      %mul3A_372 = arith.constant 32 : i32
      %mul3A_373 = arith.muli %scan3A_368, %mul3A_372 : i32
      %get3A_374 = arith.index_cast %mul3A_373 : i32 to index
      %get3A_375 = arith.constant 0 : index
      %get3A_376 = vector.load %arg6[%get3A_374, %get3A_375] : memref<512x128xf32, #tpu.memory_space<vmem>>, vector<32x128xf32>
      %get3A_377 = arith.index_cast %mul3A_373 : i32 to index
      %get3A_378 = arith.constant 0 : index
      %get3A_379 = vector.load %arg7[%get3A_377, %get3A_378] : memref<512x128xf32, #tpu.memory_space<vmem>>, vector<32x128xf32>
      %get3A_380 = arith.index_cast %mul3A_373 : i32 to index
      %get3A_381 = arith.constant 0 : index
      %get3A_382 = vector.load %arg8[%get3A_380, %get3A_381] : memref<512x128xf32, #tpu.memory_space<vmem>>, vector<32x128xf32>
      %mul3A_383 = arith.constant 4096 : i32
      %mul3A_384 = arith.muli %scan3A_368, %mul3A_383 : i32
      %add3A_385 = vector.broadcast %mul3A_384 : i32 to vector<32x128xi32>
      %add3A_386 = arith.addi %add3A_385, %add3A : vector<32x128xi32>
      %broadcast_in_dim3A_387 = arith.constant false
      %broadcast_in_dim3A_388 = vector.broadcast %broadcast_in_dim3A_387 : i1 to vector<32x128xi1>
      %eq3A_389 = vector.broadcast %sub3A_171 : i32 to vector<32x128xi32>
      %eq3A_390 = arith.cmpi eq, %add3A_386, %eq3A_389 : vector<32x128xi32>
      %or3A = arith.ori %broadcast_in_dim3A_388, %eq3A_390 : vector<32x128xi1>
      %broadcast_in_dim3A_391 = vector.broadcast %get3A_2 : f32 to vector<32x128xf32>
      %select_n3A_392 = arith.select %eq3A_390, %broadcast_in_dim3A_391, %get3A_379 : vector<32x128xi1>, vector<32x128xf32>
      %broadcast_in_dim3A_393 = vector.broadcast %get3A_66 : f32 to vector<32x128xf32>
      %select_n3A_394 = arith.select %eq3A_390, %broadcast_in_dim3A_393, %get3A_382 : vector<32x128xi1>, vector<32x128xf32>
      %eq3A_395 = vector.broadcast %sub3A_180 : i32 to vector<32x128xi32>
      %eq3A_396 = arith.cmpi eq, %add3A_386, %eq3A_395 : vector<32x128xi32>
      %or3A_397 = arith.ori %or3A, %eq3A_396 : vector<32x128xi1>
      %broadcast_in_dim3A_398 = vector.broadcast %get3A_6 : f32 to vector<32x128xf32>
      %select_n3A_399 = arith.select %eq3A_396, %broadcast_in_dim3A_398, %select_n3A_392 : vector<32x128xi1>, vector<32x128xf32>
      %broadcast_in_dim3A_400 = vector.broadcast %get3A_70 : f32 to vector<32x128xf32>
      %select_n3A_401 = arith.select %eq3A_396, %broadcast_in_dim3A_400, %select_n3A_394 : vector<32x128xi1>, vector<32x128xf32>
      %eq3A_402 = vector.broadcast %sub3A_189 : i32 to vector<32x128xi32>
      %eq3A_403 = arith.cmpi eq, %add3A_386, %eq3A_402 : vector<32x128xi32>
      %or3A_404 = arith.ori %or3A_397, %eq3A_403 : vector<32x128xi1>
      %broadcast_in_dim3A_405 = vector.broadcast %get3A_10 : f32 to vector<32x128xf32>
      %select_n3A_406 = arith.select %eq3A_403, %broadcast_in_dim3A_405, %select_n3A_399 : vector<32x128xi1>, vector<32x128xf32>
      %broadcast_in_dim3A_407 = vector.broadcast %get3A_74 : f32 to vector<32x128xf32>
      %select_n3A_408 = arith.select %eq3A_403, %broadcast_in_dim3A_407, %select_n3A_401 : vector<32x128xi1>, vector<32x128xf32>
      %eq3A_409 = vector.broadcast %sub3A_198 : i32 to vector<32x128xi32>
      %eq3A_410 = arith.cmpi eq, %add3A_386, %eq3A_409 : vector<32x128xi32>
      %or3A_411 = arith.ori %or3A_404, %eq3A_410 : vector<32x128xi1>
      %broadcast_in_dim3A_412 = vector.broadcast %get3A_14 : f32 to vector<32x128xf32>
      %select_n3A_413 = arith.select %eq3A_410, %broadcast_in_dim3A_412, %select_n3A_406 : vector<32x128xi1>, vector<32x128xf32>
      %broadcast_in_dim3A_414 = vector.broadcast %get3A_78 : f32 to vector<32x128xf32>
      %select_n3A_415 = arith.select %eq3A_410, %broadcast_in_dim3A_414, %select_n3A_408 : vector<32x128xi1>, vector<32x128xf32>
      %eq3A_416 = vector.broadcast %sub3A_207 : i32 to vector<32x128xi32>
      %eq3A_417 = arith.cmpi eq, %add3A_386, %eq3A_416 : vector<32x128xi32>
      %or3A_418 = arith.ori %or3A_411, %eq3A_417 : vector<32x128xi1>
      %broadcast_in_dim3A_419 = vector.broadcast %get3A_18 : f32 to vector<32x128xf32>
      %select_n3A_420 = arith.select %eq3A_417, %broadcast_in_dim3A_419, %select_n3A_413 : vector<32x128xi1>, vector<32x128xf32>
      %broadcast_in_dim3A_421 = vector.broadcast %get3A_82 : f32 to vector<32x128xf32>
      %select_n3A_422 = arith.select %eq3A_417, %broadcast_in_dim3A_421, %select_n3A_415 : vector<32x128xi1>, vector<32x128xf32>
      %eq3A_423 = vector.broadcast %sub3A_216 : i32 to vector<32x128xi32>
      %eq3A_424 = arith.cmpi eq, %add3A_386, %eq3A_423 : vector<32x128xi32>
      %or3A_425 = arith.ori %or3A_418, %eq3A_424 : vector<32x128xi1>
      %broadcast_in_dim3A_426 = vector.broadcast %get3A_22 : f32 to vector<32x128xf32>
      %select_n3A_427 = arith.select %eq3A_424, %broadcast_in_dim3A_426, %select_n3A_420 : vector<32x128xi1>, vector<32x128xf32>
      %broadcast_in_dim3A_428 = vector.broadcast %get3A_86 : f32 to vector<32x128xf32>
      %select_n3A_429 = arith.select %eq3A_424, %broadcast_in_dim3A_428, %select_n3A_422 : vector<32x128xi1>, vector<32x128xf32>
      %eq3A_430 = vector.broadcast %sub3A_225 : i32 to vector<32x128xi32>
      %eq3A_431 = arith.cmpi eq, %add3A_386, %eq3A_430 : vector<32x128xi32>
      %or3A_432 = arith.ori %or3A_425, %eq3A_431 : vector<32x128xi1>
      %broadcast_in_dim3A_433 = vector.broadcast %get3A_26 : f32 to vector<32x128xf32>
      %select_n3A_434 = arith.select %eq3A_431, %broadcast_in_dim3A_433, %select_n3A_427 : vector<32x128xi1>, vector<32x128xf32>
      %broadcast_in_dim3A_435 = vector.broadcast %get3A_90 : f32 to vector<32x128xf32>
      %select_n3A_436 = arith.select %eq3A_431, %broadcast_in_dim3A_435, %select_n3A_429 : vector<32x128xi1>, vector<32x128xf32>
      %eq3A_437 = vector.broadcast %sub3A_234 : i32 to vector<32x128xi32>
      %eq3A_438 = arith.cmpi eq, %add3A_386, %eq3A_437 : vector<32x128xi32>
      %or3A_439 = arith.ori %or3A_432, %eq3A_438 : vector<32x128xi1>
      %broadcast_in_dim3A_440 = vector.broadcast %get3A_30 : f32 to vector<32x128xf32>
      %select_n3A_441 = arith.select %eq3A_438, %broadcast_in_dim3A_440, %select_n3A_434 : vector<32x128xi1>, vector<32x128xf32>
      %broadcast_in_dim3A_442 = vector.broadcast %get3A_94 : f32 to vector<32x128xf32>
      %select_n3A_443 = arith.select %eq3A_438, %broadcast_in_dim3A_442, %select_n3A_436 : vector<32x128xi1>, vector<32x128xf32>
      %eq3A_444 = vector.broadcast %sub3A_243 : i32 to vector<32x128xi32>
      %eq3A_445 = arith.cmpi eq, %add3A_386, %eq3A_444 : vector<32x128xi32>
      %or3A_446 = arith.ori %or3A_439, %eq3A_445 : vector<32x128xi1>
      %broadcast_in_dim3A_447 = vector.broadcast %get3A_34 : f32 to vector<32x128xf32>
      %select_n3A_448 = arith.select %eq3A_445, %broadcast_in_dim3A_447, %select_n3A_441 : vector<32x128xi1>, vector<32x128xf32>
      %broadcast_in_dim3A_449 = vector.broadcast %get3A_98 : f32 to vector<32x128xf32>
      %select_n3A_450 = arith.select %eq3A_445, %broadcast_in_dim3A_449, %select_n3A_443 : vector<32x128xi1>, vector<32x128xf32>
      %eq3A_451 = vector.broadcast %sub3A_252 : i32 to vector<32x128xi32>
      %eq3A_452 = arith.cmpi eq, %add3A_386, %eq3A_451 : vector<32x128xi32>
      %or3A_453 = arith.ori %or3A_446, %eq3A_452 : vector<32x128xi1>
      %broadcast_in_dim3A_454 = vector.broadcast %get3A_38 : f32 to vector<32x128xf32>
      %select_n3A_455 = arith.select %eq3A_452, %broadcast_in_dim3A_454, %select_n3A_448 : vector<32x128xi1>, vector<32x128xf32>
      %broadcast_in_dim3A_456 = vector.broadcast %get3A_102 : f32 to vector<32x128xf32>
      %select_n3A_457 = arith.select %eq3A_452, %broadcast_in_dim3A_456, %select_n3A_450 : vector<32x128xi1>, vector<32x128xf32>
      %eq3A_458 = vector.broadcast %sub3A_261 : i32 to vector<32x128xi32>
      %eq3A_459 = arith.cmpi eq, %add3A_386, %eq3A_458 : vector<32x128xi32>
      %or3A_460 = arith.ori %or3A_453, %eq3A_459 : vector<32x128xi1>
      %broadcast_in_dim3A_461 = vector.broadcast %get3A_42 : f32 to vector<32x128xf32>
      %select_n3A_462 = arith.select %eq3A_459, %broadcast_in_dim3A_461, %select_n3A_455 : vector<32x128xi1>, vector<32x128xf32>
      %broadcast_in_dim3A_463 = vector.broadcast %get3A_106 : f32 to vector<32x128xf32>
      %select_n3A_464 = arith.select %eq3A_459, %broadcast_in_dim3A_463, %select_n3A_457 : vector<32x128xi1>, vector<32x128xf32>
      %eq3A_465 = vector.broadcast %sub3A_270 : i32 to vector<32x128xi32>
      %eq3A_466 = arith.cmpi eq, %add3A_386, %eq3A_465 : vector<32x128xi32>
      %or3A_467 = arith.ori %or3A_460, %eq3A_466 : vector<32x128xi1>
      %broadcast_in_dim3A_468 = vector.broadcast %get3A_46 : f32 to vector<32x128xf32>
      %select_n3A_469 = arith.select %eq3A_466, %broadcast_in_dim3A_468, %select_n3A_462 : vector<32x128xi1>, vector<32x128xf32>
      %broadcast_in_dim3A_470 = vector.broadcast %get3A_110 : f32 to vector<32x128xf32>
      %select_n3A_471 = arith.select %eq3A_466, %broadcast_in_dim3A_470, %select_n3A_464 : vector<32x128xi1>, vector<32x128xf32>
      %eq3A_472 = vector.broadcast %sub3A_279 : i32 to vector<32x128xi32>
      %eq3A_473 = arith.cmpi eq, %add3A_386, %eq3A_472 : vector<32x128xi32>
      %or3A_474 = arith.ori %or3A_467, %eq3A_473 : vector<32x128xi1>
      %broadcast_in_dim3A_475 = vector.broadcast %get3A_50 : f32 to vector<32x128xf32>
      %select_n3A_476 = arith.select %eq3A_473, %broadcast_in_dim3A_475, %select_n3A_469 : vector<32x128xi1>, vector<32x128xf32>
      %broadcast_in_dim3A_477 = vector.broadcast %get3A_114 : f32 to vector<32x128xf32>
      %select_n3A_478 = arith.select %eq3A_473, %broadcast_in_dim3A_477, %select_n3A_471 : vector<32x128xi1>, vector<32x128xf32>
      %eq3A_479 = vector.broadcast %sub3A_288 : i32 to vector<32x128xi32>
      %eq3A_480 = arith.cmpi eq, %add3A_386, %eq3A_479 : vector<32x128xi32>
      %or3A_481 = arith.ori %or3A_474, %eq3A_480 : vector<32x128xi1>
      %broadcast_in_dim3A_482 = vector.broadcast %get3A_54 : f32 to vector<32x128xf32>
      %select_n3A_483 = arith.select %eq3A_480, %broadcast_in_dim3A_482, %select_n3A_476 : vector<32x128xi1>, vector<32x128xf32>
      %broadcast_in_dim3A_484 = vector.broadcast %get3A_118 : f32 to vector<32x128xf32>
      %select_n3A_485 = arith.select %eq3A_480, %broadcast_in_dim3A_484, %select_n3A_478 : vector<32x128xi1>, vector<32x128xf32>
      %eq3A_486 = vector.broadcast %sub3A_297 : i32 to vector<32x128xi32>
      %eq3A_487 = arith.cmpi eq, %add3A_386, %eq3A_486 : vector<32x128xi32>
      %or3A_488 = arith.ori %or3A_481, %eq3A_487 : vector<32x128xi1>
      %broadcast_in_dim3A_489 = vector.broadcast %get3A_58 : f32 to vector<32x128xf32>
      %select_n3A_490 = arith.select %eq3A_487, %broadcast_in_dim3A_489, %select_n3A_483 : vector<32x128xi1>, vector<32x128xf32>
      %broadcast_in_dim3A_491 = vector.broadcast %get3A_122 : f32 to vector<32x128xf32>
      %select_n3A_492 = arith.select %eq3A_487, %broadcast_in_dim3A_491, %select_n3A_485 : vector<32x128xi1>, vector<32x128xf32>
      %eq3A_493 = vector.broadcast %sub3A_306 : i32 to vector<32x128xi32>
      %eq3A_494 = arith.cmpi eq, %add3A_386, %eq3A_493 : vector<32x128xi32>
      %or3A_495 = arith.ori %or3A_488, %eq3A_494 : vector<32x128xi1>
      %broadcast_in_dim3A_496 = vector.broadcast %get3A_62 : f32 to vector<32x128xf32>
      %select_n3A_497 = arith.select %eq3A_494, %broadcast_in_dim3A_496, %select_n3A_490 : vector<32x128xi1>, vector<32x128xf32>
      %broadcast_in_dim3A_498 = vector.broadcast %get3A_126 : f32 to vector<32x128xf32>
      %select_n3A_499 = arith.select %eq3A_494, %broadcast_in_dim3A_498, %select_n3A_492 : vector<32x128xi1>, vector<32x128xf32>
      %ge3A = arith.constant 5.000000e-01 : f32
      %ge3A_500 = vector.broadcast %ge3A : f32 to vector<32x128xf32>
      %ge3A_501 = arith.cmpf oge, %get3A_376, %ge3A_500 : vector<32x128xf32>
      %or3A_502 = arith.ori %or3A_495, %ge3A_501 : vector<32x128xi1>
      %convert_element_type3A_503 = arith.extui %or3A_502 : vector<32x128xi1> to vector<32x128xi32>
      %convert_element_type3A_504 = arith.sitofp %convert_element_type3A_503 : vector<32x128xi32> to vector<32x128xf32>
      %get3A_505 = arith.constant 0 : index
      %get3A_506 = arith.index_cast %mul3A_373 : i32 to index
      %get3A_507 = arith.constant 0 : index
      %get3A_508 = vector.load %arg2[%get3A_505, %get3A_506, %get3A_507] : memref<2x512x128xf32, #tpu.memory_space<vmem>>, vector<1x32x128xf32>
      %get3A_509 = vector.shape_cast %get3A_508 : vector<1x32x128xf32> to vector<32x128xf32>
      %get3A_510 = arith.constant 1 : index
      %get3A_511 = arith.index_cast %mul3A_373 : i32 to index
      %get3A_512 = arith.constant 0 : index
      %get3A_513 = vector.load %arg2[%get3A_510, %get3A_511, %get3A_512] : memref<2x512x128xf32, #tpu.memory_space<vmem>>, vector<1x32x128xf32>
      %get3A_514 = vector.shape_cast %get3A_513 : vector<1x32x128xf32> to vector<32x128xf32>
      %add3A_515 = arith.addf %select_n3A_497, %select_n3A_499 : vector<32x128xf32>
      %div3A = arith.constant 2.000000e+00 : f32
      %div3A_516 = vector.broadcast %div3A : f32 to vector<32x128xf32>
      %div3A_517 = arith.divf %add3A_515, %div3A_516 : vector<32x128xf32>
      %sub3A_518 = arith.subf %div3A_517, %get3A_509 : vector<32x128xf32>
      %mul3A_519 = arith.constant 1.000000e-01 : f32
      %mul3A_520 = vector.broadcast %mul3A_519 : f32 to vector<32x128xf32>
      %mul3A_521 = arith.mulf %mul3A_520, %get3A_514 : vector<32x128xf32>
      %div3A_522 = arith.divf %sub3A_518, %mul3A_521 : vector<32x128xf32>
      %sub3A_523 = arith.subf %select_n3A_499, %select_n3A_497 : vector<32x128xf32>
      %div3A_524 = arith.divf %sub3A_523, %get3A_514 : vector<32x128xf32>
      %max3A = arith.constant 1.000000e-10 : f32
      %max3A_525 = vector.broadcast %max3A : f32 to vector<32x128xf32>
      %max3A_526 = arith.maximumf %div3A_524, %max3A_525 : vector<32x128xf32>
      %log3A = math.log %max3A_526 : vector<32x128xf32>
      %div3A_527 = arith.constant 2.000000e-01 : f32
      %div3A_528 = vector.broadcast %div3A_527 : f32 to vector<32x128xf32>
      %div3A_529 = arith.divf %log3A, %div3A_528 : vector<32x128xf32>
      %get3A_530 = arith.constant 0 : index
      %get3A_531 = arith.constant 0 : index
      %get3A_532 = arith.index_cast %mul3A_373 : i32 to index
      %get3A_533 = arith.constant 0 : index
      %get3A_534 = vector.load %arg3[%get3A_530, %get3A_531, %get3A_532, %get3A_533] : memref<1x2x512x128xf32, #tpu.memory_space<vmem>>, vector<1x1x32x128xf32>
      %get3A_535 = vector.shape_cast %get3A_534 : vector<1x1x32x128xf32> to vector<32x128xf32>
      %sub3A_536 = arith.subf %get3A_535, %div3A_522 : vector<32x128xf32>
      %get3A_537 = arith.constant 0 : index
      %get3A_538 = arith.constant 1 : index
      %get3A_539 = arith.index_cast %mul3A_373 : i32 to index
      %get3A_540 = arith.constant 0 : index
      %get3A_541 = vector.load %arg3[%get3A_537, %get3A_538, %get3A_539, %get3A_540] : memref<1x2x512x128xf32, #tpu.memory_space<vmem>>, vector<1x1x32x128xf32>
      %get3A_542 = vector.shape_cast %get3A_541 : vector<1x1x32x128xf32> to vector<32x128xf32>
      %sub3A_543 = arith.subf %get3A_542, %div3A_529 : vector<32x128xf32>
      %abs3A = math.absf %sub3A_536 : vector<32x128xf32>
      %abs3A_544 = math.absf %sub3A_543 : vector<32x128xf32>
      %lt3A_545 = arith.constant 1.000000e+00 : f32
      %lt3A_546 = vector.broadcast %lt3A_545 : f32 to vector<32x128xf32>
      %lt3A_547 = arith.cmpf olt, %abs3A, %lt3A_546 : vector<32x128xf32>
      %mul3A_548 = arith.constant 5.000000e-01 : f32
      %mul3A_549 = vector.broadcast %mul3A_548 : f32 to vector<32x128xf32>
      %mul3A_550 = arith.mulf %mul3A_549, %sub3A_536 : vector<32x128xf32>
      %mul3A_551 = arith.mulf %mul3A_550, %sub3A_536 : vector<32x128xf32>
      %sub3A_552 = arith.constant 5.000000e-01 : f32
      %sub3A_553 = vector.broadcast %sub3A_552 : f32 to vector<32x128xf32>
      %sub3A_554 = arith.subf %abs3A, %sub3A_553 : vector<32x128xf32>
      %select_n3A_555 = arith.select %lt3A_547, %mul3A_551, %sub3A_554 : vector<32x128xi1>, vector<32x128xf32>
      %lt3A_556 = arith.constant 1.000000e+00 : f32
      %lt3A_557 = vector.broadcast %lt3A_556 : f32 to vector<32x128xf32>
      %lt3A_558 = arith.cmpf olt, %abs3A_544, %lt3A_557 : vector<32x128xf32>
      %mul3A_559 = arith.constant 5.000000e-01 : f32
      %mul3A_560 = vector.broadcast %mul3A_559 : f32 to vector<32x128xf32>
      %mul3A_561 = arith.mulf %mul3A_560, %sub3A_543 : vector<32x128xf32>
      %mul3A_562 = arith.mulf %mul3A_561, %sub3A_543 : vector<32x128xf32>
      %sub3A_563 = arith.constant 5.000000e-01 : f32
      %sub3A_564 = vector.broadcast %sub3A_563 : f32 to vector<32x128xf32>
      %sub3A_565 = arith.subf %abs3A_544, %sub3A_564 : vector<32x128xf32>
      %select_n3A_566 = arith.select %lt3A_558, %mul3A_562, %sub3A_565 : vector<32x128xi1>, vector<32x128xf32>
      %add3A_567 = arith.addf %select_n3A_555, %select_n3A_566 : vector<32x128xf32>
      %mul3A_568 = arith.mulf %add3A_567, %convert_element_type3A_504 : vector<32x128xf32>
      %add3A_569 = arith.addf %scan3A_369, %mul3A_568 : vector<32x128xf32>
      %get3A_570 = arith.constant 0 : index
      %get3A_571 = arith.constant 0 : index
      %get3A_572 = arith.index_cast %mul3A_373 : i32 to index
      %get3A_573 = arith.constant 0 : index
      %get3A_574 = vector.load %arg4[%get3A_570, %get3A_571, %get3A_572, %get3A_573] : memref<1x2x512x128xf32, #tpu.memory_space<vmem>>, vector<1x1x32x128xf32>
      %get3A_575 = vector.shape_cast %get3A_574 : vector<1x1x32x128xf32> to vector<32x128xf32>
      %get3A_576 = arith.constant 0 : index
      %get3A_577 = arith.constant 1 : index
      %get3A_578 = arith.index_cast %mul3A_373 : i32 to index
      %get3A_579 = arith.constant 0 : index
      %get3A_580 = vector.load %arg4[%get3A_576, %get3A_577, %get3A_578, %get3A_579] : memref<1x2x512x128xf32, #tpu.memory_space<vmem>>, vector<1x1x32x128xf32>
      %get3A_581 = vector.shape_cast %get3A_580 : vector<1x1x32x128xf32> to vector<32x128xf32>
      %sub3A_582 = arith.subf %get3A_575, %get3A_581 : vector<32x128xf32>
      %jit3A_583 = arith.constant 0.000000e+00 : f32
      %broadcast_in_dim3A_584 = vector.broadcast %jit3A_583 : f32 to vector<32x128xf32>
      %select_n3A_585 = arith.select %or3A_502, %sub3A_582, %broadcast_in_dim3A_584 : vector<32x128xi1>, vector<32x128xf32>
      %add3A_586 = arith.addf %scan3A_370, %select_n3A_585 : vector<32x128xf32>
      %add3A_587 = arith.addf %scan3A_371, %convert_element_type3A_504 : vector<32x128xf32>
      scf.yield %add3A_569, %add3A_586, %add3A_587 : vector<32x128xf32>, vector<32x128xf32>, vector<32x128xf32>
    }
    %scan3A_314 = arith.constant 16 : i32
    %reduce_sum3A = vector.shape_cast %scan3A_313#0 : vector<32x128xf32> to vector<1x32x128xf32>
    %reduce_sum3A_315 = arith.constant dense<0.000000e+00> : vector<1xf32>
    %reduce_sum3A_316 = vector.multi_reduction <add>, %reduce_sum3A, %reduce_sum3A_315 [1, 2] : vector<1x32x128xf32> to vector<1xf32>
    %reduce_sum3A_317 = vector.shape_cast %reduce_sum3A_316 : vector<1xf32> to vector<1x1x1xf32>
    %reduce_sum3A_318 = vector.extract %reduce_sum3A_317[0, 0, 0] : f32 from vector<1x1x1xf32>
    %reduce_sum3A_319 = vector.shape_cast %scan3A_313#2 : vector<32x128xf32> to vector<1x32x128xf32>
    %reduce_sum3A_320 = arith.constant dense<0.000000e+00> : vector<1xf32>
    %reduce_sum3A_321 = vector.multi_reduction <add>, %reduce_sum3A_319, %reduce_sum3A_320 [1, 2] : vector<1x32x128xf32> to vector<1xf32>
    %reduce_sum3A_322 = vector.shape_cast %reduce_sum3A_321 : vector<1xf32> to vector<1x1x1xf32>
    %reduce_sum3A_323 = vector.extract %reduce_sum3A_322[0, 0, 0] : f32 from vector<1x1x1xf32>
    %convert_element_type3A = arith.fptosi %reduce_sum3A_323 : f32 to i32
    %mul3A_324 = arith.constant 3 : i32
    %mul3A_325 = arith.muli %mul3A_324, %convert_element_type3A : i32
    %sub3A_326 = arith.constant 65536 : i32
    %sub3A_327 = arith.subi %sub3A_326, %convert_element_type3A : i32
    %min3A = arith.minsi %mul3A_325, %sub3A_327 : i32
    %sub3A_328 = arith.constant 65536 : i32
    %sub3A_329 = arith.subi %sub3A_328, %convert_element_type3A : i32
    %lt3A = arith.cmpi slt, %min3A, %sub3A_329 : i32
    %convert_element_type3A_330 = arith.extui %lt3A : i1 to i32
    %cond3A = arith.constant 0 : i32
    %cond3A_331 = arith.cmpi ne, %convert_element_type3A_330, %cond3A : i32
    %cond3A_332 = scf.if %cond3A_331 -> (f32) {
      %get3A_368 = arith.constant 0 : index
      %get3A_369 = arith.constant 0 : index
      %get3A_370 = vector.load %arg6[%get3A_368, %get3A_369] : memref<512x128xf32, #tpu.memory_space<vmem>>, vector<512x128xf32>
      %iota3A_371 = tpu.iota {dimensions = array<i32: 0>} : vector<512x128xi32>
      %iota3A_372 = tpu.iota {dimensions = array<i32: 1>} : vector<512x128xi32>
      %mul3A_373 = arith.constant 128 : i32
      %mul3A_374 = vector.broadcast %mul3A_373 : i32 to vector<512x128xi32>
      %mul3A_375 = arith.muli %iota3A_371, %mul3A_374 : vector<512x128xi32>
      %add3A_376 = arith.addi %mul3A_375, %iota3A_372 : vector<512x128xi32>
      %broadcast_in_dim3A_377 = arith.constant false
      %broadcast_in_dim3A_378 = vector.broadcast %broadcast_in_dim3A_377 : i1 to vector<512x128xi1>
      %eq3A_379 = vector.broadcast %sub3A_171 : i32 to vector<512x128xi32>
      %eq3A_380 = arith.cmpi eq, %add3A_376, %eq3A_379 : vector<512x128xi32>
      %or3A = arith.ori %broadcast_in_dim3A_378, %eq3A_380 : vector<512x128xi1>
      %eq3A_381 = vector.broadcast %sub3A_180 : i32 to vector<512x128xi32>
      %eq3A_382 = arith.cmpi eq, %add3A_376, %eq3A_381 : vector<512x128xi32>
      %or3A_383 = arith.ori %or3A, %eq3A_382 : vector<512x128xi1>
      %eq3A_384 = vector.broadcast %sub3A_189 : i32 to vector<512x128xi32>
      %eq3A_385 = arith.cmpi eq, %add3A_376, %eq3A_384 : vector<512x128xi32>
      %or3A_386 = arith.ori %or3A_383, %eq3A_385 : vector<512x128xi1>
      %eq3A_387 = vector.broadcast %sub3A_198 : i32 to vector<512x128xi32>
      %eq3A_388 = arith.cmpi eq, %add3A_376, %eq3A_387 : vector<512x128xi32>
      %or3A_389 = arith.ori %or3A_386, %eq3A_388 : vector<512x128xi1>
      %eq3A_390 = vector.broadcast %sub3A_207 : i32 to vector<512x128xi32>
      %eq3A_391 = arith.cmpi eq, %add3A_376, %eq3A_390 : vector<512x128xi32>
      %or3A_392 = arith.ori %or3A_389, %eq3A_391 : vector<512x128xi1>
      %eq3A_393 = vector.broadcast %sub3A_216 : i32 to vector<512x128xi32>
      %eq3A_394 = arith.cmpi eq, %add3A_376, %eq3A_393 : vector<512x128xi32>
      %or3A_395 = arith.ori %or3A_392, %eq3A_394 : vector<512x128xi1>
      %eq3A_396 = vector.broadcast %sub3A_225 : i32 to vector<512x128xi32>
      %eq3A_397 = arith.cmpi eq, %add3A_376, %eq3A_396 : vector<512x128xi32>
      %or3A_398 = arith.ori %or3A_395, %eq3A_397 : vector<512x128xi1>
      %eq3A_399 = vector.broadcast %sub3A_234 : i32 to vector<512x128xi32>
      %eq3A_400 = arith.cmpi eq, %add3A_376, %eq3A_399 : vector<512x128xi32>
      %or3A_401 = arith.ori %or3A_398, %eq3A_400 : vector<512x128xi1>
      %eq3A_402 = vector.broadcast %sub3A_243 : i32 to vector<512x128xi32>
      %eq3A_403 = arith.cmpi eq, %add3A_376, %eq3A_402 : vector<512x128xi32>
      %or3A_404 = arith.ori %or3A_401, %eq3A_403 : vector<512x128xi1>
      %eq3A_405 = vector.broadcast %sub3A_252 : i32 to vector<512x128xi32>
      %eq3A_406 = arith.cmpi eq, %add3A_376, %eq3A_405 : vector<512x128xi32>
      %or3A_407 = arith.ori %or3A_404, %eq3A_406 : vector<512x128xi1>
      %eq3A_408 = vector.broadcast %sub3A_261 : i32 to vector<512x128xi32>
      %eq3A_409 = arith.cmpi eq, %add3A_376, %eq3A_408 : vector<512x128xi32>
      %or3A_410 = arith.ori %or3A_407, %eq3A_409 : vector<512x128xi1>
      %eq3A_411 = vector.broadcast %sub3A_270 : i32 to vector<512x128xi32>
      %eq3A_412 = arith.cmpi eq, %add3A_376, %eq3A_411 : vector<512x128xi32>
      %or3A_413 = arith.ori %or3A_410, %eq3A_412 : vector<512x128xi1>
      %eq3A_414 = vector.broadcast %sub3A_279 : i32 to vector<512x128xi32>
      %eq3A_415 = arith.cmpi eq, %add3A_376, %eq3A_414 : vector<512x128xi32>
      %or3A_416 = arith.ori %or3A_413, %eq3A_415 : vector<512x128xi1>
      %eq3A_417 = vector.broadcast %sub3A_288 : i32 to vector<512x128xi32>
      %eq3A_418 = arith.cmpi eq, %add3A_376, %eq3A_417 : vector<512x128xi32>
      %or3A_419 = arith.ori %or3A_416, %eq3A_418 : vector<512x128xi1>
      %eq3A_420 = vector.broadcast %sub3A_297 : i32 to vector<512x128xi32>
      %eq3A_421 = arith.cmpi eq, %add3A_376, %eq3A_420 : vector<512x128xi32>
      %or3A_422 = arith.ori %or3A_419, %eq3A_421 : vector<512x128xi1>
      %eq3A_423 = vector.broadcast %sub3A_306 : i32 to vector<512x128xi32>
      %eq3A_424 = arith.cmpi eq, %add3A_376, %eq3A_423 : vector<512x128xi32>
      %or3A_425 = arith.ori %or3A_422, %eq3A_424 : vector<512x128xi1>
      %ge3A = arith.constant 5.000000e-01 : f32
      %ge3A_426 = vector.broadcast %ge3A : f32 to vector<512x128xf32>
      %ge3A_427 = arith.cmpf oge, %get3A_370, %ge3A_426 : vector<512x128xf32>
      %or3A_428 = arith.ori %or3A_425, %ge3A_427 : vector<512x128xi1>
      %get3A_429 = arith.constant 0 : index
      %get3A_430 = arith.constant 0 : index
      %get3A_431 = arith.constant 0 : index
      %get3A_432 = arith.constant 0 : index
      %get3A_433 = vector.load %arg4[%get3A_429, %get3A_430, %get3A_431, %get3A_432] : memref<1x2x512x128xf32, #tpu.memory_space<vmem>>, vector<1x1x512x128xf32>
      %get3A_434 = vector.shape_cast %get3A_433 : vector<1x1x512x128xf32> to vector<512x128xf32>
      %get3A_435 = arith.constant 0 : index
      %get3A_436 = arith.constant 1 : index
      %get3A_437 = arith.constant 0 : index
      %get3A_438 = arith.constant 0 : index
      %get3A_439 = vector.load %arg4[%get3A_435, %get3A_436, %get3A_437, %get3A_438] : memref<1x2x512x128xf32, #tpu.memory_space<vmem>>, vector<1x1x512x128xf32>
      %get3A_440 = vector.shape_cast %get3A_439 : vector<1x1x512x128xf32> to vector<512x128xf32>
      %max3A = arith.maximumf %get3A_434, %get3A_440 : vector<512x128xf32>
      %min3A_441 = arith.minimumf %get3A_434, %get3A_440 : vector<512x128xf32>
      %sub3A_442 = arith.subf %min3A_441, %max3A : vector<512x128xf32>
      %exp3A = math.exp %sub3A_442 : vector<512x128xf32>
      %add3A_443 = arith.constant 1.000000e+00 : f32
      %add3A_444 = vector.broadcast %add3A_443 : f32 to vector<512x128xf32>
      %add3A_445 = arith.addf %add3A_444, %exp3A : vector<512x128xf32>
      %log3A = math.log %add3A_445 : vector<512x128xf32>
      %add3A_446 = arith.addf %max3A, %log3A : vector<512x128xf32>
      %select_n3A_447 = arith.select %or3A_428, %get3A_440, %get3A_434 : vector<512x128xi1>, vector<512x128xf32>
      %sub3A_448 = arith.subf %add3A_446, %select_n3A_447 : vector<512x128xf32>
      %jit3A_449 = arith.constant 0.000000e+00 : f32
      %broadcast_in_dim3A_450 = vector.broadcast %jit3A_449 : f32 to vector<512x128xf32>
      %select_n3A_451 = arith.select %or3A_428, %sub3A_448, %broadcast_in_dim3A_450 : vector<512x128xi1>, vector<512x128xf32>
      %reduce_sum3A_452 = vector.shape_cast %select_n3A_451 : vector<512x128xf32> to vector<1x512x128xf32>
      %reduce_sum3A_453 = arith.constant dense<0.000000e+00> : vector<1xf32>
      %reduce_sum3A_454 = vector.multi_reduction <add>, %reduce_sum3A_452, %reduce_sum3A_453 [1, 2] : vector<1x512x128xf32> to vector<1xf32>
      %reduce_sum3A_455 = vector.shape_cast %reduce_sum3A_454 : vector<1xf32> to vector<1x1x1xf32>
      %reduce_sum3A_456 = vector.extract %reduce_sum3A_455[0, 0, 0] : f32 from vector<1x1x1xf32>
      %jit3A_457 = arith.constant 0.000000e+00 : f32
      %broadcast_in_dim3A_458 = vector.broadcast %jit3A_457 : f32 to vector<512x128xf32>
      %select_n3A_459 = arith.select %or3A_428, %broadcast_in_dim3A_458, %sub3A_448 : vector<512x128xi1>, vector<512x128xf32>
      %bitcast_convert_type3A = tpu.bitcast %select_n3A_459 : vector<512x128xf32> -> vector<512x128xi32>
      %scan3A_460 = arith.constant 0 : i32
      %scan3A_461 = arith.constant 2147483647 : i32
      %scan3A_462 = arith.constant 0 : i32
      %scan3A_463 = arith.constant 31 : i32
      %scan3A_464 = arith.addi %scan3A_462, %scan3A_463 : i32
      %scan3A_465 = arith.constant 1 : i32
      %scan3A_466:2 = scf.for %scan3A_488 = %scan3A_462 to %scan3A_464 step %scan3A_465 iter_args(%scan3A_489 = %scan3A_460, %scan3A_490 = %scan3A_461) -> (i32, i32)  : i32 {
        %sub3A_491 = arith.subi %scan3A_490, %scan3A_489 : i32
        %jit3A_492 = arith.constant 2 : i32
        %div3A = arith.divsi %sub3A_491, %jit3A_492 : i32
        %sign3A = arith.constant 0 : i32
        %sign3A_493 = arith.cmpi sgt, %sub3A_491, %sign3A : i32
        %sign3A_494 = arith.extui %sign3A_493 : i1 to i32
        %sign3A_495 = arith.constant 0 : i32
        %sign3A_496 = arith.cmpi slt, %sub3A_491, %sign3A_495 : i32
        %sign3A_497 = arith.extui %sign3A_496 : i1 to i32
        %sign3A_498 = arith.subi %sign3A_494, %sign3A_497 : i32
        %sign3A_499 = arith.constant 0 : i32
        %sign3A_500 = arith.cmpi sgt, %jit3A_492, %sign3A_499 : i32
        %sign3A_501 = arith.extui %sign3A_500 : i1 to i32
        %sign3A_502 = arith.constant 0 : i32
        %sign3A_503 = arith.cmpi slt, %jit3A_492, %sign3A_502 : i32
        %sign3A_504 = arith.extui %sign3A_503 : i1 to i32
        %sign3A_505 = arith.subi %sign3A_501, %sign3A_504 : i32
        %ne3A = arith.cmpi ne, %sign3A_498, %sign3A_505 : i32
        %rem3A = arith.remsi %sub3A_491, %jit3A_492 : i32
        %ne3A_506 = arith.constant 0 : i32
        %ne3A_507 = arith.cmpi ne, %rem3A, %ne3A_506 : i32
        %and3A_508 = arith.andi %ne3A, %ne3A_507 : i1
        %sub3A_509 = arith.constant 1 : i32
        %sub3A_510 = arith.subi %div3A, %sub3A_509 : i32
        %select_n3A_511 = arith.select %and3A_508, %sub3A_510, %div3A : i32
        %add3A_512 = arith.addi %scan3A_489, %select_n3A_511 : i32
        %gt3A_513 = vector.broadcast %add3A_512 : i32 to vector<512x128xi32>
        %gt3A_514 = arith.cmpi sgt, %bitcast_convert_type3A, %gt3A_513 : vector<512x128xi32>
        %convert_element_type3A_515 = arith.extui %gt3A_514 : vector<512x128xi1> to vector<512x128xi32>
        %reduce_sum3A_516 = vector.shape_cast %convert_element_type3A_515 : vector<512x128xi32> to vector<1x512x128xi32>
        %reduce_sum3A_517 = arith.constant dense<0> : vector<1xi32>
        %reduce_sum3A_518 = vector.multi_reduction <add>, %reduce_sum3A_516, %reduce_sum3A_517 [1, 2] : vector<1x512x128xi32> to vector<1xi32>
        %reduce_sum3A_519 = vector.shape_cast %reduce_sum3A_518 : vector<1xi32> to vector<1x1x1xi32>
        %reduce_sum3A_520 = vector.extract %reduce_sum3A_519[0, 0, 0] : i32 from vector<1x1x1xi32>
        %ge3A_521 = arith.cmpi sge, %reduce_sum3A_520, %min3A : i32
        %select_n3A_522 = arith.select %ge3A_521, %add3A_512, %scan3A_489 : i32
        %select_n3A_523 = arith.select %ge3A_521, %scan3A_490, %add3A_512 : i32
        scf.yield %select_n3A_522, %select_n3A_523 : i32, i32
      }
      %bitcast_convert_type3A_467 = arith.bitcast %scan3A_466#1 : i32 to f32
      %gt3A = vector.broadcast %scan3A_466#1 : i32 to vector<512x128xi32>
      %gt3A_468 = arith.cmpi sgt, %bitcast_convert_type3A, %gt3A : vector<512x128xi32>
      %jit3A_469 = arith.constant 0.000000e+00 : f32
      %broadcast_in_dim3A_470 = vector.broadcast %jit3A_469 : f32 to vector<512x128xf32>
      %select_n3A_471 = arith.select %gt3A_468, %select_n3A_459, %broadcast_in_dim3A_470 : vector<512x128xi1>, vector<512x128xf32>
      %reduce_sum3A_472 = vector.shape_cast %select_n3A_471 : vector<512x128xf32> to vector<1x512x128xf32>
      %reduce_sum3A_473 = arith.constant dense<0.000000e+00> : vector<1xf32>
      %reduce_sum3A_474 = vector.multi_reduction <add>, %reduce_sum3A_472, %reduce_sum3A_473 [1, 2] : vector<1x512x128xf32> to vector<1xf32>
      %reduce_sum3A_475 = vector.shape_cast %reduce_sum3A_474 : vector<1xf32> to vector<1x1x1xf32>
      %reduce_sum3A_476 = vector.extract %reduce_sum3A_475[0, 0, 0] : f32 from vector<1x1x1xf32>
      %convert_element_type3A_477 = arith.extui %gt3A_468 : vector<512x128xi1> to vector<512x128xi32>
      %reduce_sum3A_478 = vector.shape_cast %convert_element_type3A_477 : vector<512x128xi32> to vector<1x512x128xi32>
      %reduce_sum3A_479 = arith.constant dense<0> : vector<1xi32>
      %reduce_sum3A_480 = vector.multi_reduction <add>, %reduce_sum3A_478, %reduce_sum3A_479 [1, 2] : vector<1x512x128xi32> to vector<1xi32>
      %reduce_sum3A_481 = vector.shape_cast %reduce_sum3A_480 : vector<1xi32> to vector<1x1x1xi32>
      %reduce_sum3A_482 = vector.extract %reduce_sum3A_481[0, 0, 0] : i32 from vector<1x1x1xi32>
      %add3A_483 = arith.addf %reduce_sum3A_456, %reduce_sum3A_476 : f32
      %sub3A_484 = arith.subi %min3A, %reduce_sum3A_482 : i32
      %convert_element_type3A_485 = arith.sitofp %sub3A_484 : i32 to f32
      %mul3A_486 = arith.mulf %convert_element_type3A_485, %bitcast_convert_type3A_467 : f32
      %add3A_487 = arith.addf %add3A_483, %mul3A_486 : f32
      scf.yield %add3A_487 : f32
    } else {
      %reduce_sum3A_368 = vector.shape_cast %scan3A_313#1 : vector<32x128xf32> to vector<1x32x128xf32>
      %reduce_sum3A_369 = arith.constant dense<0.000000e+00> : vector<1xf32>
      %reduce_sum3A_370 = vector.multi_reduction <add>, %reduce_sum3A_368, %reduce_sum3A_369 [1, 2] : vector<1x32x128xf32> to vector<1xf32>
      %reduce_sum3A_371 = vector.shape_cast %reduce_sum3A_370 : vector<1xf32> to vector<1x1x1xf32>
      %reduce_sum3A_372 = vector.extract %reduce_sum3A_371[0, 0, 0] : f32 from vector<1x1x1xf32>
      scf.yield %reduce_sum3A_372 : f32
    }
    %iota3A_333 = tpu.iota {dimensions = array<i32: 1>} : vector<1x128xi32>
    %eq3A = arith.constant 0 : i32
    %eq3A_334 = vector.broadcast %eq3A : i32 to vector<1x128xi32>
    %eq3A_335 = arith.cmpi eq, %iota3A_333, %eq3A_334 : vector<1x128xi32>
    %jit3A = arith.constant 0.000000e+00 : f32
    %broadcast_in_dim3A_336 = vector.broadcast %reduce_sum3A_318 : f32 to vector<1x128xf32>
    %broadcast_in_dim3A_337 = vector.broadcast %jit3A : f32 to vector<1x128xf32>
    %select_n3A = arith.select %eq3A_335, %broadcast_in_dim3A_336, %broadcast_in_dim3A_337 : vector<1x128xi1>, vector<1x128xf32>
    %eq3A_338 = arith.constant 1 : i32
    %eq3A_339 = vector.broadcast %eq3A_338 : i32 to vector<1x128xi32>
    %eq3A_340 = arith.cmpi eq, %iota3A_333, %eq3A_339 : vector<1x128xi32>
    %jit3A_341 = arith.constant 0.000000e+00 : f32
    %broadcast_in_dim3A_342 = vector.broadcast %cond3A_332 : f32 to vector<1x128xf32>
    %broadcast_in_dim3A_343 = vector.broadcast %jit3A_341 : f32 to vector<1x128xf32>
    %select_n3A_344 = arith.select %eq3A_340, %broadcast_in_dim3A_342, %broadcast_in_dim3A_343 : vector<1x128xi1>, vector<1x128xf32>
    %add3A_345 = arith.addf %select_n3A, %select_n3A_344 : vector<1x128xf32>
    %eq3A_346 = arith.constant 2 : i32
    %eq3A_347 = vector.broadcast %eq3A_346 : i32 to vector<1x128xi32>
    %eq3A_348 = arith.cmpi eq, %iota3A_333, %eq3A_347 : vector<1x128xi32>
    %convert_element_type3A_349 = arith.extui %lt3A : i1 to i32
    %convert_element_type3A_350 = arith.sitofp %convert_element_type3A_349 : i32 to f32
    %jit3A_351 = arith.constant 0.000000e+00 : f32
    %broadcast_in_dim3A_352 = vector.broadcast %convert_element_type3A_350 : f32 to vector<1x128xf32>
    %broadcast_in_dim3A_353 = vector.broadcast %jit3A_351 : f32 to vector<1x128xf32>
    %select_n3A_354 = arith.select %eq3A_348, %broadcast_in_dim3A_352, %broadcast_in_dim3A_353 : vector<1x128xi1>, vector<1x128xf32>
    %add3A_355 = arith.addf %add3A_345, %select_n3A_354 : vector<1x128xf32>
    %eq3A_356 = arith.constant 3 : i32
    %eq3A_357 = vector.broadcast %eq3A_356 : i32 to vector<1x128xi32>
    %eq3A_358 = arith.cmpi eq, %iota3A_333, %eq3A_357 : vector<1x128xi32>
    %convert_element_type3A_359 = arith.sitofp %convert_element_type3A : i32 to f32
    %jit3A_360 = arith.constant 0.000000e+00 : f32
    %broadcast_in_dim3A_361 = vector.broadcast %convert_element_type3A_359 : f32 to vector<1x128xf32>
    %broadcast_in_dim3A_362 = vector.broadcast %jit3A_360 : f32 to vector<1x128xf32>
    %select_n3A_363 = arith.select %eq3A_358, %broadcast_in_dim3A_361, %broadcast_in_dim3A_362 : vector<1x128xi1>, vector<1x128xf32>
    %add3A_364 = arith.addf %add3A_355, %select_n3A_363 : vector<1x128xf32>
    %reshape3A = vector.shape_cast %add3A_364 : vector<1x128xf32> to vector<1x1x128xf32>
    %swap3A = arith.constant 0 : index
    %swap3A_365 = arith.constant 0 : index
    %swap3A_366 = arith.constant 0 : index
    %swap3A_367 = vector.load %arg5[%swap3A, %swap3A_365, %swap3A_366] : memref<1x1x128xf32, #tpu.memory_space<vmem>>, vector<1x1x128xf32>
    tpu.vector_store %arg5[%swap3A, %swap3A_365, %swap3A_366], %reshape3A {strides = array<i32>} : memref<1x1x128xf32, #tpu.memory_space<vmem>>, vector<1x1x128xf32>,
    return
  }
  func.func @transform_0(%arg0: i32) -> (i32, i32, i32) {
    %c0_i32 = arith.constant 0 : i32
    %c0_i32_0 = arith.constant 0 : i32
    %c0_i32_1 = arith.constant 0 : i32
    return %arg0, %c0_i32, %c0_i32_0 : i32, i32, i32
  }
  func.func @transform_1(%arg0: i32) -> (i32, i32, i32) {
    %c0_i32 = arith.constant 0 : i32
    %c0_i32_0 = arith.constant 0 : i32
    %c0_i32_1 = arith.constant 0 : i32
    %c0_i32_2 = arith.constant 0 : i32
    return %c0_i32, %c0_i32_0, %c0_i32_1 : i32, i32, i32
  }
  func.func @transform_2(%arg0: i32) -> (i32, i32, i32, i32) {
    %c0_i32 = arith.constant 0 : i32
    %c0_i32_0 = arith.constant 0 : i32
    %c0_i32_1 = arith.constant 0 : i32
    %c0_i32_2 = arith.constant 0 : i32
    return %arg0, %c0_i32, %c0_i32_0, %c0_i32_1 : i32, i32, i32, i32
  }
  func.func @transform_3(%arg0: i32) -> (i32, i32, i32, i32) {
    %c0_i32 = arith.constant 0 : i32
    %c0_i32_0 = arith.constant 0 : i32
    %c0_i32_1 = arith.constant 0 : i32
    %c0_i32_2 = arith.constant 0 : i32
    return %arg0, %c0_i32, %c0_i32_0, %c0_i32_1 : i32, i32, i32, i32
  }
  func.func @transform_4(%arg0: i32) -> (i32, i32, i32) {
    %c0_i32 = arith.constant 0 : i32
    %c0_i32_0 = arith.constant 0 : i32
    %c0_i32_1 = arith.constant 0 : i32
    return %arg0, %c0_i32, %c0_i32_0 : i32, i32, i32
  }
}

</mosaic_0001>

<sc_bundles>
// kernel: kernel.4.cloned.1.call-start
scs
__scs_entry_jumppad:
0x0: {  	(pc) =	sbr.rel $0x88, $3  }
0x1: {  	(tag) =	ssettag $0x0;
	lr =	simm.s32 $0x1  }
0x2: {  	[smem:$0x3F9D] =	sst lr;
	_ =	strace $0xD0000000  }
0x3: {  	_ = 	snop  }
0x4: {  	_ = 	snop  }
0x5: {  	_ = 	snop  }
0x6: {  	_ = 	snop  }
0x7: {  	_ = 	snop  }
__scs_overlays_trampoline_lowered:
0x8: {  	[smem:$0x3FAC] =	sst s0  }
0x9: {  	[smem:$0x3FAD] =	sst s1  }
0xa: {  	[smem:$0x3FAE] =	sst s2  }
0xb: {  	[smem:$0x3FAF] =	sst s3  }
0xc: {  	[smem:$0x3FB0] =	sst s4  }
0xd: {  	[smem:$0x3FB1] =	sst s5  }
0xe: {  	[smem:$0x3FB2] =	sst s6  }
0xf: {  	[smem:$0x3FB3] =	sst s7  }
0x10: {  	[smem:$0x3FB4] =	sst s8  }
0x11: {  	[smem:$0x3FB5] =	sst s9;
	s0 =	simm.s32 @!p0 $0x0  }
0x12: {  	s1 =	sld [smem:$0x3F9B];
	s0 =	simm.s32 @p0 $0x1  }
0x13: {  	[smem:$0x3FB6] =	sst s0;
	s0 =	simm.s32 @!p1 $0x0  }
0x14: {  	s2 =	sld [smem:$0x3F9A];
	s0 =	simm.s32 @p1 $0x1  }
0x15: {  	[smem:$0x3FB7] =	sst s0;
	s0 =	simm.s32 @!p2 $0x0  }
0x16: {  	s3 =	sld [smem:$0x3FDB];
	s0 =	simm.s32 @p2 $0x1  }
0x17: {  	s4 =	simm.s32 $0x1BF5;
	[smem:$0x3FB9] =	sst s0  }
0x18: {  	s0 =	sld [smem:$0x3F9C];
	_ =	swait.ge [sflag:s4], $0x0  }
0x19: {  	s7 =	sld [smem:$0x3F9D]  }
0x1a: {  	s8 =	sadd.s32 $0xFFFFE003, lr  }
0x1b: {  	s9 =	sadd.s32 $0xFFFFFEF7, lr;
	s5 =	simm.s32 $0xFFFFFFFF;
	p2 =	slt.u32 s8, $0xFFFFF086  }
0x1c: {  	p1 =	slt.u32 s9, $0xF7A;
	s5 =	simm.s32 @!p2 $0x0  }
0x1d: {  	s5 =	simm.s32 @p1 $0x1;
	p0 =	seq.s32 s7, s2  }
0x1e: {  	s7 =	smul.u32 @!p0 $0xF7A, s2;
	p2 =	seq.s32 @!p0 s5, $0x0  }
0x1f: {  	s9 =	smul.u32 $0xF7A, s1;
	s8 =	simm.s32 @!p0 $0x1BF5;
	p2 =	por !p2, p0  }
0x20: {  	[sflag:s8] =	ssyncset.s32 @!p0 $0xFFFFF086;
	s6 =	sadd.s32 @!p0 s3, s7;
	s7 =	simm.s32 @!p0 $0x108  }
0x21: {  	s3 =	sadd.s32 s3, s9;
	s6 =	sadd.s32 @!p0 $0x88, s6;
	s7 =	simm.s32 @p2 $0x1082  }
0x22: {  	[simem:s7], [sflag:s8] =	dma.local @!p0 [hbm:s6], $0xF7A  }
0x23: {  	s9 =	sor.u32 $0xD0000000, s2;
	s6 =	simm.s32 $0x108;
	_ =	swait.ge @!p0 [sflag:s8], $0x0  }
0x24: {  	s3 =	sadd.s32 $0x88, s3;
	s6 =	simm.s32 @!p1 $0x1082;
	[sflag:s4] =	ssyncset.s32 $0xFFFFF086  }
0x25: {  	[simem:s6], [sflag:s4] =	dma.local [hbm:s3], $0xF7A  }
0x26: {  	[smem:$0x3F9D] =	sst s1;
	(tag) =	ssettag s2;
	_ =	strace s9  }
0x27: {  	s1 =	sld [smem:$0x3FAD]  }
0x28: {  	s2 =	sld [smem:$0x3FAE]  }
0x29: {  	s4 =	sld [smem:$0x3FB0]  }
0x2a: {  	p0 =	seq.s32 s5, $0x0;
	s5 =	sld [smem:$0x3FB1]  }
0x2b: {  	s6 =	sld [smem:$0x3FB2]  }
0x2c: {  	s7 =	sld [smem:$0x3FB3]  }
0x2d: {  	s3 =	simm.s32 $0x108;
	s8 =	sld [smem:$0x3FB4]  }
0x2e: {  	s3 =	simm.s32 @!p0 $0x1082;
	s9 =	sld [smem:$0x3FB5]  }
0x2f: {  	lr =	sadd.s32 s0, s3;
	s0 =	sld [smem:$0x3FAC]  }
0x30: {  	s3 =	sld [smem:$0x3FAF]  }
0x31: {  	[smem:$0x3FB8] =	sst s10  }
0x32: {  	s10 =	sld [smem:$0x3FB6];
	_ =	sdelay $0x3  }
0x33: {  	p0 =	seq.s32 s10, $0x1;
	s10 =	sld [smem:$0x3FB8];
	_ =	sdelay $0x3  }
0x34: {  	[smem:$0x3FB8] =	sst s10  }
0x35: {  	s10 =	sld [smem:$0x3FB7];
	_ =	sdelay $0x3  }
0x36: {  	p1 =	seq.s32 s10, $0x1;
	s10 =	sld [smem:$0x3FB8];
	_ =	sdelay $0x3  }
0x37: {  	[smem:$0x3FB8] =	sst s10  }
0x38: {  	s10 =	sld [smem:$0x3FB9]  }
0x39: {  	_ = 	snop;
	(pc) =	sbr.ind lr, $3  }
0x3a: {  	_ = 	snop  }
0x3b: {  	_ = 	snop  }
0x3c: {  	p2 =	seq.s32 s10, $0x1;
	s10 =	sld [smem:$0x3FB8]  }
0x3d: {  	_ =	shalt  }
0x3e: {  	_ =	shalt  }
0x3f: {  	_ =	shalt  }
0x40: {  	_ =	shalt  }
0x41: {  	_ =	shalt  }
0x42: {  	_ =	shalt  }
0x43: {  	_ =	shalt  }
0x44: {  	_ =	shalt  }
0x45: {  	_ =	shalt  }
0x46: {  	_ =	shalt  }
0x47: {  	_ =	shalt  }
0x48: {  	_ =	shalt  }
0x49: {  	_ =	shalt  }
0x4a: {  	_ =	shalt  }
0x4b: {  	_ =	shalt  }
0x4c: {  	_ =	shalt  }
0x4d: {  	_ =	shalt  }
0x4e: {  	_ =	shalt  }
0x4f: {  	_ =	shalt  }
0x50: {  	_ =	shalt  }
0x51: {  	_ =	shalt  }
0x52: {  	_ =	shalt  }
0x53: {  	_ =	shalt  }
0x54: {  	_ =	shalt  }
0x55: {  	_ =	shalt  }
0x56: {  	_ =	shalt  }
0x57: {  	_ =	shalt  }
0x58: {  	_ =	shalt  }
0x59: {  	_ =	shalt  }
0x5a: {  	_ =	shalt  }
0x5b: {  	_ =	shalt  }
0x5c: {  	_ =	shalt  }
0x5d: {  	_ =	shalt  }
0x5e: {  	_ =	shalt  }
0x5f: {  	_ =	shalt  }
0x60: {  	_ =	shalt  }
0x61: {  	_ =	shalt  }
0x62: {  	_ =	shalt  }
0x63: {  	_ =	shalt  }
0x64: {  	_ =	shalt  }
0x65: {  	_ =	shalt  }
0x66: {  	_ =	shalt  }
0x67: {  	_ =	shalt  }
0x68: {  	_ =	shalt  }
0x69: {  	_ =	shalt  }
0x6a: {  	_ =	shalt  }
0x6b: {  	_ =	shalt  }
0x6c: {  	_ =	shalt  }
0x6d: {  	_ =	shalt  }
0x6e: {  	_ =	shalt  }
0x6f: {  	_ =	shalt  }
0x70: {  	_ =	shalt  }
0x71: {  	_ =	shalt  }
0x72: {  	_ =	shalt  }
0x73: {  	_ =	shalt  }
0x74: {  	_ =	shalt  }
0x75: {  	_ =	shalt  }
0x76: {  	_ =	shalt  }
0x77: {  	_ =	shalt  }
0x78: {  	_ =	shalt  }
0x79: {  	_ =	shalt  }
0x7a: {  	_ =	shalt  }
0x7b: {  	_ =	shalt  }
0x7c: {  	_ =	shalt  }
0x7d: {  	_ =	shalt  }
0x7e: {  	_ =	shalt  }
0x7f: {  	_ =	shalt  }
0x80: {  	_ =	shalt  }
0x81: {  	_ =	shalt  }
0x82: {  	_ =	shalt  }
0x83: {  	_ =	shalt  }
0x84: {  	_ =	shalt  }
0x85: {  	_ =	shalt  }
0x86: {  	_ =	shalt  }
0x87: {  	_ =	shalt  }
.Lfunc_end0:
.L_simem_size_0:
called_computation_lowered:
.L_overlay_start_0:
0x88: {  	s2 =	sld [smem:$0x3FD9]  }
0x89: {  	s3 =	sld [smem:$0x3FFE];
	_ =	sdelay $0x1  }
0x8a: {  	s1 =	srdreg.scid  }
0x8b: {  	s0 =	sand.u32 $0x1, s1  }
0x8c: {  	s16 =	sshll.u32 s0, $0xA;
	s2 =	sadd.s32 s3, s2  }
0x8d: {  	s2 =	sadd.s32 s2, s16  }
0x8e: {  	[smem:$0x3FC4] =	sst s2  }
0x8f: {  	_ = 	snop  }
0x90: {  	(tm) =	ssettm $0x1  }
0x91: {  	s17 =	sld [smem:$0x3FFB];
	_ =	sdelay $0x3  }
0x92: {  	_ =	strace s17  }
0x93: {  	s2 =	sld [smem:$0x3FFC];
	_ =	sdelay $0x3  }
0x94: {  	_ =	strace s2  }
0x95: {  	s2 =	sld [smem:$0x3FFD];
	_ =	sdelay $0x3  }
0x96: {  	_ =	strace s2  }
0x97: {  	_ =	strace $0x8FFFFFFF  }
0x98: {  	s18 =	sld [smem:$0x3FDB];
	_ =	sdelay $0x1  }
0x99: {  	s19 =	simm.s32 $_scs_section_size  }
0x9a: {  	s4 =	simm.s32 $_size__tile_overlayer_lowered;
	s5 =	simm.s32 $_tile_overlayer_lowered  }
0x9b: {  	s22 =	simm.s32 $0x1BFF;
	s21 =	sshll.u32 s5, $0x1;
	s2 =	sadd.s32 s19, s18  }
0x9c: {  	s6 =	simm.s32 $0x0;
	s20 =	sshll.u32 s4, $0x1;
	s4 =	sadd.s32 s21, s2  }
0x9d: {  	[timem:s6], [sflag:s22] =	dma.local [hbm:s4], s20  }
0x9e: {  	_ =	swait.ge [sflag:s22], s20  }
0x9f: {  	s3 =	ssub.s32 $0x0, s20;
	[sflag:s22] =	ssyncset.done $0x0  }
0xa0: {  	[sflag:s22] =	ssyncadd.s32 s3;
	_ =	sdelay $0x1  }
0xa1: {  	s23 =	simm.s32 $0x1B8B  }
0xa2: {  	_ =	swait.ge [sflag:s23], $0x1  }
0xa3: {  	[sflag:s23] =	ssyncset.done $0x0  }
0xa4: {  	s25 =	simm.s32 $0x1B8E;
	s24 =	sld [smem:$0x3FFE];
	[sflag:s23] =	ssyncadd.s32 $0xFFFFFFFF  }
0xa5: {  	s26 =	simm.s32 $execute0_lowered;
	[smem:$0x3FD2] =	sst s25  }
0xa6: {  	s4 =	sshll.u32 s26, $0x1;
	_ =	strace $0x80000046;
	[dreg:$0x1] =	wrdreg $0xFFFFFFFF  }
0xa7: {  	s28 =	simm.s32 $_size_execute0_lowered;
	s2 =	sadd.s32 s2, s4;
	[dreg:$0x0] =	wrdreg $0x0  }
0xa8: {  	s4 =	sshll.u32 s28, $0x1;
	[dreg:$0x2] =	wrdreg s2  }
0xa9: {  	[dreg:$0x3] =	wrdreg s4  }
0xaa: {  	[dreg:$0x4] =	wrdreg $0xC0  }
0xab: {  	_ =	task [dreg:s6], $0x5FFFF  }
0xac: {  	[dreg:$0x1] =	wrdreg $0xFFFFFFFF  }
0xad: {  	[dreg:$0x0] =	wrdreg $0x60  }
0xae: {  	[dreg:$0x2] =	wrdreg s24  }
0xaf: {  	[dreg:$0x3] =	wrdreg $0x9  }
0xb0: {  	_ =	task.clear_ibuf [dreg:s6], $0x4FFFF;
	_ =	strace $0x90000046  }
0xb1: {  	s29 =	simm.s32 $0x9;
	_ =	strace $0x80000048  }
0xb2: {  	_ =	swait.ge [sflag:s29], $0x1  }
0xb3: {  	[sflag:s29] =	ssyncadd.s32 $0xFFFFFFFF  }
0xb4: {  	_ =	strace $0x90000048  }
0xb5: {  	_ =	sfence  }
0xb6: {  	s30 =	sld [smem:$0x0];
	_ =	sdelay $0x2  }
0xb7: {  	s31 =	sshll.u32 s1, $0xD;
	s1 =	sshrl.u32 s1, $0x2  }
0xb8: {  	s3 =	sand.u32 $0x4000, s31;
	s1 =	sadd.s32 s1, s30  }
0xb9: {  	s0 =	sor.u32 s3, s0;
	s1 =	sshll.u32 s1, $0x11  }
0xba: {  	s0 =	sor.u32 s1, s0  }
0xbb: {  	s0 =	sadd.s32 $0x8F2B, s0  }
0xbc: {  	[sflag:s0] =	ssyncadd.remote.s32 $0x1  }
0xbd: {  	_ =	sfence.sel $0xFFFF  }
0xbe: {  	[dreg:$0x0] =	wrdreg $0xFFFFFFFF;
	(pc) =	sbr.abs _section_cstart, $3  }
0xbf: {  	[dreg:$0x1] =	wrdreg $0xFFFFFFFF  }
0xc0: {  	_ =	task.clear_ibuf [dreg:s6], $0x2FFFF;
	_ =	strace $0x9FFFFFFF  }
0xc1: {  	(tm) =	ssettm $0x7FFFFFFF  }
tec
execute0_lowered:
.L_overlay_start_1:
0x0: {  	(tag) =	ssettag $0x1  }
0x1: {  	s3 =	rddreg [dreg:$0x0]  }
0x2: {  	s0 =	rddreg [dreg:$0x1];
	s2 =	simm.s32 $0x0;
	s4 =	srdreg.scid  }
0x3: {  	s1 =	stileid.u32;
	s13 =	simm.s32 $0x8000;
	s14 =	simm.s32 $0x4000  }
0x4: {  	s15 =	simm.s32 $0xC000;
	s16 =	simm.s32 $0x1;
	s17 =	simm.s32 $0x2  }
0x5: {  	s18 =	simm.s32 $0x10000;
	s19 =	simm.s32 $0x3;
	s20 =	simm.s32 $0x0  }
0x6: {  	[smem:$0x7FF] =	sst s2;
	s4 =	sand.u32 $0x1, s4;
	s5 =	sshll.u32 s1, $0x1  }
0x7: {  	_ =	strace $0x80000047;
	s5 =	sor.u32 s4, s5;
	s4 =	ssub.s32 $0x2, s4  }
0x8: {  	s6 =	sshll.u32 s5, $0x2;
	s5 =	sshll.u32 s5, $0xE;
	s31 =	sshrl.u32 s4, $0x1  }
0x9: {  	s11 =	sadd.s32 s6, s3;
	s3 =	sadd.s32 s3, s5;
	s12 =	ssub.s32 s4, s31  }
0xa: {  	s4 =	sadd.s32 $0x2000, s3;
	s5 =	sadd.s32 $0x800, s3;
	s6 =	sadd.s32 $0x2800, s3  }
0xb: {  	s7 =	sadd.s32 $0x1000, s3;
	s8 =	sadd.s32 $0x3000, s3;
	s9 =	sadd.s32 $0x1800, s3  }
0xc: {  	s10 =	sadd.s32 $0x3800, s3;
	s11 =	sadd.s32 $0x80000, s11;
	s12 =	smax.u32 s12, $0x1  }
.LBB2_1:
0xd: {  	[tilespmem:s2], [sflag:$0x1] =	stream.linear.gather [hbm4b:s3+s2], $0x4000, $0x38;
	[tilespmem:$0x10080] =	vst v63  }
0xe: {  	_ = 	snop  }
0xf: {  	[tilespmem:s13], [sflag:$0x1] =	stream.linear.gather [hbm4b:s4+s2], $0x4000, $0x38;
	[tilespmem:$0x10080] =	vst v63  }
0x10: {  	_ = 	snop  }
0x11: {  	[tilespmem:s14], [sflag:$0x2] =	stream.linear.gather [hbm4b:s5+s2], $0x4000, $0x38;
	[tilespmem:$0x10080] =	vst v63  }
0x12: {  	_ = 	snop  }
0x13: {  	[tilespmem:s15], [sflag:$0x2] =	stream.linear.gather [hbm4b:s6+s2], $0x4000, $0x38;
	[tilespmem:$0x10080] =	vst v63  }
0x14: {  	_ =	swait.ge [sflag:s16], $0x4000  }
0x15: {  	[sflag:s16] =	ssyncset.done $0x0  }
0x16: {  	[sflag:s16] =	ssyncadd.s32 $0xFFFFC000  }
0x17: {  	_ =	swait.ge [sflag:s16], $0x4000  }
0x18: {  	[sflag:s16] =	ssyncset.done $0x0  }
0x19: {  	s21 =	simm.s32 $0x0;
	[sflag:s16] =	ssyncadd.s32 $0xFFFFC000  }
0x1a: {  	v3 =	vld [tilespmem:s21+$0x0]  }
0x1b: {  	v0 =	vld [tilespmem:s21+$0x8000];
	_ =	sdelay $0x4  }
0x1c: {  	s24 =	simm.s32 $0x10;
	v5 =	vmax.f32 v3, v0;
	v0 =	vmin.f32 v3, v0  }
0x1d: {  	v6 =	vld [tilespmem:s24+$0x0];
	v0 =	vsub.f32 v0, v5  }
0x1e: {  	v1 =	vld [tilespmem:s24+$0x8000]  }
0x1f: {  	v0 =	vmul.f32 $1.442695020e+00, v0;
	_ =	sdelay $0x1  }
0x20: {  	(erf) = vpow2.f32 v0;
	_ =	sdelay $0x1  }
0x21: {  	s25 =	simm.s32 $0x20;
	v0 =	vmax.f32 v6, v1;
	v1 =	vmin.f32 v6, v1  }
0x22: {  	v7 =	vld [tilespmem:s25+$0x0];
	v1 =	vsub.f32 v1, v0  }
0x23: {  	v4 =	vld [tilespmem:s25+$0x8000]  }
0x24: {  	v1 =	vmul.f32 $1.442695020e+00, v1;
	_ =	sdelay $0x2  }
0x25: {  	(erf) = vpow2.f32 v1  }
0x26: {  	v2 =	vmax.f32 v7, v4;
	v4 =	vmin.f32 v7, v4;
	v1 =	vpop (erf)  }
0x27: {  	s26 =	simm.s32 $0x30;
	v4 =	vsub.f32 v4, v2;
	v8 =	vadd.f32 $2.000000000e+00, v1  }
0x28: {  	v11 =	vld [tilespmem:s26+$0x0]  }
0x29: {  	v4 =	vmul.f32 $1.442695020e+00, v4;
	(erf) = vrcp.f32 v8;
	v8 =	vld [tilespmem:s26+$0x8000];
	_ =	sdelay $0x1  }
0x2a: {  	(erf) = vpow2.f32 v4;
	_ =	sdelay $0x2  }
0x2b: {  	s28 =	simm.s32 $0x40;
	v10 =	vpop (erf);
	v4 =	vmax.f32 v11, v8;
	v8 =	vmin.f32 v11, v8  }
0x2c: {  	v13 =	vld [tilespmem:s28+$0x0];
	v9 =	vadd.f32 $2.000000000e+00, v10;
	v8 =	vsub.f32 v8, v4  }
0x2d: {  	v12 =	vld [tilespmem:s28+$0x8000]  }
0x2e: {  	(erf) = vrcp.f32 v9;
	v8 =	vmul.f32 $1.442695020e+00, v8;
	_ =	sdelay $0x1  }
0x2f: {  	v9 =	vpop (erf);
	(erf) = vpow2.f32 v8  }
0x30: {  	v14 =	vmul.f32 v9, v1;
	v15 =	vpop (erf);
	v9 =	vimm.f32 $0.0e+00  }
0x31: {  	v1 =	vmax.f32 v13, v12;
	v12 =	vmin.f32 v13, v12;
	v16 =	vadd.f32 $2.000000000e+00, v15  }
0x32: {  	s29 =	simm.s32 $0x50;
	v3 =	vadd.f32 v3, v9;
	v12 =	vsub.f32 v12, v1;
	v8 =	vmul.f32 v14, v14  }
0x33: {  	v18 =	vld [tilespmem:s29+$0x0]  }
0x34: {  	(erf) = vrcp.f32 v16;
	v16 =	vld [tilespmem:s29+$0x8000];
	v3 =	vadd.f32 v6, v3;
	v17 =	vmul.f32 $9.090909360e-02, v8;
	_ =	sdelay $0x1  }
0x35: {  	v6 =	vmul.f32 $1.442695020e+00, v12;
	v12 =	vpop (erf);
	v3 =	vadd.f32 v7, v3;
	v17 =	vadd.f32 $1.111111120e-01, v17  }
0x36: {  	v10 =	vmul.f32 v12, v10  }
0x37: {  	(erf) = vpow2.f32 v6;
	v3 =	vadd.f32 v11, v3;
	v17 =	vmul.f32 v17, v8;
	v20 =	vpop (erf)  }
0x38: {  	v12 =	vmul.f32 v10, v10;
	v6 =	vmax.f32 v18, v16;
	v11 =	vadd.f32 $2.000000000e+00, v20  }
0x39: {  	s30 =	simm.s32 $0x60;
	v16 =	vmin.f32 v18, v16;
	v3 =	vadd.f32 v13, v3;
	v7 =	vadd.f32 $1.428571490e-01, v17  }
0x3a: {  	v19 =	vld [tilespmem:s30+$0x8000];
	v13 =	vsub.f32 v16, v6;
	v21 =	vmul.f32 $9.090909360e-02, v12  }
0x3b: {  	v17 =	vld [tilespmem:s30+$0x0];
	v3 =	vadd.f32 v18, v3;
	v7 =	vmul.f32 v7, v8  }
0x3c: {  	v18 =	vmul.f32 $1.442695020e+00, v13;
	(erf) = vrcp.f32 v11;
	v16 =	vadd.f32 $1.111111120e-01, v21;
	v11 =	vpop (erf)  }
0x3d: {  	v7 =	vadd.f32 $2.000000030e-01, v7;
	v11 =	vmul.f32 v11, v15  }
0x3e: {  	(erf) = vpow2.f32 v18;
	v15 =	vmul.f32 v16, v12  }
0x3f: {  	v7 =	vmul.f32 v7, v8;
	v13 =	vmul.f32 v11, v11  }
0x40: {  	v23 =	vadd.f32 v17, v3;
	v3 =	vmax.f32 v17, v19;
	v18 =	vadd.f32 $1.428571490e-01, v15  }
0x41: {  	v17 =	vmin.f32 v17, v19;
	v7 =	vadd.f32 $3.333333430e-01, v7;
	v21 =	vmul.f32 $9.090909360e-02, v13  }
0x42: {  	s31 =	simm.s32 $0x70;
	v22 =	vsub.f32 v17, v3;
	v18 =	vmul.f32 v18, v12  }
0x43: {  	v16 =	vld [tilespmem:s31+$0x0];
	v7 =	vmul.f32 v7, v8;
	v8 =	vadd.f32 $1.111111120e-01, v21  }
0x44: {  	v15 =	vpop (erf);
	v21 =	vmul.f32 $1.442695020e+00, v22;
	v22 =	vadd.f32 $2.000000030e-01, v18;
	v18 =	vld [tilespmem:s31+$0x8000]  }
0x45: {  	v19 =	vadd.f32 $2.000000000e+00, v15;
	_ =	sdelay $0x1  }
0x46: {  	v17 =	vadd.f32 v14, v14;
	v14 =	vpop (erf);
	(erf) = vrcp.f32 v19;
	v19 =	vadd.f32 $1.000000000e+00, v7  }
0x47: {  	s21 =	simm.s32 $0x200;
	v7 =	vadd.f32 v16, v23;
	v14 =	vmul.f32 v14, v20;
	v20 =	vmul.f32 v8, v13  }
.LBB2_2:
0x48: {  	v8 =	vmul.f32 v22, v12;
	v17 =	vmul.f32 v19, v17;
	v23 =	vmovc v3;
	v3 =	vmax.f32 v16, v18  }
0x49: {  	p0 =	sne.s32 s21, $0xFFC0;
	v19 =	vmovc v12;
	v12 =	vmovc v13;
	v24 =	vmov v15;
	v22 =	vmov v10;
	v10 =	vmov v11  }
0x4a: {  	s22 =	sshra.s32 s21, $0x2;
	(erf) = vpow2.f32 v21;
	v13 =	vmul.f32 v14, v14;
	v20 =	vadd.f32 $1.428571490e-01, v20;
	v11 =	vmovc v14  }
0x4b: {  	v14 =	vmin.f32 v16, v18;
	v16 =	vld [tilespmem:s22+$0x0];
	v15 =	vpop (erf);
	v8 =	vadd.f32 $3.333333430e-01, v8;
	v17 =	vadd.f32 v17, v5  }
.Ltmp0:
0x4c: {  	v14 =	vsub.f32 v14, v3;
	v5 =	vmovc v0;
	v0 =	vmovc v2;
	v18 =	vld [tilespmem:s22+$0x8000];
	v21 =	vadd.f32 $2.000000000e+00, v15;
	v25 =	vmul.f32 $9.090909360e-02, v13;
	(pc) =	sbr.rel @p0 .LBB2_2-.Ltmp0, $4  }
0x4d: {  	v2 =	vmovc v4;
	v20 =	vmul.f32 v20, v12;
	v8 =	vmul.f32 v8, v19;
	v9 =	vadd.f32 v17, v9  }
0x4e: {  	v4 =	vmovc v1;
	v1 =	vmovc v6;
	v17 =	vadd.f32 v22, v22;
	(erf) = vrcp.f32 v21;
	v25 =	vadd.f32 $1.111111120e-01, v25  }
0x4f: {  	v21 =	vmul.f32 $1.442695020e+00, v14;
	v22 =	vadd.f32 $2.000000030e-01, v20;
	v6 =	vpop (erf);
	v19 =	vadd.f32 $1.000000000e+00, v8  }
0x50: {  	s21 =	sadd.s32 $0x40, s21;
	v7 =	vadd.f32 v16, v7;
	v14 =	vmul.f32 v6, v24;
	v20 =	vmul.f32 v25, v13;
	v6 =	vmovc v23  }
0x51: {  	_ = 	snop  }
0x52: {  	v8 =	vmax.f32 v16, v18;
	v16 =	vmin.f32 v16, v18  }
0x53: {  	v16 =	vsub.f32 v16, v8;
	v18 =	vpop (erf)  }
0x54: {  	v23 =	vadd.f32 $2.000000000e+00, v18  }
0x55: {  	(erf) = vpow2.f32 v21;
	v16 =	vmul.f32 $1.442695020e+00, v16  }
0x56: {  	(erf) = vrcp.f32 v23  }
0x57: {  	(erf) = vpow2.f32 v16;
	_ =	sdelay $0x5  }
0x58: {  	v16 =	vpop (erf)  }
0x59: {  	v21 =	vpop (erf)  }
0x5a: {  	v23 =	vpop (erf)  }
0x5b: {  	v24 =	vadd.f32 $2.000000000e+00, v21;
	v25 =	vpop (erf)  }
0x5c: {  	v26 =	vadd.f32 $2.000000000e+00, v25  }
0x5d: {  	(erf) = vrcp.f32 v24  }
0x5e: {  	(erf) = vrcp.f32 v26;
	_ =	sdelay $0x5  }
0x5f: {  	s21 =	simm.s32 $0x0;
	v22 =	vmul.f32 v22, v12;
	v20 =	vadd.f32 $1.428571490e-01, v20  }
0x60: {  	[tilespmem:s21], [sflag:$0x1] =	stream.linear.gather [hbm4b:s7+s21], $0x4000, $0x38;
	v56 =	vmul.f32 v14, v14;
	[tilespmem:$0x10080] =	vst v63  }
0x61: {  	v22 =	vadd.f32 $3.333333430e-01, v22;
	v20 =	vmul.f32 v20, v13;
	v57 =	vpop (erf)  }
0x62: {  	[tilespmem:s13], [sflag:$0x1] =	stream.linear.gather [hbm4b:s8+s21], $0x4000, $0x38;
	v28 =	vmul.f32 $9.090909360e-02, v56;
	v27 =	vpop (erf);
	[tilespmem:$0x10080] =	vst v63  }
0x63: {  	v17 =	vmul.f32 v19, v17;
	v12 =	vmul.f32 v22, v12;
	v19 =	vadd.f32 $2.000000030e-01, v20;
	_ =	swait.ge [sflag:s17], $0x4000  }
0x64: {  	v22 =	vadd.f32 $1.111111120e-01, v28;
	v15 =	vmul.f32 v16, v15;
	[sflag:s17] =	ssyncset.done $0x0  }
0x65: {  	v10 =	vadd.f32 v10, v10;
	v12 =	vadd.f32 $1.000000000e+00, v12;
	v19 =	vmul.f32 v19, v13;
	[sflag:s17] =	ssyncadd.s32 $0xFFFFC000  }
0x66: {  	v16 =	vmul.f32 v22, v56;
	v20 =	vmul.f32 v15, v15;
	_ =	swait.ge [sflag:s17], $0x4000  }
0x67: {  	v5 =	vadd.f32 v17, v5;
	v10 =	vmul.f32 v12, v10;
	v17 =	vadd.f32 $3.333333430e-01, v19;
	[sflag:s17] =	ssyncset.done $0x0  }
0x68: {  	s23 =	simm.s32 $0x0;
	v12 =	vadd.f32 $1.428571490e-01, v16;
	v19 =	vmul.f32 $9.090909360e-02, v20;
	[sflag:s17] =	ssyncadd.s32 $0xFFFFC000  }
0x69: {  	v5 =	vadd.f32 v5, v9;
	v9 =	vadd.f32 v10, v0;
	v16 =	vld [tilespmem:s23+$0x4000]  }
0x6a: {  	v10 =	vmul.f32 v17, v13;
	v0 =	vmul.f32 v12, v56;
	v12 =	vadd.f32 $1.111111120e-01, v19;
	v22 =	vld [tilespmem:s23+$0xC000]  }
0x6b: {  	v11 =	vadd.f32 v11, v11;
	v13 =	vmul.f32 v23, v18  }
0x6c: {  	v10 =	vadd.f32 $1.000000000e+00, v10;
	v0 =	vadd.f32 $2.000000030e-01, v0;
	v12 =	vmul.f32 v12, v20  }
0x6d: {  	v14 =	vadd.f32 v14, v14;
	v5 =	vadd.f32 v9, v5;
	v17 =	vmul.f32 v13, v13  }
0x6e: {  	v9 =	vmul.f32 v10, v11;
	v18 =	vmul.f32 v0, v56;
	v12 =	vadd.f32 $1.428571490e-01, v12  }
0x6f: {  	s24 =	simm.s32 $0x10;
	v0 =	vmax.f32 v16, v22;
	v19 =	vmin.f32 v16, v22;
	v22 =	vmul.f32 $9.090909360e-02, v17  }
0x70: {  	v10 =	vadd.f32 $3.333333430e-01, v18;
	v12 =	vmul.f32 v12, v20;
	v11 =	vld [tilespmem:s24+$0x4000];
	v19 =	vsub.f32 v19, v0  }
0x71: {  	v9 =	vadd.f32 v9, v2;
	v18 =	vadd.f32 $1.111111120e-01, v22;
	v22 =	vld [tilespmem:s24+$0xC000]  }
0x72: {  	v2 =	vmul.f32 v10, v56;
	v12 =	vadd.f32 $2.000000030e-01, v12;
	v19 =	vmul.f32 $1.442695020e+00, v19  }
0x73: {  	v5 =	vadd.f32 v9, v5;
	v10 =	vmul.f32 v57, v21;
	v18 =	vmul.f32 v18, v17  }
0x74: {  	v12 =	vmul.f32 v12, v20;
	(erf) = vpow2.f32 v19;
	v19 =	vadd.f32 $1.000000000e+00, v2  }
0x75: {  	s25 =	simm.s32 $0x20;
	v21 =	vmul.f32 v10, v10;
	v23 =	vmul.f32 v27, v25;
	v18 =	vadd.f32 $1.428571490e-01, v18  }
0x76: {  	v58 =	vld [tilespmem:s25+$0x4000];
	v2 =	vmax.f32 v11, v22;
	v22 =	vmin.f32 v11, v22;
	v14 =	vmul.f32 v19, v14  }
0x77: {  	v59 =	vld [tilespmem:s25+$0xC000];
	v22 =	vsub.f32 v22, v2;
	v9 =	vmul.f32 v18, v17;
	v18 =	vmul.f32 v23, v23  }
0x78: {  	v12 =	vadd.f32 $3.333333430e-01, v12;
	v19 =	vmul.f32 $9.090909360e-02, v21  }
0x79: {  	v14 =	vadd.f32 v14, v4;
	v4 =	vmul.f32 $1.442695020e+00, v22;
	v22 =	vmul.f32 $9.090909360e-02, v18  }
0x7a: {  	v12 =	vmul.f32 v12, v20  }
0x7b: {  	v19 =	vadd.f32 $1.111111120e-01, v19;
	(erf) = vpow2.f32 v4  }
0x7c: {  	s26 =	simm.s32 $0x30;
	v15 =	vadd.f32 v15, v15;
	v12 =	vadd.f32 $1.000000000e+00, v12;
	v25 =	vmin.f32 v58, v59  }
0x7d: {  	v61 =	vld [tilespmem:s26+$0x4000];
	v9 =	vadd.f32 $2.000000030e-01, v9;
	v19 =	vmul.f32 v19, v21;
	v20 =	vadd.f32 $1.111111120e-01, v22;
	v22 =	vpop (erf)  }
0x7e: {  	v62 =	vld [tilespmem:s26+$0xC000];
	v14 =	vadd.f32 v14, v5;
	v5 =	vmul.f32 v12, v15;
	v60 =	vadd.f32 $2.000000000e+00, v22  }
0x7f: {  	v9 =	vmul.f32 v9, v17;
	v4 =	vmax.f32 v58, v59;
	v19 =	vadd.f32 $1.428571490e-01, v19  }
0x80: {  	v25 =	vsub.f32 v25, v4;
	v20 =	vmul.f32 v20, v18;
	(erf) = vrcp.f32 v60  }
0x81: {  	v13 =	vadd.f32 v13, v13;
	v9 =	vadd.f32 $3.333333430e-01, v9;
	v19 =	vmul.f32 v19, v21  }
0x82: {  	v1 =	vadd.f32 v5, v1;
	v25 =	vmul.f32 $1.442695020e+00, v25;
	v20 =	vadd.f32 $1.428571490e-01, v20  }
0x83: {  	v5 =	vmax.f32 v61, v62;
	v9 =	vmul.f32 v9, v17;
	v12 =	vadd.f32 $2.000000030e-01, v19  }
0x84: {  	v19 =	vmin.f32 v61, v62;
	v15 =	vmul.f32 v20, v18;
	(erf) = vpow2.f32 v25;
	v17 =	vpop (erf)  }
0x85: {  	v9 =	vadd.f32 $1.000000000e+00, v9;
	v12 =	vmul.f32 v12, v21;
	v20 =	vadd.f32 $2.000000000e+00, v17  }
0x86: {  	v19 =	vsub.f32 v19, v5;
	v15 =	vadd.f32 $2.000000030e-01, v15  }
0x87: {  	v9 =	vmul.f32 v9, v13;
	v12 =	vadd.f32 $3.333333430e-01, v12  }
0x88: {  	v19 =	vmul.f32 $1.442695020e+00, v19;
	v15 =	vmul.f32 v15, v18  }
0x89: {  	v1 =	vadd.f32 v1, v14;
	v12 =	vmul.f32 v12, v21;
	(erf) = vrcp.f32 v20;
	v20 =	vpop (erf)  }
0x8a: {  	s28 =	simm.s32 $0x40;
	v6 =	vadd.f32 v9, v6;
	v14 =	vadd.f32 $3.333333430e-01, v15;
	v20 =	vmul.f32 v20, v22  }
0x8b: {  	v13 =	vld [tilespmem:s28+$0x4000];
	v9 =	vadd.f32 v10, v10;
	v10 =	vadd.f32 $1.000000000e+00, v12  }
0x8c: {  	v15 =	vld [tilespmem:s28+$0xC000];
	v12 =	vmul.f32 v14, v18;
	v18 =	vmul.f32 v20, v20  }
0x8d: {  	(erf) = vpow2.f32 v19;
	v19 =	vpop (erf);
	v9 =	vmul.f32 v10, v9  }
0x8e: {  	v10 =	vadd.f32 $1.000000000e+00, v12;
	v12 =	vadd.f32 $2.000000000e+00, v19;
	v21 =	vmul.f32 $9.090909360e-02, v18  }
0x8f: {  	v7 =	vadd.f32 v16, v7  }
0x90: {  	v14 =	vadd.f32 v23, v23;
	(erf) = vrcp.f32 v12;
	v12 =	vadd.f32 $1.111111120e-01, v21  }
0x91: {  	s29 =	simm.s32 $0x50;
	v6 =	vadd.f32 v6, v1;
	v1 =	vmax.f32 v13, v15;
	v15 =	vmin.f32 v13, v15  }
0x92: {  	v16 =	vld [tilespmem:s29+$0x4000];
	v15 =	vsub.f32 v15, v1;
	v10 =	vmul.f32 v10, v14;
	v14 =	vmul.f32 v12, v18  }
0x93: {  	v7 =	vadd.f32 v11, v7;
	v22 =	vld [tilespmem:s29+$0xC000];
	v3 =	vadd.f32 v9, v3  }
0x94: {  	v11 =	vmul.f32 $1.442695020e+00, v15;
	v9 =	vpop (erf)  }
0x95: {  	v3 =	vadd.f32 v3, v6;
	v6 =	vadd.f32 v58, v7;
	v9 =	vmul.f32 v9, v17  }
0x96: {  	v7 =	vadd.f32 v10, v8;
	(erf) = vpow2.f32 v11;
	v8 =	vadd.f32 $1.428571490e-01, v14;
	v14 =	vpop (erf)  }
0x97: {  	s30 =	simm.s32 $0x60;
	v10 =	vadd.f32 v61, v6;
	v12 =	vmul.f32 v9, v9;
	v11 =	vadd.f32 $2.000000000e+00, v14  }
0x98: {  	v15 =	vmin.f32 v16, v22;
	v6 =	vmax.f32 v16, v22;
	v17 =	vld [tilespmem:s30+$0x4000];
	v8 =	vmul.f32 v8, v18  }
0x99: {  	v10 =	vadd.f32 v13, v10;
	v13 =	vsub.f32 v15, v6;
	v22 =	vmul.f32 $9.090909360e-02, v12  }
0x9a: {  	v21 =	vld [tilespmem:s30+$0xC000];
	v8 =	vadd.f32 $2.000000030e-01, v8;
	(erf) = vrcp.f32 v11  }
0x9b: {  	v16 =	vadd.f32 v16, v10;
	v15 =	vadd.f32 $1.111111120e-01, v22;
	v22 =	vmul.f32 $1.442695020e+00, v13;
	v11 =	vpop (erf)  }
0x9c: {  	v8 =	vmul.f32 v8, v18;
	v10 =	vmul.f32 v11, v19  }
0x9d: {  	v23 =	vadd.f32 v17, v16;
	v11 =	vadd.f32 v7, v3;
	v7 =	vmul.f32 v15, v12  }
0x9e: {  	s31 =	simm.s32 $0x70;
	(erf) = vpow2.f32 v22;
	v8 =	vadd.f32 $3.333333430e-01, v8;
	v13 =	vmul.f32 v10, v10  }
0x9f: {  	v16 =	vld [tilespmem:s31+$0x4000];
	v3 =	vmax.f32 v17, v21;
	v15 =	vpop (erf);
	v17 =	vmin.f32 v17, v21;
	v7 =	vadd.f32 $1.428571490e-01, v7  }
0xa0: {  	v19 =	vadd.f32 $2.000000000e+00, v15;
	v8 =	vmul.f32 v8, v18;
	v18 =	vld [tilespmem:s31+$0xC000];
	v21 =	vmul.f32 $9.090909360e-02, v13  }
0xa1: {  	v22 =	vsub.f32 v17, v3;
	v7 =	vmul.f32 v7, v12  }
0xa2: {  	v17 =	vadd.f32 v20, v20;
	(erf) = vrcp.f32 v19;
	v63 =	vadd.f32 $1.111111120e-01, v21  }
0xa3: {  	v19 =	vadd.f32 $1.000000000e+00, v8;
	v21 =	vmul.f32 $1.442695020e+00, v22;
	v20 =	vpop (erf);
	v22 =	vadd.f32 $2.000000030e-01, v7  }
0xa4: {  	s21 =	simm.s32 $0x200;
	v7 =	vadd.f32 v16, v23;
	v14 =	vmul.f32 v20, v14;
	v20 =	vmul.f32 v63, v13  }
.LBB2_4:
0xa5: {  	v8 =	vmul.f32 v22, v12;
	v17 =	vmul.f32 v19, v17;
	v23 =	vmovc v3;
	v3 =	vmax.f32 v16, v18  }
0xa6: {  	p0 =	sne.s32 s21, $0xFFC0;
	v19 =	vmovc v12;
	v12 =	vmovc v13;
	v24 =	vmov v15;
	v22 =	vmov v9;
	v9 =	vmov v10  }
0xa7: {  	s22 =	sshra.s32 s21, $0x2;
	(erf) = vpow2.f32 v21;
	v13 =	vmul.f32 v14, v14;
	v20 =	vadd.f32 $1.428571490e-01, v20;
	v10 =	vmovc v14  }
0xa8: {  	v14 =	vmin.f32 v16, v18;
	v16 =	vld [tilespmem:s22+$0x4000];
	v15 =	vpop (erf);
	v8 =	vadd.f32 $3.333333430e-01, v8;
	v17 =	vadd.f32 v17, v0  }
.Ltmp1:
0xa9: {  	v14 =	vsub.f32 v14, v3;
	v0 =	vmovc v2;
	v2 =	vmovc v4;
	v18 =	vld [tilespmem:s22+$0xC000];
	v21 =	vadd.f32 $2.000000000e+00, v15;
	v25 =	vmul.f32 $9.090909360e-02, v13;
	(pc) =	sbr.rel @p0 .LBB2_4-.Ltmp1, $4  }
0xaa: {  	v4 =	vmovc v5;
	v20 =	vmul.f32 v20, v12;
	v8 =	vmul.f32 v8, v19;
	v11 =	vadd.f32 v17, v11  }
0xab: {  	v5 =	vmovc v1;
	v1 =	vmovc v6;
	v17 =	vadd.f32 v22, v22;
	(erf) = vrcp.f32 v21;
	v25 =	vadd.f32 $1.111111120e-01, v25  }
0xac: {  	v21 =	vmul.f32 $1.442695020e+00, v14;
	v22 =	vadd.f32 $2.000000030e-01, v20;
	v6 =	vpop (erf);
	v19 =	vadd.f32 $1.000000000e+00, v8  }
0xad: {  	s21 =	sadd.s32 $0x40, s21;
	v7 =	vadd.f32 v16, v7;
	v14 =	vmul.f32 v6, v24;
	v20 =	vmul.f32 v25, v13;
	v6 =	vmovc v23  }
0xae: {  	_ = 	snop  }
0xaf: {  	v8 =	vmax.f32 v16, v18;
	v16 =	vmin.f32 v16, v18  }
0xb0: {  	v16 =	vsub.f32 v16, v8;
	v18 =	vpop (erf)  }
0xb1: {  	v23 =	vadd.f32 $2.000000000e+00, v18  }
0xb2: {  	(erf) = vpow2.f32 v21;
	v16 =	vmul.f32 $1.442695020e+00, v16  }
0xb3: {  	(erf) = vrcp.f32 v23  }
0xb4: {  	(erf) = vpow2.f32 v16;
	_ =	sdelay $0x5  }
0xb5: {  	v16 =	vpop (erf)  }
0xb6: {  	v21 =	vpop (erf)  }
0xb7: {  	v23 =	vpop (erf)  }
0xb8: {  	v24 =	vadd.f32 $2.000000000e+00, v21;
	v25 =	vpop (erf)  }
0xb9: {  	v26 =	vadd.f32 $2.000000000e+00, v25  }
0xba: {  	(erf) = vrcp.f32 v24  }
0xbb: {  	(erf) = vrcp.f32 v26;
	_ =	sdelay $0x5  }
0xbc: {  	s21 =	simm.s32 $0x0;
	v22 =	vmul.f32 v22, v12;
	v20 =	vadd.f32 $1.428571490e-01, v20  }
0xbd: {  	[tilespmem:s14], [sflag:$0x2] =	stream.linear.gather [hbm4b:s9+s21], $0x4000, $0x38;
	v56 =	vmul.f32 v14, v14;
	[tilespmem:$0x10080] =	vst v63  }
0xbe: {  	v22 =	vadd.f32 $3.333333430e-01, v22;
	v20 =	vmul.f32 v20, v13;
	v57 =	vpop (erf)  }
0xbf: {  	[tilespmem:s15], [sflag:$0x2] =	stream.linear.gather [hbm4b:s10+s21], $0x4000, $0x38;
	v28 =	vmul.f32 $9.090909360e-02, v56;
	v27 =	vpop (erf);
	[tilespmem:$0x10080] =	vst v63  }
0xc0: {  	v17 =	vmul.f32 v19, v17;
	v12 =	vmul.f32 v22, v12;
	v19 =	vadd.f32 $2.000000030e-01, v20;
	_ =	swait.ge [sflag:s16], $0x4000  }
0xc1: {  	v22 =	vadd.f32 $1.111111120e-01, v28;
	v15 =	vmul.f32 v16, v15;
	[sflag:s16] =	ssyncset.done $0x0  }
0xc2: {  	v9 =	vadd.f32 v9, v9;
	v12 =	vadd.f32 $1.000000000e+00, v12;
	v19 =	vmul.f32 v19, v13;
	[sflag:s16] =	ssyncadd.s32 $0xFFFFC000  }
0xc3: {  	v16 =	vmul.f32 v22, v56;
	v20 =	vmul.f32 v15, v15;
	_ =	swait.ge [sflag:s16], $0x4000  }
0xc4: {  	v0 =	vadd.f32 v17, v0;
	v9 =	vmul.f32 v12, v9;
	v17 =	vadd.f32 $3.333333430e-01, v19;
	[sflag:s16] =	ssyncset.done $0x0  }
0xc5: {  	s23 =	simm.s32 $0x0;
	v12 =	vadd.f32 $1.428571490e-01, v16;
	v19 =	vmul.f32 $9.090909360e-02, v20;
	[sflag:s16] =	ssyncadd.s32 $0xFFFFC000  }
0xc6: {  	v11 =	vadd.f32 v0, v11;
	v2 =	vadd.f32 v9, v2;
	v16 =	vld [tilespmem:s23+$0x0]  }
0xc7: {  	v9 =	vmul.f32 v17, v13;
	v0 =	vmul.f32 v12, v56;
	v12 =	vadd.f32 $1.111111120e-01, v19;
	v22 =	vld [tilespmem:s23+$0x8000]  }
0xc8: {  	v10 =	vadd.f32 v10, v10;
	v13 =	vmul.f32 v23, v18  }
0xc9: {  	v9 =	vadd.f32 $1.000000000e+00, v9;
	v0 =	vadd.f32 $2.000000030e-01, v0;
	v12 =	vmul.f32 v12, v20  }
0xca: {  	v14 =	vadd.f32 v14, v14;
	v11 =	vadd.f32 v2, v11;
	v17 =	vmul.f32 v13, v13  }
0xcb: {  	v2 =	vmul.f32 v9, v10;
	v18 =	vmul.f32 v0, v56;
	v12 =	vadd.f32 $1.428571490e-01, v12  }
0xcc: {  	s24 =	simm.s32 $0x10;
	v0 =	vmax.f32 v16, v22;
	v19 =	vmin.f32 v16, v22;
	v22 =	vmul.f32 $9.090909360e-02, v17  }
0xcd: {  	v9 =	vadd.f32 $3.333333430e-01, v18;
	v12 =	vmul.f32 v12, v20;
	v10 =	vld [tilespmem:s24+$0x0];
	v19 =	vsub.f32 v19, v0  }
0xce: {  	v4 =	vadd.f32 v2, v4;
	v18 =	vadd.f32 $1.111111120e-01, v22;
	v22 =	vld [tilespmem:s24+$0x8000]  }
0xcf: {  	v2 =	vmul.f32 v9, v56;
	v12 =	vadd.f32 $2.000000030e-01, v12;
	v19 =	vmul.f32 $1.442695020e+00, v19  }
0xd0: {  	v11 =	vadd.f32 v4, v11;
	v9 =	vmul.f32 v57, v21;
	v18 =	vmul.f32 v18, v17  }
0xd1: {  	v12 =	vmul.f32 v12, v20;
	(erf) = vpow2.f32 v19;
	v19 =	vadd.f32 $1.000000000e+00, v2  }
0xd2: {  	s25 =	simm.s32 $0x20;
	v21 =	vmul.f32 v9, v9;
	v23 =	vmul.f32 v27, v25;
	v18 =	vadd.f32 $1.428571490e-01, v18  }
0xd3: {  	v58 =	vld [tilespmem:s25+$0x0];
	v2 =	vmax.f32 v10, v22;
	v22 =	vmin.f32 v10, v22;
	v14 =	vmul.f32 v19, v14  }
0xd4: {  	v59 =	vld [tilespmem:s25+$0x8000];
	v22 =	vsub.f32 v22, v2;
	v4 =	vmul.f32 v18, v17;
	v18 =	vmul.f32 v23, v23  }
0xd5: {  	v12 =	vadd.f32 $3.333333430e-01, v12;
	v19 =	vmul.f32 $9.090909360e-02, v21  }
0xd6: {  	v5 =	vadd.f32 v14, v5;
	v14 =	vmul.f32 $1.442695020e+00, v22;
	v22 =	vmul.f32 $9.090909360e-02, v18  }
0xd7: {  	v12 =	vmul.f32 v12, v20  }
0xd8: {  	v19 =	vadd.f32 $1.111111120e-01, v19;
	(erf) = vpow2.f32 v14  }
0xd9: {  	s26 =	simm.s32 $0x30;
	v15 =	vadd.f32 v15, v15;
	v12 =	vadd.f32 $1.000000000e+00, v12;
	v25 =	vmin.f32 v58, v59  }
0xda: {  	v61 =	vld [tilespmem:s26+$0x0];
	v4 =	vadd.f32 $2.000000030e-01, v4;
	v14 =	vmul.f32 v19, v21;
	v20 =	vadd.f32 $1.111111120e-01, v22;
	v22 =	vpop (erf)  }
0xdb: {  	v62 =	vld [tilespmem:s26+$0x8000];
	v11 =	vadd.f32 v5, v11;
	v5 =	vmul.f32 v12, v15;
	v60 =	vadd.f32 $2.000000000e+00, v22  }
0xdc: {  	v19 =	vmul.f32 v4, v17;
	v4 =	vmax.f32 v58, v59;
	v14 =	vadd.f32 $1.428571490e-01, v14  }
0xdd: {  	v25 =	vsub.f32 v25, v4;
	v20 =	vmul.f32 v20, v18;
	(erf) = vrcp.f32 v60  }
0xde: {  	v13 =	vadd.f32 v13, v13;
	v19 =	vadd.f32 $3.333333430e-01, v19;
	v14 =	vmul.f32 v14, v21  }
0xdf: {  	v1 =	vadd.f32 v5, v1;
	v25 =	vmul.f32 $1.442695020e+00, v25;
	v20 =	vadd.f32 $1.428571490e-01, v20  }
0xe0: {  	v5 =	vmax.f32 v61, v62;
	v12 =	vmul.f32 v19, v17;
	v14 =	vadd.f32 $2.000000030e-01, v14  }
0xe1: {  	v19 =	vmin.f32 v61, v62;
	v15 =	vmul.f32 v20, v18;
	(erf) = vpow2.f32 v25;
	v17 =	vpop (erf)  }
0xe2: {  	v19 =	vsub.f32 v19, v5;
	v14 =	vmul.f32 v14, v21;
	v20 =	vadd.f32 $2.000000000e+00, v17  }
0xe3: {  	v12 =	vadd.f32 $1.000000000e+00, v12;
	v15 =	vadd.f32 $2.000000030e-01, v15  }
0xe4: {  	v19 =	vmul.f32 $1.442695020e+00, v19;
	v14 =	vadd.f32 $3.333333430e-01, v14  }
0xe5: {  	v1 =	vadd.f32 v1, v11;
	v11 =	vmul.f32 v12, v13;
	v15 =	vmul.f32 v15, v18  }
0xe6: {  	(erf) = vrcp.f32 v20;
	v12 =	vmul.f32 v14, v21;
	v20 =	vpop (erf)  }
0xe7: {  	s28 =	simm.s32 $0x40;
	v9 =	vadd.f32 v9, v9;
	v14 =	vadd.f32 $3.333333430e-01, v15;
	v20 =	vmul.f32 v20, v22  }
0xe8: {  	v13 =	vld [tilespmem:s28+$0x0];
	v6 =	vadd.f32 v11, v6;
	v11 =	vadd.f32 $1.000000000e+00, v12  }
0xe9: {  	v15 =	vld [tilespmem:s28+$0x8000];
	v12 =	vmul.f32 v14, v18;
	v18 =	vmul.f32 v20, v20  }
0xea: {  	(erf) = vpow2.f32 v19;
	v19 =	vpop (erf);
	v9 =	vmul.f32 v11, v9  }
0xeb: {  	v11 =	vadd.f32 $1.000000000e+00, v12;
	v12 =	vadd.f32 $2.000000000e+00, v19;
	v21 =	vmul.f32 $9.090909360e-02, v18  }
0xec: {  	v7 =	vadd.f32 v16, v7  }
0xed: {  	v14 =	vadd.f32 v23, v23;
	(erf) = vrcp.f32 v12;
	v12 =	vadd.f32 $1.111111120e-01, v21  }
0xee: {  	s29 =	simm.s32 $0x50;
	v6 =	vadd.f32 v6, v1;
	v1 =	vmax.f32 v13, v15;
	v15 =	vmin.f32 v13, v15  }
0xef: {  	v16 =	vld [tilespmem:s29+$0x0];
	v15 =	vsub.f32 v15, v1;
	v11 =	vmul.f32 v11, v14;
	v14 =	vmul.f32 v12, v18  }
0xf0: {  	v7 =	vadd.f32 v10, v7;
	v22 =	vld [tilespmem:s29+$0x8000];
	v3 =	vadd.f32 v9, v3  }
0xf1: {  	v10 =	vmul.f32 $1.442695020e+00, v15;
	v9 =	vpop (erf)  }
0xf2: {  	v3 =	vadd.f32 v3, v6;
	v6 =	vadd.f32 v58, v7;
	v9 =	vmul.f32 v9, v17  }
0xf3: {  	v7 =	vadd.f32 v11, v8;
	(erf) = vpow2.f32 v10;
	v8 =	vadd.f32 $1.428571490e-01, v14;
	v14 =	vpop (erf)  }
0xf4: {  	s30 =	simm.s32 $0x60;
	v10 =	vadd.f32 v61, v6;
	v12 =	vmul.f32 v9, v9;
	v11 =	vadd.f32 $2.000000000e+00, v14  }
0xf5: {  	v15 =	vmin.f32 v16, v22;
	v6 =	vmax.f32 v16, v22;
	v17 =	vld [tilespmem:s30+$0x0];
	v8 =	vmul.f32 v8, v18  }
0xf6: {  	v10 =	vadd.f32 v13, v10;
	v13 =	vsub.f32 v15, v6;
	v22 =	vmul.f32 $9.090909360e-02, v12  }
0xf7: {  	v21 =	vld [tilespmem:s30+$0x8000];
	v8 =	vadd.f32 $2.000000030e-01, v8;
	(erf) = vrcp.f32 v11  }
0xf8: {  	v16 =	vadd.f32 v16, v10;
	v15 =	vadd.f32 $1.111111120e-01, v22;
	v22 =	vmul.f32 $1.442695020e+00, v13;
	v11 =	vpop (erf)  }
0xf9: {  	v8 =	vmul.f32 v8, v18;
	v10 =	vmul.f32 v11, v19  }
0xfa: {  	v23 =	vadd.f32 v17, v16;
	v11 =	vadd.f32 v7, v3;
	v7 =	vmul.f32 v15, v12  }
0xfb: {  	s31 =	simm.s32 $0x70;
	(erf) = vpow2.f32 v22;
	v8 =	vadd.f32 $3.333333430e-01, v8;
	v13 =	vmul.f32 v10, v10  }
0xfc: {  	v16 =	vld [tilespmem:s31+$0x0];
	v3 =	vmax.f32 v17, v21;
	v15 =	vpop (erf);
	v17 =	vmin.f32 v17, v21;
	v7 =	vadd.f32 $1.428571490e-01, v7  }
0xfd: {  	v19 =	vadd.f32 $2.000000000e+00, v15;
	v8 =	vmul.f32 v8, v18;
	v18 =	vld [tilespmem:s31+$0x8000];
	v21 =	vmul.f32 $9.090909360e-02, v13  }
0xfe: {  	v22 =	vsub.f32 v17, v3;
	v7 =	vmul.f32 v7, v12  }
0xff: {  	v17 =	vadd.f32 v20, v20;
	(erf) = vrcp.f32 v19;
	v63 =	vadd.f32 $1.111111120e-01, v21  }
0x100: {  	v19 =	vadd.f32 $1.000000000e+00, v8;
	v21 =	vmul.f32 $1.442695020e+00, v22;
	v20 =	vpop (erf);
	v22 =	vadd.f32 $2.000000030e-01, v7  }
0x101: {  	s21 =	simm.s32 $0x200;
	v7 =	vadd.f32 v16, v23;
	v14 =	vmul.f32 v20, v14;
	v20 =	vmul.f32 v63, v13  }
.LBB2_6:
0x102: {  	v8 =	vmul.f32 v22, v12;
	v17 =	vmul.f32 v19, v17;
	v23 =	vmovc v3;
	v3 =	vmax.f32 v16, v18  }
0x103: {  	p0 =	sne.s32 s21, $0xFFC0;
	v19 =	vmovc v12;
	v12 =	vmovc v13;
	v24 =	vmov v15;
	v22 =	vmov v9;
	v9 =	vmov v10  }
0x104: {  	s22 =	sshra.s32 s21, $0x2;
	(erf) = vpow2.f32 v21;
	v13 =	vmul.f32 v14, v14;
	v20 =	vadd.f32 $1.428571490e-01, v20;
	v10 =	vmovc v14  }
0x105: {  	v14 =	vmin.f32 v16, v18;
	v16 =	vld [tilespmem:s22+$0x0];
	v15 =	vpop (erf);
	v8 =	vadd.f32 $3.333333430e-01, v8;
	v17 =	vadd.f32 v17, v0  }
.Ltmp2:
0x106: {  	v14 =	vsub.f32 v14, v3;
	v0 =	vmovc v2;
	v2 =	vmovc v4;
	v18 =	vld [tilespmem:s22+$0x8000];
	v21 =	vadd.f32 $2.000000000e+00, v15;
	v25 =	vmul.f32 $9.090909360e-02, v13;
	(pc) =	sbr.rel @p0 .LBB2_6-.Ltmp2, $4  }
0x107: {  	v4 =	vmovc v5;
	v20 =	vmul.f32 v20, v12;
	v8 =	vmul.f32 v8, v19;
	v11 =	vadd.f32 v17, v11  }
0x108: {  	v5 =	vmovc v1;
	v1 =	vmovc v6;
	v17 =	vadd.f32 v22, v22;
	(erf) = vrcp.f32 v21;
	v25 =	vadd.f32 $1.111111120e-01, v25  }
0x109: {  	v21 =	vmul.f32 $1.442695020e+00, v14;
	v22 =	vadd.f32 $2.000000030e-01, v20;
	v6 =	vpop (erf);
	v19 =	vadd.f32 $1.000000000e+00, v8  }
0x10a: {  	s21 =	sadd.s32 $0x40, s21;
	v7 =	vadd.f32 v16, v7;
	v14 =	vmul.f32 v6, v24;
	v20 =	vmul.f32 v25, v13;
	v6 =	vmovc v23  }
0x10b: {  	_ = 	snop  }
0x10c: {  	v8 =	vmax.f32 v16, v18;
	v16 =	vmin.f32 v16, v18  }
0x10d: {  	v16 =	vsub.f32 v16, v8;
	v18 =	vpop (erf)  }
0x10e: {  	v23 =	vadd.f32 $2.000000000e+00, v18  }
0x10f: {  	(erf) = vpow2.f32 v21;
	v16 =	vmul.f32 $1.442695020e+00, v16  }
0x110: {  	(erf) = vrcp.f32 v23  }
0x111: {  	(erf) = vpow2.f32 v16;
	_ =	sdelay $0x5  }
0x112: {  	v16 =	vpop (erf)  }
0x113: {  	v21 =	vpop (erf)  }
0x114: {  	v23 =	vpop (erf)  }
0x115: {  	v24 =	vadd.f32 $2.000000000e+00, v21;
	v25 =	vpop (erf)  }
0x116: {  	v26 =	vadd.f32 $2.000000000e+00, v25  }
0x117: {  	(erf) = vrcp.f32 v24  }
0x118: {  	(erf) = vrcp.f32 v26;
	_ =	sdelay $0x5  }
0x119: {  	v22 =	vmul.f32 v22, v12;
	v20 =	vadd.f32 $1.428571490e-01, v20  }
0x11a: {  	v56 =	vmul.f32 v14, v14  }
0x11b: {  	v22 =	vadd.f32 $3.333333430e-01, v22;
	v20 =	vmul.f32 v20, v13;
	v57 =	vpop (erf)  }
0x11c: {  	v28 =	vmul.f32 $9.090909360e-02, v56;
	v27 =	vpop (erf)  }
0x11d: {  	v17 =	vmul.f32 v19, v17;
	v12 =	vmul.f32 v22, v12;
	v19 =	vadd.f32 $2.000000030e-01, v20;
	_ =	swait.ge [sflag:s17], $0x4000  }
0x11e: {  	v22 =	vadd.f32 $1.111111120e-01, v28;
	v15 =	vmul.f32 v16, v15;
	[sflag:s17] =	ssyncset.done $0x0  }
0x11f: {  	v9 =	vadd.f32 v9, v9;
	v12 =	vadd.f32 $1.000000000e+00, v12;
	v19 =	vmul.f32 v19, v13;
	[sflag:s17] =	ssyncadd.s32 $0xFFFFC000  }
0x120: {  	v16 =	vmul.f32 v22, v56;
	v20 =	vmul.f32 v15, v15;
	_ =	swait.ge [sflag:s17], $0x4000  }
0x121: {  	v0 =	vadd.f32 v17, v0;
	v9 =	vmul.f32 v12, v9;
	v17 =	vadd.f32 $3.333333430e-01, v19;
	[sflag:s17] =	ssyncset.done $0x0  }
0x122: {  	s21 =	simm.s32 $0x0;
	v12 =	vadd.f32 $1.428571490e-01, v16;
	v19 =	vmul.f32 $9.090909360e-02, v20;
	[sflag:s17] =	ssyncadd.s32 $0xFFFFC000  }
0x123: {  	v0 =	vadd.f32 v0, v11;
	v9 =	vadd.f32 v9, v2;
	v16 =	vld [tilespmem:s21+$0x4000]  }
0x124: {  	v11 =	vmul.f32 v17, v13;
	v2 =	vmul.f32 v12, v56;
	v12 =	vadd.f32 $1.111111120e-01, v19;
	v22 =	vld [tilespmem:s21+$0xC000]  }
0x125: {  	v10 =	vadd.f32 v10, v10;
	v13 =	vmul.f32 v23, v18  }
0x126: {  	v11 =	vadd.f32 $1.000000000e+00, v11;
	v2 =	vadd.f32 $2.000000030e-01, v2;
	v12 =	vmul.f32 v12, v20  }
0x127: {  	v14 =	vadd.f32 v14, v14;
	v9 =	vadd.f32 v9, v0;
	v17 =	vmul.f32 v13, v13  }
0x128: {  	v0 =	vmul.f32 v11, v10;
	v18 =	vmul.f32 v2, v56;
	v12 =	vadd.f32 $1.428571490e-01, v12  }
0x129: {  	s24 =	simm.s32 $0x10;
	v2 =	vmax.f32 v16, v22;
	v19 =	vmin.f32 v16, v22;
	v22 =	vmul.f32 $9.090909360e-02, v17  }
0x12a: {  	v10 =	vadd.f32 $3.333333430e-01, v18;
	v12 =	vmul.f32 v12, v20;
	v11 =	vld [tilespmem:s24+$0x4000];
	v19 =	vsub.f32 v19, v2  }
0x12b: {  	v4 =	vadd.f32 v0, v4;
	v18 =	vadd.f32 $1.111111120e-01, v22;
	v22 =	vld [tilespmem:s24+$0xC000]  }
0x12c: {  	v0 =	vmul.f32 v10, v56;
	v12 =	vadd.f32 $2.000000030e-01, v12;
	v19 =	vmul.f32 $1.442695020e+00, v19  }
0x12d: {  	v9 =	vadd.f32 v4, v9;
	v10 =	vmul.f32 v57, v21;
	v18 =	vmul.f32 v18, v17  }
0x12e: {  	v12 =	vmul.f32 v12, v20;
	(erf) = vpow2.f32 v19;
	v19 =	vadd.f32 $1.000000000e+00, v0  }
0x12f: {  	s25 =	simm.s32 $0x20;
	v21 =	vmul.f32 v10, v10;
	v23 =	vmul.f32 v27, v25;
	v18 =	vadd.f32 $1.428571490e-01, v18  }
0x130: {  	v58 =	vld [tilespmem:s25+$0x4000];
	v0 =	vmax.f32 v11, v22;
	v22 =	vmin.f32 v11, v22;
	v14 =	vmul.f32 v19, v14  }
0x131: {  	v59 =	vld [tilespmem:s25+$0xC000];
	v22 =	vsub.f32 v22, v0;
	v4 =	vmul.f32 v18, v17;
	v18 =	vmul.f32 v23, v23  }
0x132: {  	v12 =	vadd.f32 $3.333333430e-01, v12;
	v19 =	vmul.f32 $9.090909360e-02, v21  }
0x133: {  	v5 =	vadd.f32 v14, v5;
	v14 =	vmul.f32 $1.442695020e+00, v22;
	v22 =	vmul.f32 $9.090909360e-02, v18  }
0x134: {  	v15 =	vadd.f32 v15, v15;
	v12 =	vmul.f32 v12, v20  }
0x135: {  	v13 =	vadd.f32 v13, v13;
	v19 =	vadd.f32 $1.111111120e-01, v19;
	(erf) = vpow2.f32 v14  }
0x136: {  	v12 =	vadd.f32 $1.000000000e+00, v12;
	v25 =	vmin.f32 v58, v59;
	v4 =	vadd.f32 $2.000000030e-01, v4  }
0x137: {  	s26 =	simm.s32 $0x30;
	v7 =	vadd.f32 v16, v7;
	v14 =	vmul.f32 v19, v21;
	v20 =	vadd.f32 $1.111111120e-01, v22;
	v22 =	vpop (erf)  }
0x138: {  	v61 =	vld [tilespmem:s26+$0x4000];
	v19 =	vmul.f32 v4, v17;
	v4 =	vmax.f32 v58, v59;
	v60 =	vadd.f32 $2.000000000e+00, v22  }
0x139: {  	v62 =	vld [tilespmem:s26+$0xC000];
	v25 =	vsub.f32 v25, v4;
	v14 =	vadd.f32 $1.428571490e-01, v14;
	v20 =	vmul.f32 v20, v18  }
0x13a: {  	v5 =	vadd.f32 v5, v9;
	v9 =	vmul.f32 v12, v15;
	(erf) = vrcp.f32 v60  }
0x13b: {  	v25 =	vmul.f32 $1.442695020e+00, v25;
	v14 =	vmul.f32 v14, v21;
	v20 =	vadd.f32 $1.428571490e-01, v20  }
0x13c: {  	v9 =	vadd.f32 v9, v1;
	v19 =	vadd.f32 $3.333333430e-01, v19  }
0x13d: {  	v14 =	vadd.f32 $2.000000030e-01, v14;
	v15 =	vmul.f32 v20, v18;
	(erf) = vpow2.f32 v25  }
0x13e: {  	v1 =	vmax.f32 v61, v62;
	v12 =	vmul.f32 v19, v17;
	v19 =	vmin.f32 v61, v62;
	v17 =	vpop (erf)  }
0x13f: {  	v14 =	vmul.f32 v14, v21;
	v15 =	vadd.f32 $2.000000030e-01, v15;
	v20 =	vadd.f32 $2.000000000e+00, v17  }
0x140: {  	v19 =	vsub.f32 v19, v1;
	v12 =	vadd.f32 $1.000000000e+00, v12  }
0x141: {  	s28 =	simm.s32 $0x40;
	v7 =	vadd.f32 v11, v7;
	v14 =	vadd.f32 $3.333333430e-01, v14;
	v15 =	vmul.f32 v15, v18  }
0x142: {  	v5 =	vadd.f32 v9, v5;
	v19 =	vmul.f32 $1.442695020e+00, v19;
	v9 =	vmul.f32 v12, v13;
	v12 =	vld [tilespmem:s28+$0x4000]  }
0x143: {  	(erf) = vrcp.f32 v20;
	v13 =	vmul.f32 v14, v21;
	v14 =	vadd.f32 $3.333333430e-01, v15;
	v15 =	vld [tilespmem:s28+$0xC000];
	v20 =	vpop (erf)  }
0x144: {  	v6 =	vadd.f32 v9, v6;
	(erf) = vpow2.f32 v19;
	v20 =	vmul.f32 v20, v22  }
0x145: {  	v9 =	vadd.f32 v10, v10;
	v10 =	vadd.f32 $1.000000000e+00, v13;
	v13 =	vmul.f32 v14, v18  }
0x146: {  	v6 =	vadd.f32 v6, v5;
	v14 =	vadd.f32 v23, v23;
	v19 =	vpop (erf);
	v18 =	vmul.f32 v20, v20  }
0x147: {  	v9 =	vmul.f32 v10, v9;
	v10 =	vadd.f32 $1.000000000e+00, v13;
	v13 =	vadd.f32 $2.000000000e+00, v19  }
0x148: {  	s29 =	simm.s32 $0x50;
	v5 =	vmax.f32 v12, v15;
	v15 =	vmin.f32 v12, v15;
	v21 =	vmul.f32 $9.090909360e-02, v18  }
0x149: {  	v16 =	vld [tilespmem:s29+$0x4000];
	v15 =	vsub.f32 v15, v5;
	(erf) = vrcp.f32 v13;
	v3 =	vadd.f32 v9, v3  }
0x14a: {  	v13 =	vld [tilespmem:s29+$0xC000];
	v10 =	vmul.f32 v10, v14;
	v21 =	vadd.f32 $1.111111120e-01, v21  }
0x14b: {  	v11 =	vmul.f32 $1.442695020e+00, v15;
	v6 =	vadd.f32 v3, v6;
	v3 =	vadd.f32 v58, v7  }
0x14c: {  	v7 =	vadd.f32 v10, v8;
	v9 =	vpop (erf);
	v14 =	vmul.f32 v21, v18  }
0x14d: {  	v9 =	vmul.f32 v9, v17;
	(erf) = vpow2.f32 v11;
	v11 =	vadd.f32 v61, v3;
	v22 =	vpop (erf)  }
0x14e: {  	s30 =	simm.s32 $0x60;
	v8 =	vadd.f32 $1.428571490e-01, v14;
	v14 =	vadd.f32 $2.000000000e+00, v22  }
0x14f: {  	v17 =	vld [tilespmem:s30+$0x4000];
	v3 =	vmax.f32 v16, v13;
	v13 =	vmin.f32 v16, v13;
	v10 =	vmul.f32 v9, v9  }
0x150: {  	v21 =	vld [tilespmem:s30+$0xC000];
	v11 =	vadd.f32 v12, v11;
	v12 =	vsub.f32 v13, v3  }
0x151: {  	v15 =	vmul.f32 $9.090909360e-02, v10;
	v8 =	vmul.f32 v8, v18  }
0x152: {  	v11 =	vadd.f32 v16, v11;
	v16 =	vmul.f32 $1.442695020e+00, v12;
	(erf) = vrcp.f32 v14;
	v14 =	vpop (erf)  }
0x153: {  	v13 =	vadd.f32 $1.111111120e-01, v15;
	v15 =	vadd.f32 $2.000000030e-01, v8;
	v8 =	vmul.f32 v14, v19  }
0x154: {  	v12 =	vadd.f32 v7, v6;
	v23 =	vadd.f32 v17, v11  }
0x155: {  	v6 =	vmax.f32 v17, v21;
	(erf) = vpow2.f32 v16;
	v11 =	vmul.f32 v8, v8  }
0x156: {  	v16 =	vmin.f32 v17, v21;
	v7 =	vmul.f32 v13, v10;
	v13 =	vmul.f32 v15, v18  }
0x157: {  	s31 =	simm.s32 $0x70;
	v16 =	vsub.f32 v16, v6;
	v19 =	vmul.f32 $9.090909360e-02, v11  }
0x158: {  	v15 =	vld [tilespmem:s31+$0x4000];
	v14 =	vpop (erf);
	v7 =	vadd.f32 $1.428571490e-01, v7;
	v13 =	vadd.f32 $3.333333430e-01, v13  }
0x159: {  	v17 =	vadd.f32 $2.000000000e+00, v14;
	v63 =	vadd.f32 $1.111111120e-01, v19;
	v19 =	vmul.f32 $1.442695020e+00, v16;
	v16 =	vld [tilespmem:s31+$0xC000]  }
0x15a: {  	v7 =	vmul.f32 v7, v10;
	v13 =	vmul.f32 v13, v18  }
0x15b: {  	(erf) = vrcp.f32 v17;
	v17 =	vadd.f32 v20, v20  }
0x15c: {  	v20 =	vpop (erf);
	v21 =	vadd.f32 $2.000000030e-01, v7;
	v18 =	vadd.f32 $1.000000000e+00, v13  }
0x15d: {  	s21 =	simm.s32 $0x200;
	v7 =	vadd.f32 v15, v23;
	v13 =	vmul.f32 v20, v22;
	v20 =	vmul.f32 v63, v11  }
.LBB2_8:
0x15e: {  	v21 =	vmul.f32 v21, v10;
	v17 =	vmul.f32 v18, v17;
	v22 =	vmovc v6;
	v6 =	vmax.f32 v15, v16  }
0x15f: {  	p0 =	sne.s32 s21, $0xFFC0;
	v18 =	vmovc v10;
	v10 =	vmovc v11;
	v23 =	vmov v14;
	v24 =	vmov v9;
	v9 =	vmov v8  }
0x160: {  	s22 =	sshra.s32 s21, $0x2;
	(erf) = vpow2.f32 v19;
	v11 =	vmul.f32 v13, v13;
	v19 =	vadd.f32 $1.428571490e-01, v20;
	v8 =	vmovc v13  }
0x161: {  	v13 =	vmin.f32 v15, v16;
	v15 =	vld [tilespmem:s22+$0x4000];
	v14 =	vpop (erf);
	v20 =	vadd.f32 $3.333333430e-01, v21;
	v17 =	vadd.f32 v17, v2  }
.Ltmp3:
0x162: {  	v13 =	vsub.f32 v13, v6;
	v2 =	vmovc v0;
	v0 =	vmovc v4;
	v16 =	vld [tilespmem:s22+$0xC000];
	v21 =	vadd.f32 $2.000000000e+00, v14;
	v25 =	vmul.f32 $9.090909360e-02, v11;
	(pc) =	sbr.rel @p0 .LBB2_8-.Ltmp3, $4  }
0x163: {  	v4 =	vmovc v1;
	v26 =	vmul.f32 v19, v10;
	v18 =	vmul.f32 v20, v18;
	v12 =	vadd.f32 v17, v12  }
0x164: {  	v1 =	vmovc v5;
	v5 =	vmovc v3;
	v17 =	vadd.f32 v24, v24;
	(erf) = vrcp.f32 v21;
	v20 =	vadd.f32 $1.111111120e-01, v25  }
0x165: {  	v19 =	vmul.f32 $1.442695020e+00, v13;
	v21 =	vadd.f32 $2.000000030e-01, v26;
	v3 =	vpop (erf);
	v18 =	vadd.f32 $1.000000000e+00, v18  }
0x166: {  	s21 =	sadd.s32 $0x40, s21;
	v7 =	vadd.f32 v15, v7;
	v13 =	vmul.f32 v3, v23;
	v20 =	vmul.f32 v20, v11;
	v3 =	vmovc v22  }
0x167: {  	_ = 	snop  }
0x168: {  	v22 =	vmax.f32 v15, v16;
	v51 =	vmin.f32 v15, v16  }
0x169: {  	v15 =	vsub.f32 v51, v22;
	v52 =	vpop (erf)  }
0x16a: {  	v23 =	vadd.f32 $2.000000000e+00, v52  }
0x16b: {  	(erf) = vpow2.f32 v19;
	v15 =	vmul.f32 $1.442695020e+00, v15  }
0x16c: {  	(erf) = vrcp.f32 v23  }
0x16d: {  	(erf) = vpow2.f32 v15;
	_ =	sdelay $0x5  }
0x16e: {  	v53 =	vpop (erf)  }
0x16f: {  	v19 =	vpop (erf)  }
0x170: {  	v54 =	vadd.f32 $2.000000000e+00, v19;
	v24 =	vpop (erf)  }
0x171: {  	v25 =	vpop (erf)  }
0x172: {  	(erf) = vrcp.f32 v54;
	v55 =	vadd.f32 $2.000000000e+00, v25  }
0x173: {  	v21 =	vmul.f32 v21, v10  }
0x174: {  	v26 =	vmul.f32 v13, v13;
	v20 =	vadd.f32 $1.428571490e-01, v20;
	(erf) = vrcp.f32 v55  }
0x175: {  	v17 =	vmul.f32 v18, v17  }
0x176: {  	v57 =	vadd.f32 $3.333333430e-01, v21;
	v56 =	vmul.f32 $9.090909360e-02, v26;
	v20 =	vmul.f32 v20, v11  }
0x177: {  	v9 =	vadd.f32 v9, v9;
	v8 =	vadd.f32 v8, v8;
	v14 =	vmul.f32 v53, v14  }
0x178: {  	v59 =	vmul.f32 v57, v10;
	v58 =	vadd.f32 $1.111111120e-01, v56;
	v60 =	vadd.f32 $2.000000030e-01, v20  }
0x179: {  	v2 =	vadd.f32 v17, v2;
	v62 =	vmul.f32 v14, v14;
	v16 =	vmul.f32 v24, v52  }
0x17a: {  	v10 =	vadd.f32 $1.000000000e+00, v59;
	v61 =	vmul.f32 v58, v26;
	v15 =	vmul.f32 v60, v11  }
0x17b: {  	v45 =	vadd.f32 v13, v13;
	v63 =	vmul.f32 $9.090909360e-02, v62;
	v24 =	vmul.f32 v16, v16;
	v27 =	vpop (erf)  }
0x17c: {  	v2 =	vadd.f32 v2, v12;
	v9 =	vmul.f32 v10, v9;
	v29 =	vmul.f32 v27, v19  }
0x17d: {  	v17 =	vadd.f32 $1.428571490e-01, v61;
	v18 =	vadd.f32 $1.111111120e-01, v63;
	v30 =	vmul.f32 $9.090909360e-02, v24;
	v31 =	vpop (erf)  }
0x17e: {  	v28 =	vadd.f32 $3.333333430e-01, v15;
	v32 =	vmul.f32 v29, v29;
	v21 =	vmul.f32 v31, v25  }
0x17f: {  	v0 =	vadd.f32 v9, v0;
	v17 =	vmul.f32 v17, v26;
	v33 =	vmul.f32 v18, v62  }
0x180: {  	v34 =	vadd.f32 $1.111111120e-01, v30;
	v35 =	vmul.f32 $9.090909360e-02, v32;
	v36 =	vmul.f32 v21, v21  }
0x181: {  	v10 =	vmul.f32 v28, v11;
	v0 =	vadd.f32 v0, v2;
	v11 =	vadd.f32 $1.428571490e-01, v33  }
0x182: {  	v18 =	vmul.f32 v34, v24;
	v2 =	vadd.f32 $1.111111120e-01, v35;
	v37 =	vmul.f32 $9.090909360e-02, v36  }
0x183: {  	v50 =	vadd.f32 v14, v14;
	v17 =	vadd.f32 $2.000000030e-01, v17;
	v11 =	vmul.f32 v11, v62  }
0x184: {  	v18 =	vadd.f32 $1.428571490e-01, v18;
	v2 =	vmul.f32 v2, v32;
	v23 =	vadd.f32 $1.111111120e-01, v37  }
0x185: {  	v10 =	vadd.f32 $1.000000000e+00, v10;
	v17 =	vmul.f32 v17, v26;
	v38 =	vadd.f32 $2.000000030e-01, v11  }
0x186: {  	v39 =	vmul.f32 v18, v24;
	v2 =	vadd.f32 $1.428571490e-01, v2;
	v40 =	vmul.f32 v23, v36  }
0x187: {  	v8 =	vmul.f32 v10, v8;
	v17 =	vadd.f32 $3.333333430e-01, v17;
	v41 =	vmul.f32 v38, v62  }
0x188: {  	v42 =	vadd.f32 $2.000000030e-01, v39;
	v2 =	vmul.f32 v2, v32;
	v44 =	vadd.f32 $1.428571490e-01, v40  }
0x189: {  	v4 =	vadd.f32 v8, v4;
	v43 =	vmul.f32 v17, v26;
	v8 =	vadd.f32 $3.333333430e-01, v41  }
0x18a: {  	v10 =	vmul.f32 v42, v24;
	v2 =	vadd.f32 $2.000000030e-01, v2;
	v17 =	vmul.f32 v44, v36  }
0x18b: {  	v52 =	vadd.f32 v16, v16;
	v11 =	vadd.f32 $1.000000000e+00, v43;
	v46 =	vmul.f32 v8, v62  }
0x18c: {  	v47 =	vadd.f32 $3.333333430e-01, v10;
	v2 =	vmul.f32 v2, v32;
	v49 =	vadd.f32 $2.000000030e-01, v17  }
0x18d: {  	v0 =	vadd.f32 v4, v0;
	v48 =	vmul.f32 v11, v45;
	v4 =	vadd.f32 $1.000000000e+00, v46  }
0x18e: {  	v8 =	vmul.f32 v47, v24;
	v2 =	vadd.f32 $3.333333430e-01, v2;
	v51 =	vmul.f32 v49, v36  }
0x18f: {  	v1 =	vadd.f32 v48, v1;
	v56 =	vadd.f32 v29, v29;
	v4 =	vmul.f32 v4, v50  }
0x190: {  	v8 =	vadd.f32 $1.000000000e+00, v8;
	v2 =	vmul.f32 v2, v32;
	v53 =	vadd.f32 $3.333333430e-01, v51  }
0x191: {  	v0 =	vadd.f32 v1, v0;
	v54 =	vadd.f32 v4, v5  }
0x192: {  	v55 =	vmul.f32 v8, v52;
	v2 =	vadd.f32 $1.000000000e+00, v2;
	v57 =	vmul.f32 v53, v36  }
0x193: {  	v59 =	vadd.f32 v21, v21;
	v0 =	vadd.f32 v54, v0  }
0x194: {  	v58 =	vadd.f32 v55, v3;
	v2 =	vmul.f32 v2, v56;
	v60 =	vadd.f32 $1.000000000e+00, v57;
	_ =	sdelay $0x1  }
0x195: {  	v0 =	vadd.f32 v58, v0;
	v61 =	vadd.f32 v2, v6;
	v62 =	vmul.f32 v60, v59;
	_ =	sdelay $0x1  }
0x196: {  	v0 =	vadd.f32 v61, v0;
	v63 =	vadd.f32 v62, v22;
	_ =	sdelay $0x1  }
0x197: {  	s20 =	sadd.s32 $0x1, s20;
	v0 =	vadd.f32 v63, v0  }
0x198: {  	[tilespmem:$0x10010] =	vst v7;
	p0 =	sne.s32 s20, s12  }
.Ltmp4:
0x199: {  	[tilespmem:$0x10000] =	vst v0;
	(pc) =	sbr.rel @p0 .LBB2_1-.Ltmp4, $4  }
0x19a: {  	[hbm4b:s11+s2] =	stream.linear.scatter [tilespmem:s18], [sflag:$0x3], $0x20, $0x38;
	[tilespmem:$0x10080] =	vst v63  }
0x19b: {  	_ =	swait.ge [sflag:s19], $0x20  }
0x19c: {  	[sflag:s19] =	ssyncset.done $0x0  }
0x19d: {  	[sflag:s19] =	ssyncadd.s32 $0xFFFFFFE0  }
0x19e: {  	_ =	sfence.sel $0x180000  }
0x19f: {  	[bflag:$0x0] =	sbarrier.arrive $0xFFFF  }
0x1a0: {  	p0 =	sne.s32 s1, $0x0;
	_ =	strace $0x90000047  }
0x1a1: {  	s0 =	sadd.s32 @!p0 $0x100000, s0;
	[bflag:$0x2] =	sbarrier.arrive $0xFFFF  }
0x1a2: {  	[sflag:s0] =	ssyncadd.tile.s32 @!p0 $0x1;
	_ =	shalt  }
.Lfunc_end2:
_tile_overlayer_lowered:
.L_overlay_start_2:
0x1a3: {  	(tag) =	ssettag $0x2  }
0x1a4: {  	s0 =	rddreg [dreg:$0x0];
	s2 =	stileid.u32  }
0x1a5: {  	s1 =	rddreg [dreg:$0x1];
	p0 =	sne.s32 s2, $0x0  }
0x1a6: {  	s3 =	rddreg [dreg:$0x2];
	[bflag:$0x3] =	sbarrier.arrive $0xFFFF;
	s2 =	simm.s32 @!p0 $0x1C03  }
0x1a7: {  	[timem:s3], [sflag:s2] =	dma.local @!p0 [hbm:s0], s1  }
0x1a8: {  	s0 =	simm.s32 @!p0 $0x3  }
0x1a9: {  	_ =	swait.ge @!p0 [sflag:s0], s1  }
0x1aa: {  	s1 =	ssub.s32 @!p0 $0x0, s1;
	[sflag:s0] =	ssyncset.done @!p0 $0x0  }
0x1ab: {  	[sflag:s0] =	ssyncadd.s32 @!p0 s1  }
0x1ac: {  	[bflag:$0x3] =	sbarrier.arrive $0xFFFF  }
0x1ad: {  	_ =	shalt  }

</sc_bundles>
